<compile_context>
chip_gen: v7x
topology: tpu7x:2x2x1
jax: 0.10.2.dev20260603
libtpu: 0.0.44.dev20260713+nightly
codegen_flags: <defaults>
</compile_context>

<pallas_src>
import dataclasses
import functools

import jax
import jax.numpy as jnp
from jax import lax
from jax.experimental import pallas as pl
from jax.experimental.pallas import tpu as pltpu
from jax.experimental.pallas import tpu_sc as plsc

_SIGNIF_ARG = 0.1
_L = 16

_W1, _W2, _W3 = 11, 11, 9
_NB1, _NB2, _NB3 = 1 << _W1, 1 << _W2, 1 << _W3
_S1, _S2 = _W2 + _W3, _W3


def _sc_select(hist, totals_ref, nbins, rank, lane):
    nchunks = nbins // _L

    @plsc.parallel_loop(0, nchunks, unroll=8)
    def _(j):
        totals_ref[j] = jnp.sum(hist[pl.ds(j * _L, _L)])

    def body(j, carry):
        found, jc, r_c, cum = carry
        jj = nchunks - 1 - j
        t = totals_ref[jj]
        hit = (found == 0) & ((cum + t) >= rank)
        return (
            jnp.where(hit, 1, found),
            jnp.where(hit, jj, jc),
            jnp.where(hit, rank - cum, r_c),
            cum + t,
        )

    zero = jnp.int32(0)
    found, jc, r_c, _ = lax.fori_loop(
        0, nchunks, body, (zero, zero, zero, zero), unroll=4
    )

    c = hist[pl.ds(jc * _L, _L)]
    pre = plsc.cumsum(c)
    total = pre[_L - 1]
    suf = (total - pre) + c
    ge = suf >= r_c
    npc = plsc.all_reduce_population_count(ge)[0]
    istar = npc - 1
    pre_i = jnp.sum(jnp.where(lane == istar, pre, 0))
    b = jc * _L + istar
    r_in = r_c - (total - pre_i)
    return found, b, r_in


def _sc_zero(hist_ref, nbins):
    zeros = jnp.zeros((_L,), jnp.int32)

    @plsc.parallel_loop(0, nbins // _L, unroll=8)
    def _(i):
        hist_ref[pl.ds(i * _L, _L)] = zeros


def _sc_row_select(k, nsteps, row_f, bits_v, hist, totals, lane, ones):
    _sc_zero(hist, _NB1)

    @plsc.parallel_loop(0, nsteps, unroll=8)
    def _(i):
        v = row_f[pl.ds(i * _L, _L)]
        b = plsc.bitcast(v, jnp.int32) & jnp.int32(0x7FFFFFFF)
        finite = (b & jnp.int32(0x7F800000)) != jnp.int32(0x7F800000)
        b = jnp.where(finite, b, jnp.int32(-1))
        bits_v[pl.ds(i * _L, _L)] = b
        plsc.addupdate_scatter(
            hist, [lax.shift_right_arithmetic(b, _S1)], ones, mask=finite
        )

    f1, b1, r1 = _sc_select(hist, totals, _NB1, jnp.int32(k), lane)

    _sc_zero(hist, _NB2)

    @plsc.parallel_loop(0, nsteps, unroll=8)
    def _(i):
        b = bits_v[pl.ds(i * _L, _L)]
        m = lax.shift_right_arithmetic(b, _S1) == b1
        idx = lax.shift_right_arithmetic(b, _S2) & jnp.int32(_NB2 - 1)
        plsc.addupdate_scatter(hist, [idx], ones, mask=m)

    f2, b2, r2 = _sc_select(hist, totals, _NB2, r1, lane)

    _sc_zero(hist, _NB3)
    pfx2 = (b1 << _W2) | b2

    @plsc.parallel_loop(0, nsteps, unroll=8)
    def _(i):
        b = bits_v[pl.ds(i * _L, _L)]
        m = lax.shift_right_arithmetic(b, _S2) == pfx2
        idx = b & jnp.int32(_NB3 - 1)
        plsc.addupdate_scatter(hist, [idx], ones, mask=m)

    f3, b3, _ = _sc_select(hist, totals, _NB3, r2, lane)

    thr = (pfx2 << _W3) | b3
    return jnp.where((f1 == 1) & (f2 == 1) & (f3 == 1), thr, 0)


def _sc_threshold_kernel(
    n, k, delta_hbm, thr_hbm, buf0, buf1, bits_v, hist, totals, obuf, sem0, sem1
):
    nsteps = n // _L
    ones = jnp.full((_L,), 1, jnp.int32)
    lane = lax.iota(jnp.int32, _L)
    wid = lax.axis_index("subcore") * 2 + lax.axis_index("core")

    row0 = wid * 2
    copy0 = pltpu.async_copy(delta_hbm.at[row0], buf0, sem0)
    copy1 = pltpu.async_copy(delta_hbm.at[row0 + 1], buf1, sem1)

    copy0.wait()
    thr = _sc_row_select(k, nsteps, buf0, bits_v, hist, totals, lane, ones)
    obuf[...] = ones * thr
    pltpu.async_copy(obuf, thr_hbm.at[row0], sem0).wait()

    copy1.wait()
    thr = _sc_row_select(k, nsteps, buf1, bits_v, hist, totals, lane, ones)
    obuf[...] = ones * thr
    pltpu.async_copy(obuf, thr_hbm.at[row0 + 1], sem1).wait()


def _aux_kernel(delta_ref, dir_ref, rank_ref, valid_ref):
    d = delta_ref[...]
    dir_ref[...] = (d > 0).astype(jnp.int32)
    rank_ref[...] = jnp.abs(d)
    valid_ref[...] = jnp.isfinite(d).astype(jnp.int8)


def _sig_kernel(delta_ref, thr_ref, sig_ref):
    d = delta_ref[...]
    thr = thr_ref[...][:, :1]
    valid = jnp.isfinite(d)
    bits = lax.bitcast_convert_type(jnp.abs(d), jnp.int32)
    bits = jnp.where(valid, bits, -1)
    sig_ref[...] = ((bits >= thr) & valid).astype(jnp.int8)


def kernel(delta):
    B, N = delta.shape
    k = max(1, int(N * _SIGNIF_ARG))

    mesh = plsc.VectorSubcoreMesh(
        core_axis_name="core", subcore_axis_name="subcore"
    )
    cp = pltpu.CompilerParams()
    if "needs_layout_passes" in pltpu.CompilerParams.__dataclass_fields__:
        cp = dataclasses.replace(cp, needs_layout_passes=False)
    sc_thresh = pl.kernel(
        functools.partial(_sc_threshold_kernel, N, k),
        out_type=jax.ShapeDtypeStruct((B, _L), jnp.int32),
        mesh=mesh,
        compiler_params=cp,
        scratch_types=[
            pltpu.VMEM((N,), jnp.float32),
            pltpu.VMEM((N,), jnp.float32),
            pltpu.VMEM((N,), jnp.int32),
            pltpu.VMEM((_NB1,), jnp.int32),
            pltpu.SMEM((_NB1 // _L,), jnp.int32),
            pltpu.VMEM((_L,), jnp.int32),
            pltpu.SemaphoreType.DMA,
            pltpu.SemaphoreType.DMA,
        ],
    )
    thr = sc_thresh(delta)

    blk = 8192
    de_dir, rank_score, valid_mask = pl.pallas_call(
        _aux_kernel,
        grid=(N // blk,),
        in_specs=[pl.BlockSpec((B, blk), lambda j: (0, j))],
        out_specs=[pl.BlockSpec((B, blk), lambda j: (0, j)) for _ in range(3)],
        out_shape=[
            jax.ShapeDtypeStruct((B, N), jnp.int32),
            jax.ShapeDtypeStruct((B, N), jnp.float32),
            jax.ShapeDtypeStruct((B, N), jnp.int8),
        ],
    )(delta)

    sig_blk = 4096
    de_sig = pl.pallas_call(
        _sig_kernel,
        grid=(N // sig_blk,),
        in_specs=[
            pl.BlockSpec((B, sig_blk), lambda j: (0, j)),
            pl.BlockSpec((B, _L), lambda j: (0, 0)),
        ],
        out_specs=pl.BlockSpec((B, sig_blk), lambda j: (0, j)),
        out_shape=jax.ShapeDtypeStruct((B, N), jnp.int8),
    )(delta, thr)
    valid_bool = lax.optimization_barrier(valid_mask.astype(jnp.bool_))
    return (
        de_sig.astype(jnp.bool_),
        de_dir.astype(jnp.int64),
        rank_score,
        valid_bool,
    )

# --- scband reference (transcript-rebuilt; emitter-appended) ---
"""Pipeline reference for scband-absorbing-mask-md4-continuous-14070312862236 (READ-ONLY COPY).

The authoritative reference and input builder live on the scoring server;
editing this copy changes nothing except your own understanding.
"""

import jax, jax.numpy as jnp
import numpy as np

B = 64
N = 32768
SIGNIF_ARG = 0.1


def setup_inputs(seed: int = 0) -> dict:
    key = jax.random.key(seed)
    delta = jax.random.normal(key, (B, N), dtype=jnp.float32)
    return {"delta": delta}


def reference(delta):
    # Faithful port of AbsorbingMaskMD4Continuous.build_de_targets with
    # signif_mode='percentile', signif_arg=0.1, mlm_mask=None.
    abs_delta = jnp.abs(delta)
    valid_mask = jnp.isfinite(delta)
    n = delta.shape[1]
    # mlm_mask is None and randn deltas are always finite, so every row has
    # n valid entries -> per-row k = max(1, int(n * signif_arg)) is constant.
    k = max(1, int(n * SIGNIF_ARG))
    masked_vals = jnp.where(valid_mask, abs_delta, -jnp.inf)
    topv, _ = jax.lax.top_k(masked_vals, k)  # [B, k]
    thr = topv[:, -1:]  # k-th largest per row, matches vals.topk(k).values[-1]
    de_sig = (abs_delta >= thr) & valid_mask
    de_dir = (delta > 0).astype(jnp.int64)
    rank_score = abs_delta
    return (de_sig, de_dir, rank_score, valid_mask)

if __name__ == "__main__":
    import jax
    _d = setup_inputs()
    print(jax.jit(kernel)(*tuple(_d.values())))

</pallas_src>

<mosaic_0001>
#map = affine_map<(d0, d1) -> (0, 0)>
module attributes {stable_mosaic.version = 14 : i64} {
  func.func @_sc_threshold_kernel(%arg0: i32, %arg1: i32, %arg2: memref<64x32768xf32, #tpu.memory_space<hbm>>, %arg3: memref<64x16xi32, #tpu.memory_space<hbm>>, %arg4: memref<32768xf32, #tpu.memory_space<vmem>>, %arg5: memref<32768xf32, #tpu.memory_space<vmem>>, %arg6: memref<32768xi32, #tpu.memory_space<vmem>>, %arg7: memref<2048xi32, #tpu.memory_space<vmem>>, %arg8: memref<128xi32, #tpu.memory_space<smem>>, %arg9: memref<16xi32, #tpu.memory_space<vmem>>, %arg10: memref<!tpu.dma_semaphore, #tpu.memory_space<semaphore_mem>>, %arg11: memref<!tpu.dma_semaphore, #tpu.memory_space<semaphore_mem>>) attributes {dimension_semantics = [#tpu.dimension_semantics<core_parallel>, #tpu.dimension_semantics<subcore_parallel>], iteration_bounds = array<i64: 2, 16>, scalar_prefetch = 0 : i64, scratch_operands = 8 : i64, tpu.core_type = #tpu.core_type<sc_vector_subcore>, window_params = [{transform_indices = #map}, {transform_indices = #map}]} {
    %broadcast_in_dim3A = arith.constant 1 : i32
    %broadcast_in_dim3A_0 = vector.broadcast %broadcast_in_dim3A : i32 to vector<16xi32>
    %iota3A = tpu.iota {dimensions = array<i32: 0>} : vector<16xi32>
    %mul3A = arith.constant 2 : i32
    %mul3A_1 = arith.muli %arg1, %mul3A : i32
    %add3A = arith.addi %mul3A_1, %arg0 : i32
    %mul3A_2 = arith.constant 2 : i32
    %mul3A_3 = arith.muli %add3A, %mul3A_2 : i32
    %dma_start3A = arith.constant 0 : i32
    %dma_start3A_4 = tpu.memref_slice %arg2[%mul3A_3, %dma_start3A] : memref<64x32768xf32, #tpu.memory_space<hbm>> -> memref<1x32768xf32, #tpu.memory_space<hbm>>
    %dma_start3A_5 = tpu.memref_squeeze %dma_start3A_4 : memref<1x32768xf32, #tpu.memory_space<hbm>> -> memref<32768xf32, #tpu.memory_space<hbm>>
    %dma_start3A_6 = arith.constant 0 : i32
    %dma_start3A_7 = tpu.memref_slice %arg2[%mul3A_3, %dma_start3A_6] : memref<64x32768xf32, #tpu.memory_space<hbm>> -> memref<1x32768xf32, #tpu.memory_space<hbm>>
    %dma_start3A_8 = tpu.memref_squeeze %dma_start3A_7 : memref<1x32768xf32, #tpu.memory_space<hbm>> -> memref<32768xf32, #tpu.memory_space<hbm>>
    tpu.enqueue_dma source(%dma_start3A_8 : memref<32768xf32, #tpu.memory_space<hbm>>) target(%arg4 : memref<32768xf32, #tpu.memory_space<vmem>>) target_semaphore(%arg10 : memref<!tpu.dma_semaphore, #tpu.memory_space<semaphore_mem>>)
    %add3A_9 = arith.constant 1 : i32
    %add3A_10 = arith.addi %mul3A_3, %add3A_9 : i32
    %dma_start3A_11 = arith.constant 0 : i32
    %dma_start3A_12 = tpu.memref_slice %arg2[%add3A_10, %dma_start3A_11] : memref<64x32768xf32, #tpu.memory_space<hbm>> -> memref<1x32768xf32, #tpu.memory_space<hbm>>
    %dma_start3A_13 = tpu.memref_squeeze %dma_start3A_12 : memref<1x32768xf32, #tpu.memory_space<hbm>> -> memref<32768xf32, #tpu.memory_space<hbm>>
    %dma_start3A_14 = arith.constant 0 : i32
    %dma_start3A_15 = tpu.memref_slice %arg2[%add3A_10, %dma_start3A_14] : memref<64x32768xf32, #tpu.memory_space<hbm>> -> memref<1x32768xf32, #tpu.memory_space<hbm>>
    %dma_start3A_16 = tpu.memref_squeeze %dma_start3A_15 : memref<1x32768xf32, #tpu.memory_space<hbm>> -> memref<32768xf32, #tpu.memory_space<hbm>>
    tpu.enqueue_dma source(%dma_start3A_16 : memref<32768xf32, #tpu.memory_space<hbm>>) target(%arg5 : memref<32768xf32, #tpu.memory_space<vmem>>) target_semaphore(%arg11 : memref<!tpu.dma_semaphore, #tpu.memory_space<semaphore_mem>>)
    %dma_wait3A = arith.constant 0 : i32
    %dma_wait3A_17 = tpu.memref_slice %arg2[%mul3A_3, %dma_wait3A] : memref<64x32768xf32, #tpu.memory_space<hbm>> -> memref<1x32768xf32, #tpu.memory_space<hbm>>
    %dma_wait3A_18 = tpu.memref_squeeze %dma_wait3A_17 : memref<1x32768xf32, #tpu.memory_space<hbm>> -> memref<32768xf32, #tpu.memory_space<hbm>>
    %dma_wait3A_19 = arith.constant 0 : i32
    %dma_wait3A_20 = tpu.memref_slice %arg2[%mul3A_3, %dma_wait3A_19] : memref<64x32768xf32, #tpu.memory_space<hbm>> -> memref<1x32768xf32, #tpu.memory_space<hbm>>
    %dma_wait3A_21 = tpu.memref_squeeze %dma_wait3A_20 : memref<1x32768xf32, #tpu.memory_space<hbm>> -> memref<32768xf32, #tpu.memory_space<hbm>>
    tpu.wait_dma2 semaphore(%arg10 : memref<!tpu.dma_semaphore, #tpu.memory_space<semaphore_mem>>) src(%dma_wait3A_21 : memref<32768xf32, #tpu.memory_space<hbm>>) dst(%arg4 : memref<32768xf32, #tpu.memory_space<vmem>>)
    %broadcast_in_dim3A_22 = arith.constant 0 : i32
    %broadcast_in_dim3A_23 = vector.broadcast %broadcast_in_dim3A_22 : i32 to vector<16xi32>
    %parallel_loop3A = arith.constant 0 : i32
    %parallel_loop3A_24 = arith.constant 128 : i32
    %parallel_loop3A_25 = arith.constant 1 : i32
    scf.for %parallel_loop3A_403 = %parallel_loop3A to %parallel_loop3A_24 step %parallel_loop3A_25  : i32 {
      %parallel_loop3A_404 = arith.constant 16 : i32
      %parallel_loop3A_405 = arith.muli %parallel_loop3A_403, %parallel_loop3A_404 : i32
      %parallel_loop3A_406 = arith.index_cast %parallel_loop3A_405 : i32 to index
      %parallel_loop3A_407 = tpu.vector_load %arg7[%parallel_loop3A_406] {strides = array<i32>} : memref<2048xi32, #tpu.memory_space<vmem>>, vector<16xi32>,
      tpu.vector_store %arg7[%parallel_loop3A_406], %broadcast_in_dim3A_23 {strides = array<i32>} : memref<2048xi32, #tpu.memory_space<vmem>>, vector<16xi32>,
    } {sc.loop_unroll_factor = 8 : i64, sc.parallel_access}
    %parallel_loop3A_26 = arith.constant 0 : i32
    %parallel_loop3A_27 = arith.constant 2048 : i32
    %parallel_loop3A_28 = arith.constant 1 : i32
    scf.for %parallel_loop3A_403 = %parallel_loop3A_26 to %parallel_loop3A_27 step %parallel_loop3A_28  : i32 {
      %parallel_loop3A_404 = arith.constant 16 : i32
      %parallel_loop3A_405 = arith.muli %parallel_loop3A_403, %parallel_loop3A_404 : i32
      %parallel_loop3A_406 = arith.index_cast %parallel_loop3A_405 : i32 to index
      %parallel_loop3A_407 = tpu.vector_load %arg4[%parallel_loop3A_406] {strides = array<i32>} : memref<32768xf32, #tpu.memory_space<vmem>>, vector<16xf32>,
      %parallel_loop3A_408 = vector.bitcast %parallel_loop3A_407 : vector<16xf32> to vector<16xi32>
      %parallel_loop3A_409 = arith.constant 2147483647 : i32
      %parallel_loop3A_410 = vector.broadcast %parallel_loop3A_409 : i32 to vector<16xi32>
      %parallel_loop3A_411 = arith.andi %parallel_loop3A_408, %parallel_loop3A_410 : vector<16xi32>
      %parallel_loop3A_412 = arith.constant 2139095040 : i32
      %parallel_loop3A_413 = vector.broadcast %parallel_loop3A_412 : i32 to vector<16xi32>
      %parallel_loop3A_414 = arith.andi %parallel_loop3A_411, %parallel_loop3A_413 : vector<16xi32>
      %parallel_loop3A_415 = arith.constant 2139095040 : i32
      %parallel_loop3A_416 = vector.broadcast %parallel_loop3A_415 : i32 to vector<16xi32>
      %parallel_loop3A_417 = arith.cmpi ne, %parallel_loop3A_414, %parallel_loop3A_416 : vector<16xi32>
      %parallel_loop3A_418 = arith.constant -1 : i32
      %parallel_loop3A_419 = vector.broadcast %parallel_loop3A_418 : i32 to vector<16xi32>
      %parallel_loop3A_420 = arith.select %parallel_loop3A_417, %parallel_loop3A_411, %parallel_loop3A_419 : vector<16xi1>, vector<16xi32>
      %parallel_loop3A_421 = arith.constant 16 : i32
      %parallel_loop3A_422 = arith.muli %parallel_loop3A_403, %parallel_loop3A_421 : i32
      %parallel_loop3A_423 = arith.index_cast %parallel_loop3A_422 : i32 to index
      %parallel_loop3A_424 = tpu.vector_load %arg6[%parallel_loop3A_423] {strides = array<i32>} : memref<32768xi32, #tpu.memory_space<vmem>>, vector<16xi32>,
      tpu.vector_store %arg6[%parallel_loop3A_423], %parallel_loop3A_420 {strides = array<i32>} : memref<32768xi32, #tpu.memory_space<vmem>>, vector<16xi32>,
      %parallel_loop3A_425 = arith.constant 20 : i32
      %parallel_loop3A_426 = vector.broadcast %parallel_loop3A_425 : i32 to vector<16xi32>
      %parallel_loop3A_427 = arith.shrsi %parallel_loop3A_420, %parallel_loop3A_426 : vector<16xi32>
      tpu.vector_store_idx %arg7[%parallel_loop3A_427], %broadcast_in_dim3A_0 masked %parallel_loop3A_417 {add = true} : memref<2048xi32, #tpu.memory_space<vmem>>[vector<16xi32>], vector<16xi32>, vector<16xi1>
    } {sc.loop_unroll_factor = 8 : i64, sc.parallel_access}
    %parallel_loop3A_29 = arith.constant 0 : i32
    %parallel_loop3A_30 = arith.constant 128 : i32
    %parallel_loop3A_31 = arith.constant 1 : i32
    scf.for %parallel_loop3A_403 = %parallel_loop3A_29 to %parallel_loop3A_30 step %parallel_loop3A_31  : i32 {
      %parallel_loop3A_404 = arith.constant 16 : i32
      %parallel_loop3A_405 = arith.muli %parallel_loop3A_403, %parallel_loop3A_404 : i32
      %parallel_loop3A_406 = arith.index_cast %parallel_loop3A_405 : i32 to index
      %parallel_loop3A_407 = tpu.vector_load %arg7[%parallel_loop3A_406] {strides = array<i32>} : memref<2048xi32, #tpu.memory_space<vmem>>, vector<16xi32>,
      %parallel_loop3A_408 = arith.constant true
      %parallel_loop3A_409 = vector.broadcast %parallel_loop3A_408 : i1 to vector<16xi1>
      %parallel_loop3A_410 = tpu.scan <sum>, %parallel_loop3A_407 masked %parallel_loop3A_409 : vector<16xi32>, vector<16xi1> -> vector<16xi32>
      %parallel_loop3A_411 = vector.extract %parallel_loop3A_410[15] : i32 from vector<16xi32>
      %parallel_loop3A_412 = arith.index_cast %parallel_loop3A_403 : i32 to index
      %parallel_loop3A_413 = memref.load %arg8[%parallel_loop3A_412] : memref<128xi32, #tpu.memory_space<smem>>
      memref.store %parallel_loop3A_411, %arg8[%parallel_loop3A_412] : memref<128xi32, #tpu.memory_space<smem>>
    } {sc.loop_unroll_factor = 8 : i64, sc.parallel_access}
    %scan3A = arith.constant 3276 : i32
    %scan3A_32 = arith.constant 0 : i32
    %scan3A_33 = arith.constant 0 : i32
    %scan3A_34 = arith.constant 0 : i32
    %scan3A_35 = arith.constant 0 : i32
    %scan3A_36 = arith.constant 0 : i32
    %scan3A_37 = arith.constant 128 : i32
    %scan3A_38 = arith.addi %scan3A_36, %scan3A_37 : i32
    %scan3A_39 = arith.constant 4 : i32
    %scan3A_40:4 = scf.for %scan3A_403 = %scan3A_36 to %scan3A_38 step %scan3A_39 iter_args(%scan3A_404 = %scan3A_32, %scan3A_405 = %scan3A_33, %scan3A_406 = %scan3A_34, %scan3A_407 = %scan3A_35) -> (i32, i32, i32, i32)  : i32 {
      %sub3A_408 = arith.constant 127 : i32
      %sub3A_409 = arith.subi %sub3A_408, %scan3A_403 : i32
      %get3A_410 = arith.index_cast %sub3A_409 : i32 to index
      %get3A_411 = memref.load %arg8[%get3A_410] : memref<128xi32, #tpu.memory_space<smem>>
      %eq3A_412 = arith.constant 0 : i32
      %eq3A_413 = arith.cmpi eq, %scan3A_404, %eq3A_412 : i32
      %add3A_414 = arith.addi %scan3A_407, %get3A_411 : i32
      %ge3A_415 = arith.cmpi sge, %add3A_414, %scan3A : i32
      %and3A_416 = arith.andi %eq3A_413, %ge3A_415 : i1
      %jit3A_417 = arith.constant 1 : i32
      %select_n3A_418 = arith.select %and3A_416, %jit3A_417, %scan3A_404 : i32
      %select_n3A_419 = arith.select %and3A_416, %sub3A_409, %scan3A_405 : i32
      %sub3A_420 = arith.subi %scan3A, %scan3A_407 : i32
      %select_n3A_421 = arith.select %and3A_416, %sub3A_420, %scan3A_406 : i32
      %add3A_422 = arith.addi %scan3A_407, %get3A_411 : i32
      %scan3A_423 = arith.constant 1 : i32
      %scan3A_424 = arith.addi %scan3A_403, %scan3A_423 : i32
      %sub3A_425 = arith.constant 127 : i32
      %sub3A_426 = arith.subi %sub3A_425, %scan3A_424 : i32
      %get3A_427 = arith.index_cast %sub3A_426 : i32 to index
      %get3A_428 = memref.load %arg8[%get3A_427] : memref<128xi32, #tpu.memory_space<smem>>
      %eq3A_429 = arith.constant 0 : i32
      %eq3A_430 = arith.cmpi eq, %select_n3A_418, %eq3A_429 : i32
      %add3A_431 = arith.addi %add3A_422, %get3A_428 : i32
      %ge3A_432 = arith.cmpi sge, %add3A_431, %scan3A : i32
      %and3A_433 = arith.andi %eq3A_430, %ge3A_432 : i1
      %jit3A_434 = arith.constant 1 : i32
      %select_n3A_435 = arith.select %and3A_433, %jit3A_434, %select_n3A_418 : i32
      %select_n3A_436 = arith.select %and3A_433, %sub3A_426, %select_n3A_419 : i32
      %sub3A_437 = arith.subi %scan3A, %add3A_422 : i32
      %select_n3A_438 = arith.select %and3A_433, %sub3A_437, %select_n3A_421 : i32
      %add3A_439 = arith.addi %add3A_422, %get3A_428 : i32
      %scan3A_440 = arith.constant 2 : i32
      %scan3A_441 = arith.addi %scan3A_403, %scan3A_440 : i32
      %sub3A_442 = arith.constant 127 : i32
      %sub3A_443 = arith.subi %sub3A_442, %scan3A_441 : i32
      %get3A_444 = arith.index_cast %sub3A_443 : i32 to index
      %get3A_445 = memref.load %arg8[%get3A_444] : memref<128xi32, #tpu.memory_space<smem>>
      %eq3A_446 = arith.constant 0 : i32
      %eq3A_447 = arith.cmpi eq, %select_n3A_435, %eq3A_446 : i32
      %add3A_448 = arith.addi %add3A_439, %get3A_445 : i32
      %ge3A_449 = arith.cmpi sge, %add3A_448, %scan3A : i32
      %and3A_450 = arith.andi %eq3A_447, %ge3A_449 : i1
      %jit3A_451 = arith.constant 1 : i32
      %select_n3A_452 = arith.select %and3A_450, %jit3A_451, %select_n3A_435 : i32
      %select_n3A_453 = arith.select %and3A_450, %sub3A_443, %select_n3A_436 : i32
      %sub3A_454 = arith.subi %scan3A, %add3A_439 : i32
      %select_n3A_455 = arith.select %and3A_450, %sub3A_454, %select_n3A_438 : i32
      %add3A_456 = arith.addi %add3A_439, %get3A_445 : i32
      %scan3A_457 = arith.constant 3 : i32
      %scan3A_458 = arith.addi %scan3A_403, %scan3A_457 : i32
      %sub3A_459 = arith.constant 127 : i32
      %sub3A_460 = arith.subi %sub3A_459, %scan3A_458 : i32
      %get3A_461 = arith.index_cast %sub3A_460 : i32 to index
      %get3A_462 = memref.load %arg8[%get3A_461] : memref<128xi32, #tpu.memory_space<smem>>
      %eq3A_463 = arith.constant 0 : i32
      %eq3A_464 = arith.cmpi eq, %select_n3A_452, %eq3A_463 : i32
      %add3A_465 = arith.addi %add3A_456, %get3A_462 : i32
      %ge3A_466 = arith.cmpi sge, %add3A_465, %scan3A : i32
      %and3A_467 = arith.andi %eq3A_464, %ge3A_466 : i1
      %jit3A_468 = arith.constant 1 : i32
      %select_n3A_469 = arith.select %and3A_467, %jit3A_468, %select_n3A_452 : i32
      %select_n3A_470 = arith.select %and3A_467, %sub3A_460, %select_n3A_453 : i32
      %sub3A_471 = arith.subi %scan3A, %add3A_456 : i32
      %select_n3A_472 = arith.select %and3A_467, %sub3A_471, %select_n3A_455 : i32
      %add3A_473 = arith.addi %add3A_456, %get3A_462 : i32
      scf.yield %select_n3A_469, %select_n3A_470, %select_n3A_472, %add3A_473 : i32, i32, i32, i32
    }
    %scan3A_41 = arith.constant 128 : i32
    %mul3A_42 = arith.constant 16 : i32
    %mul3A_43 = arith.muli %scan3A_40#1, %mul3A_42 : i32
    %get3A = arith.index_cast %mul3A_43 : i32 to index
    %get3A_44 = tpu.vector_load %arg7[%get3A] {strides = array<i32>} : memref<2048xi32, #tpu.memory_space<vmem>>, vector<16xi32>,
    %broadcast_in_dim3A_45 = arith.constant true
    %broadcast_in_dim3A_46 = vector.broadcast %broadcast_in_dim3A_45 : i1 to vector<16xi1>
    %masked_cumsum3A = tpu.scan <sum>, %get3A_44 masked %broadcast_in_dim3A_46 : vector<16xi32>, vector<16xi1> -> vector<16xi32>
    %slice3A = vector.extract_strided_slice %masked_cumsum3A {offsets = [15], sizes = [1], strides = [1]} : vector<16xi32> to vector<1xi32>
    %squeeze3A = vector.extract %slice3A[0] : i32 from vector<1xi32>
    %sub3A = vector.broadcast %squeeze3A : i32 to vector<16xi32>
    %sub3A_47 = arith.subi %sub3A, %masked_cumsum3A : vector<16xi32>
    %add3A_48 = arith.addi %sub3A_47, %get3A_44 : vector<16xi32>
    %ge3A = vector.broadcast %scan3A_40#2 : i32 to vector<16xi32>
    %ge3A_49 = arith.cmpi sge, %add3A_48, %ge3A : vector<16xi32>
    %all_reduce_population_count3A = tpu.all_reduce %ge3A_49 {dim = 0 : i64, kind = #tpu.reduction_kind<sum>} : vector<16xi1> -> vector<16xi32>
    %slice3A_50 = vector.extract_strided_slice %all_reduce_population_count3A {offsets = [0], sizes = [1], strides = [1]} : vector<16xi32> to vector<1xi32>
    %squeeze3A_51 = vector.extract %slice3A_50[0] : i32 from vector<1xi32>
    %sub3A_52 = arith.constant 1 : i32
    %sub3A_53 = arith.subi %squeeze3A_51, %sub3A_52 : i32
    %eq3A = vector.broadcast %sub3A_53 : i32 to vector<16xi32>
    %eq3A_54 = arith.cmpi eq, %iota3A, %eq3A : vector<16xi32>
    %jit3A = arith.constant 0 : i32
    %broadcast_in_dim3A_55 = vector.broadcast %jit3A : i32 to vector<16xi32>
    %select_n3A = arith.select %eq3A_54, %masked_cumsum3A, %broadcast_in_dim3A_55 : vector<16xi1>, vector<16xi32>
    %reduce_sum3A = arith.constant true
    %reduce_sum3A_56 = vector.broadcast %reduce_sum3A : i1 to vector<16xi1>
    %reduce_sum3A_57 = tpu.scan <sum>, %select_n3A masked %reduce_sum3A_56 : vector<16xi32>, vector<16xi1> -> vector<16xi32>
    %reduce_sum3A_58 = vector.extract %reduce_sum3A_57[15] : i32 from vector<16xi32>
    %mul3A_59 = arith.constant 16 : i32
    %mul3A_60 = arith.muli %scan3A_40#1, %mul3A_59 : i32
    %add3A_61 = arith.addi %mul3A_60, %sub3A_53 : i32
    %sub3A_62 = arith.subi %squeeze3A, %reduce_sum3A_58 : i32
    %sub3A_63 = arith.subi %scan3A_40#2, %sub3A_62 : i32
    %broadcast_in_dim3A_64 = arith.constant 0 : i32
    %broadcast_in_dim3A_65 = vector.broadcast %broadcast_in_dim3A_64 : i32 to vector<16xi32>
    %parallel_loop3A_66 = arith.constant 0 : i32
    %parallel_loop3A_67 = arith.constant 128 : i32
    %parallel_loop3A_68 = arith.constant 1 : i32
    scf.for %parallel_loop3A_403 = %parallel_loop3A_66 to %parallel_loop3A_67 step %parallel_loop3A_68  : i32 {
      %parallel_loop3A_404 = arith.constant 16 : i32
      %parallel_loop3A_405 = arith.muli %parallel_loop3A_403, %parallel_loop3A_404 : i32
      %parallel_loop3A_406 = arith.index_cast %parallel_loop3A_405 : i32 to index
      %parallel_loop3A_407 = tpu.vector_load %arg7[%parallel_loop3A_406] {strides = array<i32>} : memref<2048xi32, #tpu.memory_space<vmem>>, vector<16xi32>,
      tpu.vector_store %arg7[%parallel_loop3A_406], %broadcast_in_dim3A_65 {strides = array<i32>} : memref<2048xi32, #tpu.memory_space<vmem>>, vector<16xi32>,
    } {sc.loop_unroll_factor = 8 : i64, sc.parallel_access}
    %parallel_loop3A_69 = arith.constant 0 : i32
    %parallel_loop3A_70 = arith.constant 2048 : i32
    %parallel_loop3A_71 = arith.constant 1 : i32
    scf.for %parallel_loop3A_403 = %parallel_loop3A_69 to %parallel_loop3A_70 step %parallel_loop3A_71  : i32 {
      %parallel_loop3A_404 = arith.constant 16 : i32
      %parallel_loop3A_405 = arith.muli %parallel_loop3A_403, %parallel_loop3A_404 : i32
      %parallel_loop3A_406 = arith.index_cast %parallel_loop3A_405 : i32 to index
      %parallel_loop3A_407 = tpu.vector_load %arg6[%parallel_loop3A_406] {strides = array<i32>} : memref<32768xi32, #tpu.memory_space<vmem>>, vector<16xi32>,
      %parallel_loop3A_408 = arith.constant 20 : i32
      %parallel_loop3A_409 = vector.broadcast %parallel_loop3A_408 : i32 to vector<16xi32>
      %parallel_loop3A_410 = arith.shrsi %parallel_loop3A_407, %parallel_loop3A_409 : vector<16xi32>
      %parallel_loop3A_411 = vector.broadcast %add3A_61 : i32 to vector<16xi32>
      %parallel_loop3A_412 = arith.cmpi eq, %parallel_loop3A_410, %parallel_loop3A_411 : vector<16xi32>
      %parallel_loop3A_413 = arith.constant 9 : i32
      %parallel_loop3A_414 = vector.broadcast %parallel_loop3A_413 : i32 to vector<16xi32>
      %parallel_loop3A_415 = arith.shrsi %parallel_loop3A_407, %parallel_loop3A_414 : vector<16xi32>
      %parallel_loop3A_416 = arith.constant 2047 : i32
      %parallel_loop3A_417 = vector.broadcast %parallel_loop3A_416 : i32 to vector<16xi32>
      %parallel_loop3A_418 = arith.andi %parallel_loop3A_415, %parallel_loop3A_417 : vector<16xi32>
      tpu.vector_store_idx %arg7[%parallel_loop3A_418], %broadcast_in_dim3A_0 masked %parallel_loop3A_412 {add = true} : memref<2048xi32, #tpu.memory_space<vmem>>[vector<16xi32>], vector<16xi32>, vector<16xi1>
    } {sc.loop_unroll_factor = 8 : i64, sc.parallel_access}
    %parallel_loop3A_72 = arith.constant 0 : i32
    %parallel_loop3A_73 = arith.constant 128 : i32
    %parallel_loop3A_74 = arith.constant 1 : i32
    scf.for %parallel_loop3A_403 = %parallel_loop3A_72 to %parallel_loop3A_73 step %parallel_loop3A_74  : i32 {
      %parallel_loop3A_404 = arith.constant 16 : i32
      %parallel_loop3A_405 = arith.muli %parallel_loop3A_403, %parallel_loop3A_404 : i32
      %parallel_loop3A_406 = arith.index_cast %parallel_loop3A_405 : i32 to index
      %parallel_loop3A_407 = tpu.vector_load %arg7[%parallel_loop3A_406] {strides = array<i32>} : memref<2048xi32, #tpu.memory_space<vmem>>, vector<16xi32>,
      %parallel_loop3A_408 = arith.constant true
      %parallel_loop3A_409 = vector.broadcast %parallel_loop3A_408 : i1 to vector<16xi1>
      %parallel_loop3A_410 = tpu.scan <sum>, %parallel_loop3A_407 masked %parallel_loop3A_409 : vector<16xi32>, vector<16xi1> -> vector<16xi32>
      %parallel_loop3A_411 = vector.extract %parallel_loop3A_410[15] : i32 from vector<16xi32>
      %parallel_loop3A_412 = arith.index_cast %parallel_loop3A_403 : i32 to index
      %parallel_loop3A_413 = memref.load %arg8[%parallel_loop3A_412] : memref<128xi32, #tpu.memory_space<smem>>
      memref.store %parallel_loop3A_411, %arg8[%parallel_loop3A_412] : memref<128xi32, #tpu.memory_space<smem>>
    } {sc.loop_unroll_factor = 8 : i64, sc.parallel_access}
    %scan3A_75 = arith.constant 0 : i32
    %scan3A_76 = arith.constant 0 : i32
    %scan3A_77 = arith.constant 0 : i32
    %scan3A_78 = arith.constant 0 : i32
    %scan3A_79 = arith.constant 0 : i32
    %scan3A_80 = arith.constant 128 : i32
    %scan3A_81 = arith.addi %scan3A_79, %scan3A_80 : i32
    %scan3A_82 = arith.constant 4 : i32
    %scan3A_83:4 = scf.for %scan3A_403 = %scan3A_79 to %scan3A_81 step %scan3A_82 iter_args(%scan3A_404 = %scan3A_75, %scan3A_405 = %scan3A_76, %scan3A_406 = %scan3A_77, %scan3A_407 = %scan3A_78) -> (i32, i32, i32, i32)  : i32 {
      %sub3A_408 = arith.constant 127 : i32
      %sub3A_409 = arith.subi %sub3A_408, %scan3A_403 : i32
      %get3A_410 = arith.index_cast %sub3A_409 : i32 to index
      %get3A_411 = memref.load %arg8[%get3A_410] : memref<128xi32, #tpu.memory_space<smem>>
      %eq3A_412 = arith.constant 0 : i32
      %eq3A_413 = arith.cmpi eq, %scan3A_404, %eq3A_412 : i32
      %add3A_414 = arith.addi %scan3A_407, %get3A_411 : i32
      %ge3A_415 = arith.cmpi sge, %add3A_414, %sub3A_63 : i32
      %and3A_416 = arith.andi %eq3A_413, %ge3A_415 : i1
      %jit3A_417 = arith.constant 1 : i32
      %select_n3A_418 = arith.select %and3A_416, %jit3A_417, %scan3A_404 : i32
      %select_n3A_419 = arith.select %and3A_416, %sub3A_409, %scan3A_405 : i32
      %sub3A_420 = arith.subi %sub3A_63, %scan3A_407 : i32
      %select_n3A_421 = arith.select %and3A_416, %sub3A_420, %scan3A_406 : i32
      %add3A_422 = arith.addi %scan3A_407, %get3A_411 : i32
      %scan3A_423 = arith.constant 1 : i32
      %scan3A_424 = arith.addi %scan3A_403, %scan3A_423 : i32
      %sub3A_425 = arith.constant 127 : i32
      %sub3A_426 = arith.subi %sub3A_425, %scan3A_424 : i32
      %get3A_427 = arith.index_cast %sub3A_426 : i32 to index
      %get3A_428 = memref.load %arg8[%get3A_427] : memref<128xi32, #tpu.memory_space<smem>>
      %eq3A_429 = arith.constant 0 : i32
      %eq3A_430 = arith.cmpi eq, %select_n3A_418, %eq3A_429 : i32
      %add3A_431 = arith.addi %add3A_422, %get3A_428 : i32
      %ge3A_432 = arith.cmpi sge, %add3A_431, %sub3A_63 : i32
      %and3A_433 = arith.andi %eq3A_430, %ge3A_432 : i1
      %jit3A_434 = arith.constant 1 : i32
      %select_n3A_435 = arith.select %and3A_433, %jit3A_434, %select_n3A_418 : i32
      %select_n3A_436 = arith.select %and3A_433, %sub3A_426, %select_n3A_419 : i32
      %sub3A_437 = arith.subi %sub3A_63, %add3A_422 : i32
      %select_n3A_438 = arith.select %and3A_433, %sub3A_437, %select_n3A_421 : i32
      %add3A_439 = arith.addi %add3A_422, %get3A_428 : i32
      %scan3A_440 = arith.constant 2 : i32
      %scan3A_441 = arith.addi %scan3A_403, %scan3A_440 : i32
      %sub3A_442 = arith.constant 127 : i32
      %sub3A_443 = arith.subi %sub3A_442, %scan3A_441 : i32
      %get3A_444 = arith.index_cast %sub3A_443 : i32 to index
      %get3A_445 = memref.load %arg8[%get3A_444] : memref<128xi32, #tpu.memory_space<smem>>
      %eq3A_446 = arith.constant 0 : i32
      %eq3A_447 = arith.cmpi eq, %select_n3A_435, %eq3A_446 : i32
      %add3A_448 = arith.addi %add3A_439, %get3A_445 : i32
      %ge3A_449 = arith.cmpi sge, %add3A_448, %sub3A_63 : i32
      %and3A_450 = arith.andi %eq3A_447, %ge3A_449 : i1
      %jit3A_451 = arith.constant 1 : i32
      %select_n3A_452 = arith.select %and3A_450, %jit3A_451, %select_n3A_435 : i32
      %select_n3A_453 = arith.select %and3A_450, %sub3A_443, %select_n3A_436 : i32
      %sub3A_454 = arith.subi %sub3A_63, %add3A_439 : i32
      %select_n3A_455 = arith.select %and3A_450, %sub3A_454, %select_n3A_438 : i32
      %add3A_456 = arith.addi %add3A_439, %get3A_445 : i32
      %scan3A_457 = arith.constant 3 : i32
      %scan3A_458 = arith.addi %scan3A_403, %scan3A_457 : i32
      %sub3A_459 = arith.constant 127 : i32
      %sub3A_460 = arith.subi %sub3A_459, %scan3A_458 : i32
      %get3A_461 = arith.index_cast %sub3A_460 : i32 to index
      %get3A_462 = memref.load %arg8[%get3A_461] : memref<128xi32, #tpu.memory_space<smem>>
      %eq3A_463 = arith.constant 0 : i32
      %eq3A_464 = arith.cmpi eq, %select_n3A_452, %eq3A_463 : i32
      %add3A_465 = arith.addi %add3A_456, %get3A_462 : i32
      %ge3A_466 = arith.cmpi sge, %add3A_465, %sub3A_63 : i32
      %and3A_467 = arith.andi %eq3A_464, %ge3A_466 : i1
      %jit3A_468 = arith.constant 1 : i32
      %select_n3A_469 = arith.select %and3A_467, %jit3A_468, %select_n3A_452 : i32
      %select_n3A_470 = arith.select %and3A_467, %sub3A_460, %select_n3A_453 : i32
      %sub3A_471 = arith.subi %sub3A_63, %add3A_456 : i32
      %select_n3A_472 = arith.select %and3A_467, %sub3A_471, %select_n3A_455 : i32
      %add3A_473 = arith.addi %add3A_456, %get3A_462 : i32
      scf.yield %select_n3A_469, %select_n3A_470, %select_n3A_472, %add3A_473 : i32, i32, i32, i32
    }
    %scan3A_84 = arith.constant 128 : i32
    %mul3A_85 = arith.constant 16 : i32
    %mul3A_86 = arith.muli %scan3A_83#1, %mul3A_85 : i32
    %get3A_87 = arith.index_cast %mul3A_86 : i32 to index
    %get3A_88 = tpu.vector_load %arg7[%get3A_87] {strides = array<i32>} : memref<2048xi32, #tpu.memory_space<vmem>>, vector<16xi32>,
    %broadcast_in_dim3A_89 = arith.constant true
    %broadcast_in_dim3A_90 = vector.broadcast %broadcast_in_dim3A_89 : i1 to vector<16xi1>
    %masked_cumsum3A_91 = tpu.scan <sum>, %get3A_88 masked %broadcast_in_dim3A_90 : vector<16xi32>, vector<16xi1> -> vector<16xi32>
    %slice3A_92 = vector.extract_strided_slice %masked_cumsum3A_91 {offsets = [15], sizes = [1], strides = [1]} : vector<16xi32> to vector<1xi32>
    %squeeze3A_93 = vector.extract %slice3A_92[0] : i32 from vector<1xi32>
    %sub3A_94 = vector.broadcast %squeeze3A_93 : i32 to vector<16xi32>
    %sub3A_95 = arith.subi %sub3A_94, %masked_cumsum3A_91 : vector<16xi32>
    %add3A_96 = arith.addi %sub3A_95, %get3A_88 : vector<16xi32>
    %ge3A_97 = vector.broadcast %scan3A_83#2 : i32 to vector<16xi32>
    %ge3A_98 = arith.cmpi sge, %add3A_96, %ge3A_97 : vector<16xi32>
    %all_reduce_population_count3A_99 = tpu.all_reduce %ge3A_98 {dim = 0 : i64, kind = #tpu.reduction_kind<sum>} : vector<16xi1> -> vector<16xi32>
    %slice3A_100 = vector.extract_strided_slice %all_reduce_population_count3A_99 {offsets = [0], sizes = [1], strides = [1]} : vector<16xi32> to vector<1xi32>
    %squeeze3A_101 = vector.extract %slice3A_100[0] : i32 from vector<1xi32>
    %sub3A_102 = arith.constant 1 : i32
    %sub3A_103 = arith.subi %squeeze3A_101, %sub3A_102 : i32
    %eq3A_104 = vector.broadcast %sub3A_103 : i32 to vector<16xi32>
    %eq3A_105 = arith.cmpi eq, %iota3A, %eq3A_104 : vector<16xi32>
    %jit3A_106 = arith.constant 0 : i32
    %broadcast_in_dim3A_107 = vector.broadcast %jit3A_106 : i32 to vector<16xi32>
    %select_n3A_108 = arith.select %eq3A_105, %masked_cumsum3A_91, %broadcast_in_dim3A_107 : vector<16xi1>, vector<16xi32>
    %reduce_sum3A_109 = arith.constant true
    %reduce_sum3A_110 = vector.broadcast %reduce_sum3A_109 : i1 to vector<16xi1>
    %reduce_sum3A_111 = tpu.scan <sum>, %select_n3A_108 masked %reduce_sum3A_110 : vector<16xi32>, vector<16xi1> -> vector<16xi32>
    %reduce_sum3A_112 = vector.extract %reduce_sum3A_111[15] : i32 from vector<16xi32>
    %mul3A_113 = arith.constant 16 : i32
    %mul3A_114 = arith.muli %scan3A_83#1, %mul3A_113 : i32
    %add3A_115 = arith.addi %mul3A_114, %sub3A_103 : i32
    %sub3A_116 = arith.subi %squeeze3A_93, %reduce_sum3A_112 : i32
    %sub3A_117 = arith.subi %scan3A_83#2, %sub3A_116 : i32
    %broadcast_in_dim3A_118 = arith.constant 0 : i32
    %broadcast_in_dim3A_119 = vector.broadcast %broadcast_in_dim3A_118 : i32 to vector<16xi32>
    %parallel_loop3A_120 = arith.constant 0 : i32
    %parallel_loop3A_121 = arith.constant 32 : i32
    %parallel_loop3A_122 = arith.constant 1 : i32
    scf.for %parallel_loop3A_403 = %parallel_loop3A_120 to %parallel_loop3A_121 step %parallel_loop3A_122  : i32 {
      %parallel_loop3A_404 = arith.constant 16 : i32
      %parallel_loop3A_405 = arith.muli %parallel_loop3A_403, %parallel_loop3A_404 : i32
      %parallel_loop3A_406 = arith.index_cast %parallel_loop3A_405 : i32 to index
      %parallel_loop3A_407 = tpu.vector_load %arg7[%parallel_loop3A_406] {strides = array<i32>} : memref<2048xi32, #tpu.memory_space<vmem>>, vector<16xi32>,
      tpu.vector_store %arg7[%parallel_loop3A_406], %broadcast_in_dim3A_119 {strides = array<i32>} : memref<2048xi32, #tpu.memory_space<vmem>>, vector<16xi32>,
    } {sc.loop_unroll_factor = 8 : i64, sc.parallel_access}
    %shift_left3A = arith.constant 11 : i32
    %shift_left3A_123 = arith.shli %add3A_61, %shift_left3A : i32
    %or3A = arith.ori %shift_left3A_123, %add3A_115 : i32
    %parallel_loop3A_124 = arith.constant 0 : i32
    %parallel_loop3A_125 = arith.constant 2048 : i32
    %parallel_loop3A_126 = arith.constant 1 : i32
    scf.for %parallel_loop3A_403 = %parallel_loop3A_124 to %parallel_loop3A_125 step %parallel_loop3A_126  : i32 {
      %parallel_loop3A_404 = arith.constant 16 : i32
      %parallel_loop3A_405 = arith.muli %parallel_loop3A_403, %parallel_loop3A_404 : i32
      %parallel_loop3A_406 = arith.index_cast %parallel_loop3A_405 : i32 to index
      %parallel_loop3A_407 = tpu.vector_load %arg6[%parallel_loop3A_406] {strides = array<i32>} : memref<32768xi32, #tpu.memory_space<vmem>>, vector<16xi32>,
      %parallel_loop3A_408 = arith.constant 9 : i32
      %parallel_loop3A_409 = vector.broadcast %parallel_loop3A_408 : i32 to vector<16xi32>
      %parallel_loop3A_410 = arith.shrsi %parallel_loop3A_407, %parallel_loop3A_409 : vector<16xi32>
      %parallel_loop3A_411 = vector.broadcast %or3A : i32 to vector<16xi32>
      %parallel_loop3A_412 = arith.cmpi eq, %parallel_loop3A_410, %parallel_loop3A_411 : vector<16xi32>
      %parallel_loop3A_413 = arith.constant 511 : i32
      %parallel_loop3A_414 = vector.broadcast %parallel_loop3A_413 : i32 to vector<16xi32>
      %parallel_loop3A_415 = arith.andi %parallel_loop3A_407, %parallel_loop3A_414 : vector<16xi32>
      tpu.vector_store_idx %arg7[%parallel_loop3A_415], %broadcast_in_dim3A_0 masked %parallel_loop3A_412 {add = true} : memref<2048xi32, #tpu.memory_space<vmem>>[vector<16xi32>], vector<16xi32>, vector<16xi1>
    } {sc.loop_unroll_factor = 8 : i64, sc.parallel_access}
    %parallel_loop3A_127 = arith.constant 0 : i32
    %parallel_loop3A_128 = arith.constant 32 : i32
    %parallel_loop3A_129 = arith.constant 1 : i32
    scf.for %parallel_loop3A_403 = %parallel_loop3A_127 to %parallel_loop3A_128 step %parallel_loop3A_129  : i32 {
      %parallel_loop3A_404 = arith.constant 16 : i32
      %parallel_loop3A_405 = arith.muli %parallel_loop3A_403, %parallel_loop3A_404 : i32
      %parallel_loop3A_406 = arith.index_cast %parallel_loop3A_405 : i32 to index
      %parallel_loop3A_407 = tpu.vector_load %arg7[%parallel_loop3A_406] {strides = array<i32>} : memref<2048xi32, #tpu.memory_space<vmem>>, vector<16xi32>,
      %parallel_loop3A_408 = arith.constant true
      %parallel_loop3A_409 = vector.broadcast %parallel_loop3A_408 : i1 to vector<16xi1>
      %parallel_loop3A_410 = tpu.scan <sum>, %parallel_loop3A_407 masked %parallel_loop3A_409 : vector<16xi32>, vector<16xi1> -> vector<16xi32>
      %parallel_loop3A_411 = vector.extract %parallel_loop3A_410[15] : i32 from vector<16xi32>
      %parallel_loop3A_412 = arith.index_cast %parallel_loop3A_403 : i32 to index
      %parallel_loop3A_413 = memref.load %arg8[%parallel_loop3A_412] : memref<128xi32, #tpu.memory_space<smem>>
      memref.store %parallel_loop3A_411, %arg8[%parallel_loop3A_412] : memref<128xi32, #tpu.memory_space<smem>>
    } {sc.loop_unroll_factor = 8 : i64, sc.parallel_access}
    %scan3A_130 = arith.constant 0 : i32
    %scan3A_131 = arith.constant 0 : i32
    %scan3A_132 = arith.constant 0 : i32
    %scan3A_133 = arith.constant 0 : i32
    %scan3A_134 = arith.constant 0 : i32
    %scan3A_135 = arith.constant 32 : i32
    %scan3A_136 = arith.addi %scan3A_134, %scan3A_135 : i32
    %scan3A_137 = arith.constant 4 : i32
    %scan3A_138:4 = scf.for %scan3A_403 = %scan3A_134 to %scan3A_136 step %scan3A_137 iter_args(%scan3A_404 = %scan3A_130, %scan3A_405 = %scan3A_131, %scan3A_406 = %scan3A_132, %scan3A_407 = %scan3A_133) -> (i32, i32, i32, i32)  : i32 {
      %sub3A_408 = arith.constant 31 : i32
      %sub3A_409 = arith.subi %sub3A_408, %scan3A_403 : i32
      %get3A_410 = arith.index_cast %sub3A_409 : i32 to index
      %get3A_411 = memref.load %arg8[%get3A_410] : memref<128xi32, #tpu.memory_space<smem>>
      %eq3A_412 = arith.constant 0 : i32
      %eq3A_413 = arith.cmpi eq, %scan3A_404, %eq3A_412 : i32
      %add3A_414 = arith.addi %scan3A_407, %get3A_411 : i32
      %ge3A_415 = arith.cmpi sge, %add3A_414, %sub3A_117 : i32
      %and3A_416 = arith.andi %eq3A_413, %ge3A_415 : i1
      %jit3A_417 = arith.constant 1 : i32
      %select_n3A_418 = arith.select %and3A_416, %jit3A_417, %scan3A_404 : i32
      %select_n3A_419 = arith.select %and3A_416, %sub3A_409, %scan3A_405 : i32
      %sub3A_420 = arith.subi %sub3A_117, %scan3A_407 : i32
      %select_n3A_421 = arith.select %and3A_416, %sub3A_420, %scan3A_406 : i32
      %add3A_422 = arith.addi %scan3A_407, %get3A_411 : i32
      %scan3A_423 = arith.constant 1 : i32
      %scan3A_424 = arith.addi %scan3A_403, %scan3A_423 : i32
      %sub3A_425 = arith.constant 31 : i32
      %sub3A_426 = arith.subi %sub3A_425, %scan3A_424 : i32
      %get3A_427 = arith.index_cast %sub3A_426 : i32 to index
      %get3A_428 = memref.load %arg8[%get3A_427] : memref<128xi32, #tpu.memory_space<smem>>
      %eq3A_429 = arith.constant 0 : i32
      %eq3A_430 = arith.cmpi eq, %select_n3A_418, %eq3A_429 : i32
      %add3A_431 = arith.addi %add3A_422, %get3A_428 : i32
      %ge3A_432 = arith.cmpi sge, %add3A_431, %sub3A_117 : i32
      %and3A_433 = arith.andi %eq3A_430, %ge3A_432 : i1
      %jit3A_434 = arith.constant 1 : i32
      %select_n3A_435 = arith.select %and3A_433, %jit3A_434, %select_n3A_418 : i32
      %select_n3A_436 = arith.select %and3A_433, %sub3A_426, %select_n3A_419 : i32
      %sub3A_437 = arith.subi %sub3A_117, %add3A_422 : i32
      %select_n3A_438 = arith.select %and3A_433, %sub3A_437, %select_n3A_421 : i32
      %add3A_439 = arith.addi %add3A_422, %get3A_428 : i32
      %scan3A_440 = arith.constant 2 : i32
      %scan3A_441 = arith.addi %scan3A_403, %scan3A_440 : i32
      %sub3A_442 = arith.constant 31 : i32
      %sub3A_443 = arith.subi %sub3A_442, %scan3A_441 : i32
      %get3A_444 = arith.index_cast %sub3A_443 : i32 to index
      %get3A_445 = memref.load %arg8[%get3A_444] : memref<128xi32, #tpu.memory_space<smem>>
      %eq3A_446 = arith.constant 0 : i32
      %eq3A_447 = arith.cmpi eq, %select_n3A_435, %eq3A_446 : i32
      %add3A_448 = arith.addi %add3A_439, %get3A_445 : i32
      %ge3A_449 = arith.cmpi sge, %add3A_448, %sub3A_117 : i32
      %and3A_450 = arith.andi %eq3A_447, %ge3A_449 : i1
      %jit3A_451 = arith.constant 1 : i32
      %select_n3A_452 = arith.select %and3A_450, %jit3A_451, %select_n3A_435 : i32
      %select_n3A_453 = arith.select %and3A_450, %sub3A_443, %select_n3A_436 : i32
      %sub3A_454 = arith.subi %sub3A_117, %add3A_439 : i32
      %select_n3A_455 = arith.select %and3A_450, %sub3A_454, %select_n3A_438 : i32
      %add3A_456 = arith.addi %add3A_439, %get3A_445 : i32
      %scan3A_457 = arith.constant 3 : i32
      %scan3A_458 = arith.addi %scan3A_403, %scan3A_457 : i32
      %sub3A_459 = arith.constant 31 : i32
      %sub3A_460 = arith.subi %sub3A_459, %scan3A_458 : i32
      %get3A_461 = arith.index_cast %sub3A_460 : i32 to index
      %get3A_462 = memref.load %arg8[%get3A_461] : memref<128xi32, #tpu.memory_space<smem>>
      %eq3A_463 = arith.constant 0 : i32
      %eq3A_464 = arith.cmpi eq, %select_n3A_452, %eq3A_463 : i32
      %add3A_465 = arith.addi %add3A_456, %get3A_462 : i32
      %ge3A_466 = arith.cmpi sge, %add3A_465, %sub3A_117 : i32
      %and3A_467 = arith.andi %eq3A_464, %ge3A_466 : i1
      %jit3A_468 = arith.constant 1 : i32
      %select_n3A_469 = arith.select %and3A_467, %jit3A_468, %select_n3A_452 : i32
      %select_n3A_470 = arith.select %and3A_467, %sub3A_460, %select_n3A_453 : i32
      %sub3A_471 = arith.subi %sub3A_117, %add3A_456 : i32
      %select_n3A_472 = arith.select %and3A_467, %sub3A_471, %select_n3A_455 : i32
      %add3A_473 = arith.addi %add3A_456, %get3A_462 : i32
      scf.yield %select_n3A_469, %select_n3A_470, %select_n3A_472, %add3A_473 : i32, i32, i32, i32
    }
    %scan3A_139 = arith.constant 32 : i32
    %mul3A_140 = arith.constant 16 : i32
    %mul3A_141 = arith.muli %scan3A_138#1, %mul3A_140 : i32
    %get3A_142 = arith.index_cast %mul3A_141 : i32 to index
    %get3A_143 = tpu.vector_load %arg7[%get3A_142] {strides = array<i32>} : memref<2048xi32, #tpu.memory_space<vmem>>, vector<16xi32>,
    %broadcast_in_dim3A_144 = arith.constant true
    %broadcast_in_dim3A_145 = vector.broadcast %broadcast_in_dim3A_144 : i1 to vector<16xi1>
    %masked_cumsum3A_146 = tpu.scan <sum>, %get3A_143 masked %broadcast_in_dim3A_145 : vector<16xi32>, vector<16xi1> -> vector<16xi32>
    %slice3A_147 = vector.extract_strided_slice %masked_cumsum3A_146 {offsets = [15], sizes = [1], strides = [1]} : vector<16xi32> to vector<1xi32>
    %squeeze3A_148 = vector.extract %slice3A_147[0] : i32 from vector<1xi32>
    %sub3A_149 = vector.broadcast %squeeze3A_148 : i32 to vector<16xi32>
    %sub3A_150 = arith.subi %sub3A_149, %masked_cumsum3A_146 : vector<16xi32>
    %add3A_151 = arith.addi %sub3A_150, %get3A_143 : vector<16xi32>
    %ge3A_152 = vector.broadcast %scan3A_138#2 : i32 to vector<16xi32>
    %ge3A_153 = arith.cmpi sge, %add3A_151, %ge3A_152 : vector<16xi32>
    %all_reduce_population_count3A_154 = tpu.all_reduce %ge3A_153 {dim = 0 : i64, kind = #tpu.reduction_kind<sum>} : vector<16xi1> -> vector<16xi32>
    %slice3A_155 = vector.extract_strided_slice %all_reduce_population_count3A_154 {offsets = [0], sizes = [1], strides = [1]} : vector<16xi32> to vector<1xi32>
    %squeeze3A_156 = vector.extract %slice3A_155[0] : i32 from vector<1xi32>
    %sub3A_157 = arith.constant 1 : i32
    %sub3A_158 = arith.subi %squeeze3A_156, %sub3A_157 : i32
    %eq3A_159 = vector.broadcast %sub3A_158 : i32 to vector<16xi32>
    %eq3A_160 = arith.cmpi eq, %iota3A, %eq3A_159 : vector<16xi32>
    %jit3A_161 = arith.constant 0 : i32
    %broadcast_in_dim3A_162 = vector.broadcast %jit3A_161 : i32 to vector<16xi32>
    %select_n3A_163 = arith.select %eq3A_160, %masked_cumsum3A_146, %broadcast_in_dim3A_162 : vector<16xi1>, vector<16xi32>
    %reduce_sum3A_164 = arith.constant true
    %reduce_sum3A_165 = vector.broadcast %reduce_sum3A_164 : i1 to vector<16xi1>
    %reduce_sum3A_166 = tpu.scan <sum>, %select_n3A_163 masked %reduce_sum3A_165 : vector<16xi32>, vector<16xi1> -> vector<16xi32>
    %reduce_sum3A_167 = vector.extract %reduce_sum3A_166[15] : i32 from vector<16xi32>
    %mul3A_168 = arith.constant 16 : i32
    %mul3A_169 = arith.muli %scan3A_138#1, %mul3A_168 : i32
    %add3A_170 = arith.addi %mul3A_169, %sub3A_158 : i32
    %sub3A_171 = arith.subi %squeeze3A_148, %reduce_sum3A_167 : i32
    %sub3A_172 = arith.subi %scan3A_138#2, %sub3A_171 : i32
    %shift_left3A_173 = arith.constant 9 : i32
    %shift_left3A_174 = arith.shli %or3A, %shift_left3A_173 : i32
    %or3A_175 = arith.ori %shift_left3A_174, %add3A_170 : i32
    %eq3A_176 = arith.constant 1 : i32
    %eq3A_177 = arith.cmpi eq, %scan3A_40#0, %eq3A_176 : i32
    %eq3A_178 = arith.constant 1 : i32
    %eq3A_179 = arith.cmpi eq, %scan3A_83#0, %eq3A_178 : i32
    %and3A = arith.andi %eq3A_177, %eq3A_179 : i1
    %eq3A_180 = arith.constant 1 : i32
    %eq3A_181 = arith.cmpi eq, %scan3A_138#0, %eq3A_180 : i32
    %and3A_182 = arith.andi %and3A, %eq3A_181 : i1
    %jit3A_183 = arith.constant 0 : i32
    %select_n3A_184 = arith.select %and3A_182, %or3A_175, %jit3A_183 : i32
    %mul3A_185 = vector.broadcast %select_n3A_184 : i32 to vector<16xi32>
    %mul3A_186 = arith.muli %broadcast_in_dim3A_0, %mul3A_185 : vector<16xi32>
    %swap3A = arith.constant 0 : index
    %swap3A_187 = tpu.vector_load %arg9[%swap3A] {strides = array<i32>} : memref<16xi32, #tpu.memory_space<vmem>>, vector<16xi32>,
    tpu.vector_store %arg9[%swap3A], %mul3A_186 {strides = array<i32>} : memref<16xi32, #tpu.memory_space<vmem>>, vector<16xi32>,
    %dma_start3A_188 = arith.constant 0 : i32
    %dma_start3A_189 = tpu.memref_slice %arg3[%mul3A_3, %dma_start3A_188] : memref<64x16xi32, #tpu.memory_space<hbm>> -> memref<1x16xi32, #tpu.memory_space<hbm>>
    %dma_start3A_190 = tpu.memref_squeeze %dma_start3A_189 : memref<1x16xi32, #tpu.memory_space<hbm>> -> memref<16xi32, #tpu.memory_space<hbm>>
    %dma_start3A_191 = arith.constant 0 : i32
    %dma_start3A_192 = tpu.memref_slice %arg3[%mul3A_3, %dma_start3A_191] : memref<64x16xi32, #tpu.memory_space<hbm>> -> memref<1x16xi32, #tpu.memory_space<hbm>>
    %dma_start3A_193 = tpu.memref_squeeze %dma_start3A_192 : memref<1x16xi32, #tpu.memory_space<hbm>> -> memref<16xi32, #tpu.memory_space<hbm>>
    tpu.enqueue_dma source(%arg9 : memref<16xi32, #tpu.memory_space<vmem>>) target(%dma_start3A_193 : memref<16xi32, #tpu.memory_space<hbm>>) target_semaphore(%arg10 : memref<!tpu.dma_semaphore, #tpu.memory_space<semaphore_mem>>)
    %dma_wait3A_194 = arith.constant 0 : i32
    %dma_wait3A_195 = tpu.memref_slice %arg3[%mul3A_3, %dma_wait3A_194] : memref<64x16xi32, #tpu.memory_space<hbm>> -> memref<1x16xi32, #tpu.memory_space<hbm>>
    %dma_wait3A_196 = tpu.memref_squeeze %dma_wait3A_195 : memref<1x16xi32, #tpu.memory_space<hbm>> -> memref<16xi32, #tpu.memory_space<hbm>>
    %dma_wait3A_197 = arith.constant 0 : i32
    %dma_wait3A_198 = tpu.memref_slice %arg3[%mul3A_3, %dma_wait3A_197] : memref<64x16xi32, #tpu.memory_space<hbm>> -> memref<1x16xi32, #tpu.memory_space<hbm>>
    %dma_wait3A_199 = tpu.memref_squeeze %dma_wait3A_198 : memref<1x16xi32, #tpu.memory_space<hbm>> -> memref<16xi32, #tpu.memory_space<hbm>>
    tpu.wait_dma2 semaphore(%arg10 : memref<!tpu.dma_semaphore, #tpu.memory_space<semaphore_mem>>) src(%arg9 : memref<16xi32, #tpu.memory_space<vmem>>) dst(%dma_wait3A_199 : memref<16xi32, #tpu.memory_space<hbm>>)
    %dma_wait3A_200 = arith.constant 0 : i32
    %dma_wait3A_201 = tpu.memref_slice %arg2[%add3A_10, %dma_wait3A_200] : memref<64x32768xf32, #tpu.memory_space<hbm>> -> memref<1x32768xf32, #tpu.memory_space<hbm>>
    %dma_wait3A_202 = tpu.memref_squeeze %dma_wait3A_201 : memref<1x32768xf32, #tpu.memory_space<hbm>> -> memref<32768xf32, #tpu.memory_space<hbm>>
    %dma_wait3A_203 = arith.constant 0 : i32
    %dma_wait3A_204 = tpu.memref_slice %arg2[%add3A_10, %dma_wait3A_203] : memref<64x32768xf32, #tpu.memory_space<hbm>> -> memref<1x32768xf32, #tpu.memory_space<hbm>>
    %dma_wait3A_205 = tpu.memref_squeeze %dma_wait3A_204 : memref<1x32768xf32, #tpu.memory_space<hbm>> -> memref<32768xf32, #tpu.memory_space<hbm>>
    tpu.wait_dma2 semaphore(%arg11 : memref<!tpu.dma_semaphore, #tpu.memory_space<semaphore_mem>>) src(%dma_wait3A_205 : memref<32768xf32, #tpu.memory_space<hbm>>) dst(%arg5 : memref<32768xf32, #tpu.memory_space<vmem>>)
    %broadcast_in_dim3A_206 = arith.constant 0 : i32
    %broadcast_in_dim3A_207 = vector.broadcast %broadcast_in_dim3A_206 : i32 to vector<16xi32>
    %parallel_loop3A_208 = arith.constant 0 : i32
    %parallel_loop3A_209 = arith.constant 128 : i32
    %parallel_loop3A_210 = arith.constant 1 : i32
    scf.for %parallel_loop3A_403 = %parallel_loop3A_208 to %parallel_loop3A_209 step %parallel_loop3A_210  : i32 {
      %parallel_loop3A_404 = arith.constant 16 : i32
      %parallel_loop3A_405 = arith.muli %parallel_loop3A_403, %parallel_loop3A_404 : i32
      %parallel_loop3A_406 = arith.index_cast %parallel_loop3A_405 : i32 to index
      %parallel_loop3A_407 = tpu.vector_load %arg7[%parallel_loop3A_406] {strides = array<i32>} : memref<2048xi32, #tpu.memory_space<vmem>>, vector<16xi32>,
      tpu.vector_store %arg7[%parallel_loop3A_406], %broadcast_in_dim3A_207 {strides = array<i32>} : memref<2048xi32, #tpu.memory_space<vmem>>, vector<16xi32>,
    } {sc.loop_unroll_factor = 8 : i64, sc.parallel_access}
    %parallel_loop3A_211 = arith.constant 0 : i32
    %parallel_loop3A_212 = arith.constant 2048 : i32
    %parallel_loop3A_213 = arith.constant 1 : i32
    scf.for %parallel_loop3A_403 = %parallel_loop3A_211 to %parallel_loop3A_212 step %parallel_loop3A_213  : i32 {
      %parallel_loop3A_404 = arith.constant 16 : i32
      %parallel_loop3A_405 = arith.muli %parallel_loop3A_403, %parallel_loop3A_404 : i32
      %parallel_loop3A_406 = arith.index_cast %parallel_loop3A_405 : i32 to index
      %parallel_loop3A_407 = tpu.vector_load %arg5[%parallel_loop3A_406] {strides = array<i32>} : memref<32768xf32, #tpu.memory_space<vmem>>, vector<16xf32>,
      %parallel_loop3A_408 = vector.bitcast %parallel_loop3A_407 : vector<16xf32> to vector<16xi32>
      %parallel_loop3A_409 = arith.constant 2147483647 : i32
      %parallel_loop3A_410 = vector.broadcast %parallel_loop3A_409 : i32 to vector<16xi32>
      %parallel_loop3A_411 = arith.andi %parallel_loop3A_408, %parallel_loop3A_410 : vector<16xi32>
      %parallel_loop3A_412 = arith.constant 2139095040 : i32
      %parallel_loop3A_413 = vector.broadcast %parallel_loop3A_412 : i32 to vector<16xi32>
      %parallel_loop3A_414 = arith.andi %parallel_loop3A_411, %parallel_loop3A_413 : vector<16xi32>
      %parallel_loop3A_415 = arith.constant 2139095040 : i32
      %parallel_loop3A_416 = vector.broadcast %parallel_loop3A_415 : i32 to vector<16xi32>
      %parallel_loop3A_417 = arith.cmpi ne, %parallel_loop3A_414, %parallel_loop3A_416 : vector<16xi32>
      %parallel_loop3A_418 = arith.constant -1 : i32
      %parallel_loop3A_419 = vector.broadcast %parallel_loop3A_418 : i32 to vector<16xi32>
      %parallel_loop3A_420 = arith.select %parallel_loop3A_417, %parallel_loop3A_411, %parallel_loop3A_419 : vector<16xi1>, vector<16xi32>
      %parallel_loop3A_421 = arith.constant 16 : i32
      %parallel_loop3A_422 = arith.muli %parallel_loop3A_403, %parallel_loop3A_421 : i32
      %parallel_loop3A_423 = arith.index_cast %parallel_loop3A_422 : i32 to index
      %parallel_loop3A_424 = tpu.vector_load %arg6[%parallel_loop3A_423] {strides = array<i32>} : memref<32768xi32, #tpu.memory_space<vmem>>, vector<16xi32>,
      tpu.vector_store %arg6[%parallel_loop3A_423], %parallel_loop3A_420 {strides = array<i32>} : memref<32768xi32, #tpu.memory_space<vmem>>, vector<16xi32>,
      %parallel_loop3A_425 = arith.constant 20 : i32
      %parallel_loop3A_426 = vector.broadcast %parallel_loop3A_425 : i32 to vector<16xi32>
      %parallel_loop3A_427 = arith.shrsi %parallel_loop3A_420, %parallel_loop3A_426 : vector<16xi32>
      tpu.vector_store_idx %arg7[%parallel_loop3A_427], %broadcast_in_dim3A_0 masked %parallel_loop3A_417 {add = true} : memref<2048xi32, #tpu.memory_space<vmem>>[vector<16xi32>], vector<16xi32>, vector<16xi1>
    } {sc.loop_unroll_factor = 8 : i64, sc.parallel_access}
    %parallel_loop3A_214 = arith.constant 0 : i32
    %parallel_loop3A_215 = arith.constant 128 : i32
    %parallel_loop3A_216 = arith.constant 1 : i32
    scf.for %parallel_loop3A_403 = %parallel_loop3A_214 to %parallel_loop3A_215 step %parallel_loop3A_216  : i32 {
      %parallel_loop3A_404 = arith.constant 16 : i32
      %parallel_loop3A_405 = arith.muli %parallel_loop3A_403, %parallel_loop3A_404 : i32
      %parallel_loop3A_406 = arith.index_cast %parallel_loop3A_405 : i32 to index
      %parallel_loop3A_407 = tpu.vector_load %arg7[%parallel_loop3A_406] {strides = array<i32>} : memref<2048xi32, #tpu.memory_space<vmem>>, vector<16xi32>,
      %parallel_loop3A_408 = arith.constant true
      %parallel_loop3A_409 = vector.broadcast %parallel_loop3A_408 : i1 to vector<16xi1>
      %parallel_loop3A_410 = tpu.scan <sum>, %parallel_loop3A_407 masked %parallel_loop3A_409 : vector<16xi32>, vector<16xi1> -> vector<16xi32>
      %parallel_loop3A_411 = vector.extract %parallel_loop3A_410[15] : i32 from vector<16xi32>
      %parallel_loop3A_412 = arith.index_cast %parallel_loop3A_403 : i32 to index
      %parallel_loop3A_413 = memref.load %arg8[%parallel_loop3A_412] : memref<128xi32, #tpu.memory_space<smem>>
      memref.store %parallel_loop3A_411, %arg8[%parallel_loop3A_412] : memref<128xi32, #tpu.memory_space<smem>>
    } {sc.loop_unroll_factor = 8 : i64, sc.parallel_access}
    %scan3A_217 = arith.constant 3276 : i32
    %scan3A_218 = arith.constant 0 : i32
    %scan3A_219 = arith.constant 0 : i32
    %scan3A_220 = arith.constant 0 : i32
    %scan3A_221 = arith.constant 0 : i32
    %scan3A_222 = arith.constant 0 : i32
    %scan3A_223 = arith.constant 128 : i32
    %scan3A_224 = arith.addi %scan3A_222, %scan3A_223 : i32
    %scan3A_225 = arith.constant 4 : i32
    %scan3A_226:4 = scf.for %scan3A_403 = %scan3A_222 to %scan3A_224 step %scan3A_225 iter_args(%scan3A_404 = %scan3A_218, %scan3A_405 = %scan3A_219, %scan3A_406 = %scan3A_220, %scan3A_407 = %scan3A_221) -> (i32, i32, i32, i32)  : i32 {
      %sub3A_408 = arith.constant 127 : i32
      %sub3A_409 = arith.subi %sub3A_408, %scan3A_403 : i32
      %get3A_410 = arith.index_cast %sub3A_409 : i32 to index
      %get3A_411 = memref.load %arg8[%get3A_410] : memref<128xi32, #tpu.memory_space<smem>>
      %eq3A_412 = arith.constant 0 : i32
      %eq3A_413 = arith.cmpi eq, %scan3A_404, %eq3A_412 : i32
      %add3A_414 = arith.addi %scan3A_407, %get3A_411 : i32
      %ge3A_415 = arith.cmpi sge, %add3A_414, %scan3A_217 : i32
      %and3A_416 = arith.andi %eq3A_413, %ge3A_415 : i1
      %jit3A_417 = arith.constant 1 : i32
      %select_n3A_418 = arith.select %and3A_416, %jit3A_417, %scan3A_404 : i32
      %select_n3A_419 = arith.select %and3A_416, %sub3A_409, %scan3A_405 : i32
      %sub3A_420 = arith.subi %scan3A_217, %scan3A_407 : i32
      %select_n3A_421 = arith.select %and3A_416, %sub3A_420, %scan3A_406 : i32
      %add3A_422 = arith.addi %scan3A_407, %get3A_411 : i32
      %scan3A_423 = arith.constant 1 : i32
      %scan3A_424 = arith.addi %scan3A_403, %scan3A_423 : i32
      %sub3A_425 = arith.constant 127 : i32
      %sub3A_426 = arith.subi %sub3A_425, %scan3A_424 : i32
      %get3A_427 = arith.index_cast %sub3A_426 : i32 to index
      %get3A_428 = memref.load %arg8[%get3A_427] : memref<128xi32, #tpu.memory_space<smem>>
      %eq3A_429 = arith.constant 0 : i32
      %eq3A_430 = arith.cmpi eq, %select_n3A_418, %eq3A_429 : i32
      %add3A_431 = arith.addi %add3A_422, %get3A_428 : i32
      %ge3A_432 = arith.cmpi sge, %add3A_431, %scan3A_217 : i32
      %and3A_433 = arith.andi %eq3A_430, %ge3A_432 : i1
      %jit3A_434 = arith.constant 1 : i32
      %select_n3A_435 = arith.select %and3A_433, %jit3A_434, %select_n3A_418 : i32
      %select_n3A_436 = arith.select %and3A_433, %sub3A_426, %select_n3A_419 : i32
      %sub3A_437 = arith.subi %scan3A_217, %add3A_422 : i32
      %select_n3A_438 = arith.select %and3A_433, %sub3A_437, %select_n3A_421 : i32
      %add3A_439 = arith.addi %add3A_422, %get3A_428 : i32
      %scan3A_440 = arith.constant 2 : i32
      %scan3A_441 = arith.addi %scan3A_403, %scan3A_440 : i32
      %sub3A_442 = arith.constant 127 : i32
      %sub3A_443 = arith.subi %sub3A_442, %scan3A_441 : i32
      %get3A_444 = arith.index_cast %sub3A_443 : i32 to index
      %get3A_445 = memref.load %arg8[%get3A_444] : memref<128xi32, #tpu.memory_space<smem>>
      %eq3A_446 = arith.constant 0 : i32
      %eq3A_447 = arith.cmpi eq, %select_n3A_435, %eq3A_446 : i32
      %add3A_448 = arith.addi %add3A_439, %get3A_445 : i32
      %ge3A_449 = arith.cmpi sge, %add3A_448, %scan3A_217 : i32
      %and3A_450 = arith.andi %eq3A_447, %ge3A_449 : i1
      %jit3A_451 = arith.constant 1 : i32
      %select_n3A_452 = arith.select %and3A_450, %jit3A_451, %select_n3A_435 : i32
      %select_n3A_453 = arith.select %and3A_450, %sub3A_443, %select_n3A_436 : i32
      %sub3A_454 = arith.subi %scan3A_217, %add3A_439 : i32
      %select_n3A_455 = arith.select %and3A_450, %sub3A_454, %select_n3A_438 : i32
      %add3A_456 = arith.addi %add3A_439, %get3A_445 : i32
      %scan3A_457 = arith.constant 3 : i32
      %scan3A_458 = arith.addi %scan3A_403, %scan3A_457 : i32
      %sub3A_459 = arith.constant 127 : i32
      %sub3A_460 = arith.subi %sub3A_459, %scan3A_458 : i32
      %get3A_461 = arith.index_cast %sub3A_460 : i32 to index
      %get3A_462 = memref.load %arg8[%get3A_461] : memref<128xi32, #tpu.memory_space<smem>>
      %eq3A_463 = arith.constant 0 : i32
      %eq3A_464 = arith.cmpi eq, %select_n3A_452, %eq3A_463 : i32
      %add3A_465 = arith.addi %add3A_456, %get3A_462 : i32
      %ge3A_466 = arith.cmpi sge, %add3A_465, %scan3A_217 : i32
      %and3A_467 = arith.andi %eq3A_464, %ge3A_466 : i1
      %jit3A_468 = arith.constant 1 : i32
      %select_n3A_469 = arith.select %and3A_467, %jit3A_468, %select_n3A_452 : i32
      %select_n3A_470 = arith.select %and3A_467, %sub3A_460, %select_n3A_453 : i32
      %sub3A_471 = arith.subi %scan3A_217, %add3A_456 : i32
      %select_n3A_472 = arith.select %and3A_467, %sub3A_471, %select_n3A_455 : i32
      %add3A_473 = arith.addi %add3A_456, %get3A_462 : i32
      scf.yield %select_n3A_469, %select_n3A_470, %select_n3A_472, %add3A_473 : i32, i32, i32, i32
    }
    %scan3A_227 = arith.constant 128 : i32
    %mul3A_228 = arith.constant 16 : i32
    %mul3A_229 = arith.muli %scan3A_226#1, %mul3A_228 : i32
    %get3A_230 = arith.index_cast %mul3A_229 : i32 to index
    %get3A_231 = tpu.vector_load %arg7[%get3A_230] {strides = array<i32>} : memref<2048xi32, #tpu.memory_space<vmem>>, vector<16xi32>,
    %broadcast_in_dim3A_232 = arith.constant true
    %broadcast_in_dim3A_233 = vector.broadcast %broadcast_in_dim3A_232 : i1 to vector<16xi1>
    %masked_cumsum3A_234 = tpu.scan <sum>, %get3A_231 masked %broadcast_in_dim3A_233 : vector<16xi32>, vector<16xi1> -> vector<16xi32>
    %slice3A_235 = vector.extract_strided_slice %masked_cumsum3A_234 {offsets = [15], sizes = [1], strides = [1]} : vector<16xi32> to vector<1xi32>
    %squeeze3A_236 = vector.extract %slice3A_235[0] : i32 from vector<1xi32>
    %sub3A_237 = vector.broadcast %squeeze3A_236 : i32 to vector<16xi32>
    %sub3A_238 = arith.subi %sub3A_237, %masked_cumsum3A_234 : vector<16xi32>
    %add3A_239 = arith.addi %sub3A_238, %get3A_231 : vector<16xi32>
    %ge3A_240 = vector.broadcast %scan3A_226#2 : i32 to vector<16xi32>
    %ge3A_241 = arith.cmpi sge, %add3A_239, %ge3A_240 : vector<16xi32>
    %all_reduce_population_count3A_242 = tpu.all_reduce %ge3A_241 {dim = 0 : i64, kind = #tpu.reduction_kind<sum>} : vector<16xi1> -> vector<16xi32>
    %slice3A_243 = vector.extract_strided_slice %all_reduce_population_count3A_242 {offsets = [0], sizes = [1], strides = [1]} : vector<16xi32> to vector<1xi32>
    %squeeze3A_244 = vector.extract %slice3A_243[0] : i32 from vector<1xi32>
    %sub3A_245 = arith.constant 1 : i32
    %sub3A_246 = arith.subi %squeeze3A_244, %sub3A_245 : i32
    %eq3A_247 = vector.broadcast %sub3A_246 : i32 to vector<16xi32>
    %eq3A_248 = arith.cmpi eq, %iota3A, %eq3A_247 : vector<16xi32>
    %jit3A_249 = arith.constant 0 : i32
    %broadcast_in_dim3A_250 = vector.broadcast %jit3A_249 : i32 to vector<16xi32>
    %select_n3A_251 = arith.select %eq3A_248, %masked_cumsum3A_234, %broadcast_in_dim3A_250 : vector<16xi1>, vector<16xi32>
    %reduce_sum3A_252 = arith.constant true
    %reduce_sum3A_253 = vector.broadcast %reduce_sum3A_252 : i1 to vector<16xi1>
    %reduce_sum3A_254 = tpu.scan <sum>, %select_n3A_251 masked %reduce_sum3A_253 : vector<16xi32>, vector<16xi1> -> vector<16xi32>
    %reduce_sum3A_255 = vector.extract %reduce_sum3A_254[15] : i32 from vector<16xi32>
    %mul3A_256 = arith.constant 16 : i32
    %mul3A_257 = arith.muli %scan3A_226#1, %mul3A_256 : i32
    %add3A_258 = arith.addi %mul3A_257, %sub3A_246 : i32
    %sub3A_259 = arith.subi %squeeze3A_236, %reduce_sum3A_255 : i32
    %sub3A_260 = arith.subi %scan3A_226#2, %sub3A_259 : i32
    %broadcast_in_dim3A_261 = arith.constant 0 : i32
    %broadcast_in_dim3A_262 = vector.broadcast %broadcast_in_dim3A_261 : i32 to vector<16xi32>
    %parallel_loop3A_263 = arith.constant 0 : i32
    %parallel_loop3A_264 = arith.constant 128 : i32
    %parallel_loop3A_265 = arith.constant 1 : i32
    scf.for %parallel_loop3A_403 = %parallel_loop3A_263 to %parallel_loop3A_264 step %parallel_loop3A_265  : i32 {
      %parallel_loop3A_404 = arith.constant 16 : i32
      %parallel_loop3A_405 = arith.muli %parallel_loop3A_403, %parallel_loop3A_404 : i32
      %parallel_loop3A_406 = arith.index_cast %parallel_loop3A_405 : i32 to index
      %parallel_loop3A_407 = tpu.vector_load %arg7[%parallel_loop3A_406] {strides = array<i32>} : memref<2048xi32, #tpu.memory_space<vmem>>, vector<16xi32>,
      tpu.vector_store %arg7[%parallel_loop3A_406], %broadcast_in_dim3A_262 {strides = array<i32>} : memref<2048xi32, #tpu.memory_space<vmem>>, vector<16xi32>,
    } {sc.loop_unroll_factor = 8 : i64, sc.parallel_access}
    %parallel_loop3A_266 = arith.constant 0 : i32
    %parallel_loop3A_267 = arith.constant 2048 : i32
    %parallel_loop3A_268 = arith.constant 1 : i32
    scf.for %parallel_loop3A_403 = %parallel_loop3A_266 to %parallel_loop3A_267 step %parallel_loop3A_268  : i32 {
      %parallel_loop3A_404 = arith.constant 16 : i32
      %parallel_loop3A_405 = arith.muli %parallel_loop3A_403, %parallel_loop3A_404 : i32
      %parallel_loop3A_406 = arith.index_cast %parallel_loop3A_405 : i32 to index
      %parallel_loop3A_407 = tpu.vector_load %arg6[%parallel_loop3A_406] {strides = array<i32>} : memref<32768xi32, #tpu.memory_space<vmem>>, vector<16xi32>,
      %parallel_loop3A_408 = arith.constant 20 : i32
      %parallel_loop3A_409 = vector.broadcast %parallel_loop3A_408 : i32 to vector<16xi32>
      %parallel_loop3A_410 = arith.shrsi %parallel_loop3A_407, %parallel_loop3A_409 : vector<16xi32>
      %parallel_loop3A_411 = vector.broadcast %add3A_258 : i32 to vector<16xi32>
      %parallel_loop3A_412 = arith.cmpi eq, %parallel_loop3A_410, %parallel_loop3A_411 : vector<16xi32>
      %parallel_loop3A_413 = arith.constant 9 : i32
      %parallel_loop3A_414 = vector.broadcast %parallel_loop3A_413 : i32 to vector<16xi32>
      %parallel_loop3A_415 = arith.shrsi %parallel_loop3A_407, %parallel_loop3A_414 : vector<16xi32>
      %parallel_loop3A_416 = arith.constant 2047 : i32
      %parallel_loop3A_417 = vector.broadcast %parallel_loop3A_416 : i32 to vector<16xi32>
      %parallel_loop3A_418 = arith.andi %parallel_loop3A_415, %parallel_loop3A_417 : vector<16xi32>
      tpu.vector_store_idx %arg7[%parallel_loop3A_418], %broadcast_in_dim3A_0 masked %parallel_loop3A_412 {add = true} : memref<2048xi32, #tpu.memory_space<vmem>>[vector<16xi32>], vector<16xi32>, vector<16xi1>
    } {sc.loop_unroll_factor = 8 : i64, sc.parallel_access}
    %parallel_loop3A_269 = arith.constant 0 : i32
    %parallel_loop3A_270 = arith.constant 128 : i32
    %parallel_loop3A_271 = arith.constant 1 : i32
    scf.for %parallel_loop3A_403 = %parallel_loop3A_269 to %parallel_loop3A_270 step %parallel_loop3A_271  : i32 {
      %parallel_loop3A_404 = arith.constant 16 : i32
      %parallel_loop3A_405 = arith.muli %parallel_loop3A_403, %parallel_loop3A_404 : i32
      %parallel_loop3A_406 = arith.index_cast %parallel_loop3A_405 : i32 to index
      %parallel_loop3A_407 = tpu.vector_load %arg7[%parallel_loop3A_406] {strides = array<i32>} : memref<2048xi32, #tpu.memory_space<vmem>>, vector<16xi32>,
      %parallel_loop3A_408 = arith.constant true
      %parallel_loop3A_409 = vector.broadcast %parallel_loop3A_408 : i1 to vector<16xi1>
      %parallel_loop3A_410 = tpu.scan <sum>, %parallel_loop3A_407 masked %parallel_loop3A_409 : vector<16xi32>, vector<16xi1> -> vector<16xi32>
      %parallel_loop3A_411 = vector.extract %parallel_loop3A_410[15] : i32 from vector<16xi32>
      %parallel_loop3A_412 = arith.index_cast %parallel_loop3A_403 : i32 to index
      %parallel_loop3A_413 = memref.load %arg8[%parallel_loop3A_412] : memref<128xi32, #tpu.memory_space<smem>>
      memref.store %parallel_loop3A_411, %arg8[%parallel_loop3A_412] : memref<128xi32, #tpu.memory_space<smem>>
    } {sc.loop_unroll_factor = 8 : i64, sc.parallel_access}
    %scan3A_272 = arith.constant 0 : i32
    %scan3A_273 = arith.constant 0 : i32
    %scan3A_274 = arith.constant 0 : i32
    %scan3A_275 = arith.constant 0 : i32
    %scan3A_276 = arith.constant 0 : i32
    %scan3A_277 = arith.constant 128 : i32
    %scan3A_278 = arith.addi %scan3A_276, %scan3A_277 : i32
    %scan3A_279 = arith.constant 4 : i32
    %scan3A_280:4 = scf.for %scan3A_403 = %scan3A_276 to %scan3A_278 step %scan3A_279 iter_args(%scan3A_404 = %scan3A_272, %scan3A_405 = %scan3A_273, %scan3A_406 = %scan3A_274, %scan3A_407 = %scan3A_275) -> (i32, i32, i32, i32)  : i32 {
      %sub3A_408 = arith.constant 127 : i32
      %sub3A_409 = arith.subi %sub3A_408, %scan3A_403 : i32
      %get3A_410 = arith.index_cast %sub3A_409 : i32 to index
      %get3A_411 = memref.load %arg8[%get3A_410] : memref<128xi32, #tpu.memory_space<smem>>
      %eq3A_412 = arith.constant 0 : i32
      %eq3A_413 = arith.cmpi eq, %scan3A_404, %eq3A_412 : i32
      %add3A_414 = arith.addi %scan3A_407, %get3A_411 : i32
      %ge3A_415 = arith.cmpi sge, %add3A_414, %sub3A_260 : i32
      %and3A_416 = arith.andi %eq3A_413, %ge3A_415 : i1
      %jit3A_417 = arith.constant 1 : i32
      %select_n3A_418 = arith.select %and3A_416, %jit3A_417, %scan3A_404 : i32
      %select_n3A_419 = arith.select %and3A_416, %sub3A_409, %scan3A_405 : i32
      %sub3A_420 = arith.subi %sub3A_260, %scan3A_407 : i32
      %select_n3A_421 = arith.select %and3A_416, %sub3A_420, %scan3A_406 : i32
      %add3A_422 = arith.addi %scan3A_407, %get3A_411 : i32
      %scan3A_423 = arith.constant 1 : i32
      %scan3A_424 = arith.addi %scan3A_403, %scan3A_423 : i32
      %sub3A_425 = arith.constant 127 : i32
      %sub3A_426 = arith.subi %sub3A_425, %scan3A_424 : i32
      %get3A_427 = arith.index_cast %sub3A_426 : i32 to index
      %get3A_428 = memref.load %arg8[%get3A_427] : memref<128xi32, #tpu.memory_space<smem>>
      %eq3A_429 = arith.constant 0 : i32
      %eq3A_430 = arith.cmpi eq, %select_n3A_418, %eq3A_429 : i32
      %add3A_431 = arith.addi %add3A_422, %get3A_428 : i32
      %ge3A_432 = arith.cmpi sge, %add3A_431, %sub3A_260 : i32
      %and3A_433 = arith.andi %eq3A_430, %ge3A_432 : i1
      %jit3A_434 = arith.constant 1 : i32
      %select_n3A_435 = arith.select %and3A_433, %jit3A_434, %select_n3A_418 : i32
      %select_n3A_436 = arith.select %and3A_433, %sub3A_426, %select_n3A_419 : i32
      %sub3A_437 = arith.subi %sub3A_260, %add3A_422 : i32
      %select_n3A_438 = arith.select %and3A_433, %sub3A_437, %select_n3A_421 : i32
      %add3A_439 = arith.addi %add3A_422, %get3A_428 : i32
      %scan3A_440 = arith.constant 2 : i32
      %scan3A_441 = arith.addi %scan3A_403, %scan3A_440 : i32
      %sub3A_442 = arith.constant 127 : i32
      %sub3A_443 = arith.subi %sub3A_442, %scan3A_441 : i32
      %get3A_444 = arith.index_cast %sub3A_443 : i32 to index
      %get3A_445 = memref.load %arg8[%get3A_444] : memref<128xi32, #tpu.memory_space<smem>>
      %eq3A_446 = arith.constant 0 : i32
      %eq3A_447 = arith.cmpi eq, %select_n3A_435, %eq3A_446 : i32
      %add3A_448 = arith.addi %add3A_439, %get3A_445 : i32
      %ge3A_449 = arith.cmpi sge, %add3A_448, %sub3A_260 : i32
      %and3A_450 = arith.andi %eq3A_447, %ge3A_449 : i1
      %jit3A_451 = arith.constant 1 : i32
      %select_n3A_452 = arith.select %and3A_450, %jit3A_451, %select_n3A_435 : i32
      %select_n3A_453 = arith.select %and3A_450, %sub3A_443, %select_n3A_436 : i32
      %sub3A_454 = arith.subi %sub3A_260, %add3A_439 : i32
      %select_n3A_455 = arith.select %and3A_450, %sub3A_454, %select_n3A_438 : i32
      %add3A_456 = arith.addi %add3A_439, %get3A_445 : i32
      %scan3A_457 = arith.constant 3 : i32
      %scan3A_458 = arith.addi %scan3A_403, %scan3A_457 : i32
      %sub3A_459 = arith.constant 127 : i32
      %sub3A_460 = arith.subi %sub3A_459, %scan3A_458 : i32
      %get3A_461 = arith.index_cast %sub3A_460 : i32 to index
      %get3A_462 = memref.load %arg8[%get3A_461] : memref<128xi32, #tpu.memory_space<smem>>
      %eq3A_463 = arith.constant 0 : i32
      %eq3A_464 = arith.cmpi eq, %select_n3A_452, %eq3A_463 : i32
      %add3A_465 = arith.addi %add3A_456, %get3A_462 : i32
      %ge3A_466 = arith.cmpi sge, %add3A_465, %sub3A_260 : i32
      %and3A_467 = arith.andi %eq3A_464, %ge3A_466 : i1
      %jit3A_468 = arith.constant 1 : i32
      %select_n3A_469 = arith.select %and3A_467, %jit3A_468, %select_n3A_452 : i32
      %select_n3A_470 = arith.select %and3A_467, %sub3A_460, %select_n3A_453 : i32
      %sub3A_471 = arith.subi %sub3A_260, %add3A_456 : i32
      %select_n3A_472 = arith.select %and3A_467, %sub3A_471, %select_n3A_455 : i32
      %add3A_473 = arith.addi %add3A_456, %get3A_462 : i32
      scf.yield %select_n3A_469, %select_n3A_470, %select_n3A_472, %add3A_473 : i32, i32, i32, i32
    }
    %scan3A_281 = arith.constant 128 : i32
    %mul3A_282 = arith.constant 16 : i32
    %mul3A_283 = arith.muli %scan3A_280#1, %mul3A_282 : i32
    %get3A_284 = arith.index_cast %mul3A_283 : i32 to index
    %get3A_285 = tpu.vector_load %arg7[%get3A_284] {strides = array<i32>} : memref<2048xi32, #tpu.memory_space<vmem>>, vector<16xi32>,
    %broadcast_in_dim3A_286 = arith.constant true
    %broadcast_in_dim3A_287 = vector.broadcast %broadcast_in_dim3A_286 : i1 to vector<16xi1>
    %masked_cumsum3A_288 = tpu.scan <sum>, %get3A_285 masked %broadcast_in_dim3A_287 : vector<16xi32>, vector<16xi1> -> vector<16xi32>
    %slice3A_289 = vector.extract_strided_slice %masked_cumsum3A_288 {offsets = [15], sizes = [1], strides = [1]} : vector<16xi32> to vector<1xi32>
    %squeeze3A_290 = vector.extract %slice3A_289[0] : i32 from vector<1xi32>
    %sub3A_291 = vector.broadcast %squeeze3A_290 : i32 to vector<16xi32>
    %sub3A_292 = arith.subi %sub3A_291, %masked_cumsum3A_288 : vector<16xi32>
    %add3A_293 = arith.addi %sub3A_292, %get3A_285 : vector<16xi32>
    %ge3A_294 = vector.broadcast %scan3A_280#2 : i32 to vector<16xi32>
    %ge3A_295 = arith.cmpi sge, %add3A_293, %ge3A_294 : vector<16xi32>
    %all_reduce_population_count3A_296 = tpu.all_reduce %ge3A_295 {dim = 0 : i64, kind = #tpu.reduction_kind<sum>} : vector<16xi1> -> vector<16xi32>
    %slice3A_297 = vector.extract_strided_slice %all_reduce_population_count3A_296 {offsets = [0], sizes = [1], strides = [1]} : vector<16xi32> to vector<1xi32>
    %squeeze3A_298 = vector.extract %slice3A_297[0] : i32 from vector<1xi32>
    %sub3A_299 = arith.constant 1 : i32
    %sub3A_300 = arith.subi %squeeze3A_298, %sub3A_299 : i32
    %eq3A_301 = vector.broadcast %sub3A_300 : i32 to vector<16xi32>
    %eq3A_302 = arith.cmpi eq, %iota3A, %eq3A_301 : vector<16xi32>
    %jit3A_303 = arith.constant 0 : i32
    %broadcast_in_dim3A_304 = vector.broadcast %jit3A_303 : i32 to vector<16xi32>
    %select_n3A_305 = arith.select %eq3A_302, %masked_cumsum3A_288, %broadcast_in_dim3A_304 : vector<16xi1>, vector<16xi32>
    %reduce_sum3A_306 = arith.constant true
    %reduce_sum3A_307 = vector.broadcast %reduce_sum3A_306 : i1 to vector<16xi1>
    %reduce_sum3A_308 = tpu.scan <sum>, %select_n3A_305 masked %reduce_sum3A_307 : vector<16xi32>, vector<16xi1> -> vector<16xi32>
    %reduce_sum3A_309 = vector.extract %reduce_sum3A_308[15] : i32 from vector<16xi32>
    %mul3A_310 = arith.constant 16 : i32
    %mul3A_311 = arith.muli %scan3A_280#1, %mul3A_310 : i32
    %add3A_312 = arith.addi %mul3A_311, %sub3A_300 : i32
    %sub3A_313 = arith.subi %squeeze3A_290, %reduce_sum3A_309 : i32
    %sub3A_314 = arith.subi %scan3A_280#2, %sub3A_313 : i32
    %broadcast_in_dim3A_315 = arith.constant 0 : i32
    %broadcast_in_dim3A_316 = vector.broadcast %broadcast_in_dim3A_315 : i32 to vector<16xi32>
    %parallel_loop3A_317 = arith.constant 0 : i32
    %parallel_loop3A_318 = arith.constant 32 : i32
    %parallel_loop3A_319 = arith.constant 1 : i32
    scf.for %parallel_loop3A_403 = %parallel_loop3A_317 to %parallel_loop3A_318 step %parallel_loop3A_319  : i32 {
      %parallel_loop3A_404 = arith.constant 16 : i32
      %parallel_loop3A_405 = arith.muli %parallel_loop3A_403, %parallel_loop3A_404 : i32
      %parallel_loop3A_406 = arith.index_cast %parallel_loop3A_405 : i32 to index
      %parallel_loop3A_407 = tpu.vector_load %arg7[%parallel_loop3A_406] {strides = array<i32>} : memref<2048xi32, #tpu.memory_space<vmem>>, vector<16xi32>,
      tpu.vector_store %arg7[%parallel_loop3A_406], %broadcast_in_dim3A_316 {strides = array<i32>} : memref<2048xi32, #tpu.memory_space<vmem>>, vector<16xi32>,
    } {sc.loop_unroll_factor = 8 : i64, sc.parallel_access}
    %shift_left3A_320 = arith.constant 11 : i32
    %shift_left3A_321 = arith.shli %add3A_258, %shift_left3A_320 : i32
    %or3A_322 = arith.ori %shift_left3A_321, %add3A_312 : i32
    %parallel_loop3A_323 = arith.constant 0 : i32
    %parallel_loop3A_324 = arith.constant 2048 : i32
    %parallel_loop3A_325 = arith.constant 1 : i32
    scf.for %parallel_loop3A_403 = %parallel_loop3A_323 to %parallel_loop3A_324 step %parallel_loop3A_325  : i32 {
      %parallel_loop3A_404 = arith.constant 16 : i32
      %parallel_loop3A_405 = arith.muli %parallel_loop3A_403, %parallel_loop3A_404 : i32
      %parallel_loop3A_406 = arith.index_cast %parallel_loop3A_405 : i32 to index
      %parallel_loop3A_407 = tpu.vector_load %arg6[%parallel_loop3A_406] {strides = array<i32>} : memref<32768xi32, #tpu.memory_space<vmem>>, vector<16xi32>,
      %parallel_loop3A_408 = arith.constant 9 : i32
      %parallel_loop3A_409 = vector.broadcast %parallel_loop3A_408 : i32 to vector<16xi32>
      %parallel_loop3A_410 = arith.shrsi %parallel_loop3A_407, %parallel_loop3A_409 : vector<16xi32>
      %parallel_loop3A_411 = vector.broadcast %or3A_322 : i32 to vector<16xi32>
      %parallel_loop3A_412 = arith.cmpi eq, %parallel_loop3A_410, %parallel_loop3A_411 : vector<16xi32>
      %parallel_loop3A_413 = arith.constant 511 : i32
      %parallel_loop3A_414 = vector.broadcast %parallel_loop3A_413 : i32 to vector<16xi32>
      %parallel_loop3A_415 = arith.andi %parallel_loop3A_407, %parallel_loop3A_414 : vector<16xi32>
      tpu.vector_store_idx %arg7[%parallel_loop3A_415], %broadcast_in_dim3A_0 masked %parallel_loop3A_412 {add = true} : memref<2048xi32, #tpu.memory_space<vmem>>[vector<16xi32>], vector<16xi32>, vector<16xi1>
    } {sc.loop_unroll_factor = 8 : i64, sc.parallel_access}
    %parallel_loop3A_326 = arith.constant 0 : i32
    %parallel_loop3A_327 = arith.constant 32 : i32
    %parallel_loop3A_328 = arith.constant 1 : i32
    scf.for %parallel_loop3A_403 = %parallel_loop3A_326 to %parallel_loop3A_327 step %parallel_loop3A_328  : i32 {
      %parallel_loop3A_404 = arith.constant 16 : i32
      %parallel_loop3A_405 = arith.muli %parallel_loop3A_403, %parallel_loop3A_404 : i32
      %parallel_loop3A_406 = arith.index_cast %parallel_loop3A_405 : i32 to index
      %parallel_loop3A_407 = tpu.vector_load %arg7[%parallel_loop3A_406] {strides = array<i32>} : memref<2048xi32, #tpu.memory_space<vmem>>, vector<16xi32>,
      %parallel_loop3A_408 = arith.constant true
      %parallel_loop3A_409 = vector.broadcast %parallel_loop3A_408 : i1 to vector<16xi1>
      %parallel_loop3A_410 = tpu.scan <sum>, %parallel_loop3A_407 masked %parallel_loop3A_409 : vector<16xi32>, vector<16xi1> -> vector<16xi32>
      %parallel_loop3A_411 = vector.extract %parallel_loop3A_410[15] : i32 from vector<16xi32>
      %parallel_loop3A_412 = arith.index_cast %parallel_loop3A_403 : i32 to index
      %parallel_loop3A_413 = memref.load %arg8[%parallel_loop3A_412] : memref<128xi32, #tpu.memory_space<smem>>
      memref.store %parallel_loop3A_411, %arg8[%parallel_loop3A_412] : memref<128xi32, #tpu.memory_space<smem>>
    } {sc.loop_unroll_factor = 8 : i64, sc.parallel_access}
    %scan3A_329 = arith.constant 0 : i32
    %scan3A_330 = arith.constant 0 : i32
    %scan3A_331 = arith.constant 0 : i32
    %scan3A_332 = arith.constant 0 : i32
    %scan3A_333 = arith.constant 0 : i32
    %scan3A_334 = arith.constant 32 : i32
    %scan3A_335 = arith.addi %scan3A_333, %scan3A_334 : i32
    %scan3A_336 = arith.constant 4 : i32
    %scan3A_337:4 = scf.for %scan3A_403 = %scan3A_333 to %scan3A_335 step %scan3A_336 iter_args(%scan3A_404 = %scan3A_329, %scan3A_405 = %scan3A_330, %scan3A_406 = %scan3A_331, %scan3A_407 = %scan3A_332) -> (i32, i32, i32, i32)  : i32 {
      %sub3A_408 = arith.constant 31 : i32
      %sub3A_409 = arith.subi %sub3A_408, %scan3A_403 : i32
      %get3A_410 = arith.index_cast %sub3A_409 : i32 to index
      %get3A_411 = memref.load %arg8[%get3A_410] : memref<128xi32, #tpu.memory_space<smem>>
      %eq3A_412 = arith.constant 0 : i32
      %eq3A_413 = arith.cmpi eq, %scan3A_404, %eq3A_412 : i32
      %add3A_414 = arith.addi %scan3A_407, %get3A_411 : i32
      %ge3A_415 = arith.cmpi sge, %add3A_414, %sub3A_314 : i32
      %and3A_416 = arith.andi %eq3A_413, %ge3A_415 : i1
      %jit3A_417 = arith.constant 1 : i32
      %select_n3A_418 = arith.select %and3A_416, %jit3A_417, %scan3A_404 : i32
      %select_n3A_419 = arith.select %and3A_416, %sub3A_409, %scan3A_405 : i32
      %sub3A_420 = arith.subi %sub3A_314, %scan3A_407 : i32
      %select_n3A_421 = arith.select %and3A_416, %sub3A_420, %scan3A_406 : i32
      %add3A_422 = arith.addi %scan3A_407, %get3A_411 : i32
      %scan3A_423 = arith.constant 1 : i32
      %scan3A_424 = arith.addi %scan3A_403, %scan3A_423 : i32
      %sub3A_425 = arith.constant 31 : i32
      %sub3A_426 = arith.subi %sub3A_425, %scan3A_424 : i32
      %get3A_427 = arith.index_cast %sub3A_426 : i32 to index
      %get3A_428 = memref.load %arg8[%get3A_427] : memref<128xi32, #tpu.memory_space<smem>>
      %eq3A_429 = arith.constant 0 : i32
      %eq3A_430 = arith.cmpi eq, %select_n3A_418, %eq3A_429 : i32
      %add3A_431 = arith.addi %add3A_422, %get3A_428 : i32
      %ge3A_432 = arith.cmpi sge, %add3A_431, %sub3A_314 : i32
      %and3A_433 = arith.andi %eq3A_430, %ge3A_432 : i1
      %jit3A_434 = arith.constant 1 : i32
      %select_n3A_435 = arith.select %and3A_433, %jit3A_434, %select_n3A_418 : i32
      %select_n3A_436 = arith.select %and3A_433, %sub3A_426, %select_n3A_419 : i32
      %sub3A_437 = arith.subi %sub3A_314, %add3A_422 : i32
      %select_n3A_438 = arith.select %and3A_433, %sub3A_437, %select_n3A_421 : i32
      %add3A_439 = arith.addi %add3A_422, %get3A_428 : i32
      %scan3A_440 = arith.constant 2 : i32
      %scan3A_441 = arith.addi %scan3A_403, %scan3A_440 : i32
      %sub3A_442 = arith.constant 31 : i32
      %sub3A_443 = arith.subi %sub3A_442, %scan3A_441 : i32
      %get3A_444 = arith.index_cast %sub3A_443 : i32 to index
      %get3A_445 = memref.load %arg8[%get3A_444] : memref<128xi32, #tpu.memory_space<smem>>
      %eq3A_446 = arith.constant 0 : i32
      %eq3A_447 = arith.cmpi eq, %select_n3A_435, %eq3A_446 : i32
      %add3A_448 = arith.addi %add3A_439, %get3A_445 : i32
      %ge3A_449 = arith.cmpi sge, %add3A_448, %sub3A_314 : i32
      %and3A_450 = arith.andi %eq3A_447, %ge3A_449 : i1
      %jit3A_451 = arith.constant 1 : i32
      %select_n3A_452 = arith.select %and3A_450, %jit3A_451, %select_n3A_435 : i32
      %select_n3A_453 = arith.select %and3A_450, %sub3A_443, %select_n3A_436 : i32
      %sub3A_454 = arith.subi %sub3A_314, %add3A_439 : i32
      %select_n3A_455 = arith.select %and3A_450, %sub3A_454, %select_n3A_438 : i32
      %add3A_456 = arith.addi %add3A_439, %get3A_445 : i32
      %scan3A_457 = arith.constant 3 : i32
      %scan3A_458 = arith.addi %scan3A_403, %scan3A_457 : i32
      %sub3A_459 = arith.constant 31 : i32
      %sub3A_460 = arith.subi %sub3A_459, %scan3A_458 : i32
      %get3A_461 = arith.index_cast %sub3A_460 : i32 to index
      %get3A_462 = memref.load %arg8[%get3A_461] : memref<128xi32, #tpu.memory_space<smem>>
      %eq3A_463 = arith.constant 0 : i32
      %eq3A_464 = arith.cmpi eq, %select_n3A_452, %eq3A_463 : i32
      %add3A_465 = arith.addi %add3A_456, %get3A_462 : i32
      %ge3A_466 = arith.cmpi sge, %add3A_465, %sub3A_314 : i32
      %and3A_467 = arith.andi %eq3A_464, %ge3A_466 : i1
      %jit3A_468 = arith.constant 1 : i32
      %select_n3A_469 = arith.select %and3A_467, %jit3A_468, %select_n3A_452 : i32
      %select_n3A_470 = arith.select %and3A_467, %sub3A_460, %select_n3A_453 : i32
      %sub3A_471 = arith.subi %sub3A_314, %add3A_456 : i32
      %select_n3A_472 = arith.select %and3A_467, %sub3A_471, %select_n3A_455 : i32
      %add3A_473 = arith.addi %add3A_456, %get3A_462 : i32
      scf.yield %select_n3A_469, %select_n3A_470, %select_n3A_472, %add3A_473 : i32, i32, i32, i32
    }
    %scan3A_338 = arith.constant 32 : i32
    %mul3A_339 = arith.constant 16 : i32
    %mul3A_340 = arith.muli %scan3A_337#1, %mul3A_339 : i32
    %get3A_341 = arith.index_cast %mul3A_340 : i32 to index
    %get3A_342 = tpu.vector_load %arg7[%get3A_341] {strides = array<i32>} : memref<2048xi32, #tpu.memory_space<vmem>>, vector<16xi32>,
    %broadcast_in_dim3A_343 = arith.constant true
    %broadcast_in_dim3A_344 = vector.broadcast %broadcast_in_dim3A_343 : i1 to vector<16xi1>
    %masked_cumsum3A_345 = tpu.scan <sum>, %get3A_342 masked %broadcast_in_dim3A_344 : vector<16xi32>, vector<16xi1> -> vector<16xi32>
    %slice3A_346 = vector.extract_strided_slice %masked_cumsum3A_345 {offsets = [15], sizes = [1], strides = [1]} : vector<16xi32> to vector<1xi32>
    %squeeze3A_347 = vector.extract %slice3A_346[0] : i32 from vector<1xi32>
    %sub3A_348 = vector.broadcast %squeeze3A_347 : i32 to vector<16xi32>
    %sub3A_349 = arith.subi %sub3A_348, %masked_cumsum3A_345 : vector<16xi32>
    %add3A_350 = arith.addi %sub3A_349, %get3A_342 : vector<16xi32>
    %ge3A_351 = vector.broadcast %scan3A_337#2 : i32 to vector<16xi32>
    %ge3A_352 = arith.cmpi sge, %add3A_350, %ge3A_351 : vector<16xi32>
    %all_reduce_population_count3A_353 = tpu.all_reduce %ge3A_352 {dim = 0 : i64, kind = #tpu.reduction_kind<sum>} : vector<16xi1> -> vector<16xi32>
    %slice3A_354 = vector.extract_strided_slice %all_reduce_population_count3A_353 {offsets = [0], sizes = [1], strides = [1]} : vector<16xi32> to vector<1xi32>
    %squeeze3A_355 = vector.extract %slice3A_354[0] : i32 from vector<1xi32>
    %sub3A_356 = arith.constant 1 : i32
    %sub3A_357 = arith.subi %squeeze3A_355, %sub3A_356 : i32
    %eq3A_358 = vector.broadcast %sub3A_357 : i32 to vector<16xi32>
    %eq3A_359 = arith.cmpi eq, %iota3A, %eq3A_358 : vector<16xi32>
    %jit3A_360 = arith.constant 0 : i32
    %broadcast_in_dim3A_361 = vector.broadcast %jit3A_360 : i32 to vector<16xi32>
    %select_n3A_362 = arith.select %eq3A_359, %masked_cumsum3A_345, %broadcast_in_dim3A_361 : vector<16xi1>, vector<16xi32>
    %reduce_sum3A_363 = arith.constant true
    %reduce_sum3A_364 = vector.broadcast %reduce_sum3A_363 : i1 to vector<16xi1>
    %reduce_sum3A_365 = tpu.scan <sum>, %select_n3A_362 masked %reduce_sum3A_364 : vector<16xi32>, vector<16xi1> -> vector<16xi32>
    %reduce_sum3A_366 = vector.extract %reduce_sum3A_365[15] : i32 from vector<16xi32>
    %mul3A_367 = arith.constant 16 : i32
    %mul3A_368 = arith.muli %scan3A_337#1, %mul3A_367 : i32
    %add3A_369 = arith.addi %mul3A_368, %sub3A_357 : i32
    %sub3A_370 = arith.subi %squeeze3A_347, %reduce_sum3A_366 : i32
    %sub3A_371 = arith.subi %scan3A_337#2, %sub3A_370 : i32
    %shift_left3A_372 = arith.constant 9 : i32
    %shift_left3A_373 = arith.shli %or3A_322, %shift_left3A_372 : i32
    %or3A_374 = arith.ori %shift_left3A_373, %add3A_369 : i32
    %eq3A_375 = arith.constant 1 : i32
    %eq3A_376 = arith.cmpi eq, %scan3A_226#0, %eq3A_375 : i32
    %eq3A_377 = arith.constant 1 : i32
    %eq3A_378 = arith.cmpi eq, %scan3A_280#0, %eq3A_377 : i32
    %and3A_379 = arith.andi %eq3A_376, %eq3A_378 : i1
    %eq3A_380 = arith.constant 1 : i32
    %eq3A_381 = arith.cmpi eq, %scan3A_337#0, %eq3A_380 : i32
    %and3A_382 = arith.andi %and3A_379, %eq3A_381 : i1
    %jit3A_383 = arith.constant 0 : i32
    %select_n3A_384 = arith.select %and3A_382, %or3A_374, %jit3A_383 : i32
    %mul3A_385 = vector.broadcast %select_n3A_384 : i32 to vector<16xi32>
    %mul3A_386 = arith.muli %broadcast_in_dim3A_0, %mul3A_385 : vector<16xi32>
    %swap3A_387 = arith.constant 0 : index
    %swap3A_388 = tpu.vector_load %arg9[%swap3A_387] {strides = array<i32>} : memref<16xi32, #tpu.memory_space<vmem>>, vector<16xi32>,
    tpu.vector_store %arg9[%swap3A_387], %mul3A_386 {strides = array<i32>} : memref<16xi32, #tpu.memory_space<vmem>>, vector<16xi32>,
    %add3A_389 = arith.constant 1 : i32
    %add3A_390 = arith.addi %mul3A_3, %add3A_389 : i32
    %dma_start3A_391 = arith.constant 0 : i32
    %dma_start3A_392 = tpu.memref_slice %arg3[%add3A_390, %dma_start3A_391] : memref<64x16xi32, #tpu.memory_space<hbm>> -> memref<1x16xi32, #tpu.memory_space<hbm>>
    %dma_start3A_393 = tpu.memref_squeeze %dma_start3A_392 : memref<1x16xi32, #tpu.memory_space<hbm>> -> memref<16xi32, #tpu.memory_space<hbm>>
    %dma_start3A_394 = arith.constant 0 : i32
    %dma_start3A_395 = tpu.memref_slice %arg3[%add3A_390, %dma_start3A_394] : memref<64x16xi32, #tpu.memory_space<hbm>> -> memref<1x16xi32, #tpu.memory_space<hbm>>
    %dma_start3A_396 = tpu.memref_squeeze %dma_start3A_395 : memref<1x16xi32, #tpu.memory_space<hbm>> -> memref<16xi32, #tpu.memory_space<hbm>>
    tpu.enqueue_dma source(%arg9 : memref<16xi32, #tpu.memory_space<vmem>>) target(%dma_start3A_396 : memref<16xi32, #tpu.memory_space<hbm>>) target_semaphore(%arg11 : memref<!tpu.dma_semaphore, #tpu.memory_space<semaphore_mem>>)
    %dma_wait3A_397 = arith.constant 0 : i32
    %dma_wait3A_398 = tpu.memref_slice %arg3[%add3A_390, %dma_wait3A_397] : memref<64x16xi32, #tpu.memory_space<hbm>> -> memref<1x16xi32, #tpu.memory_space<hbm>>
    %dma_wait3A_399 = tpu.memref_squeeze %dma_wait3A_398 : memref<1x16xi32, #tpu.memory_space<hbm>> -> memref<16xi32, #tpu.memory_space<hbm>>
    %dma_wait3A_400 = arith.constant 0 : i32
    %dma_wait3A_401 = tpu.memref_slice %arg3[%add3A_390, %dma_wait3A_400] : memref<64x16xi32, #tpu.memory_space<hbm>> -> memref<1x16xi32, #tpu.memory_space<hbm>>
    %dma_wait3A_402 = tpu.memref_squeeze %dma_wait3A_401 : memref<1x16xi32, #tpu.memory_space<hbm>> -> memref<16xi32, #tpu.memory_space<hbm>>
    tpu.wait_dma2 semaphore(%arg11 : memref<!tpu.dma_semaphore, #tpu.memory_space<semaphore_mem>>) src(%arg9 : memref<16xi32, #tpu.memory_space<vmem>>) dst(%dma_wait3A_402 : memref<16xi32, #tpu.memory_space<hbm>>)
    return
  }
}

module attributes {stable_mosaic.version = 14 : i64} {
  func.func @_sig_kernel(%arg0: i32, %arg1: memref<64x4096xf32, #tpu.memory_space<vmem>>, %arg2: memref<64x16xi32, #tpu.memory_space<vmem>>, %arg3: memref<64x4096xi8, #tpu.memory_space<vmem>>) attributes {dimension_semantics = [#tpu.dimension_semantics<arbitrary>], iteration_bounds = array<i64: 8>, scalar_prefetch = 0 : i64, scratch_operands = 0 : i64, tpu.core_type = #tpu.core_type<tc>, window_params = [{transform_indices = @transform_0, window_bounds = array<i64: 64, 4096>}, {pipeline_mode = #tpu.pipeline_mode<synchronous>, transform_indices = @transform_1, window_bounds = array<i64: 64, 16>}, {transform_indices = @transform_2, window_bounds = array<i64: 64, 4096>}]} {
    %get3A = arith.constant 0 : index
    %get3A_0 = arith.constant 0 : index
    %get3A_1 = vector.load %arg1[%get3A, %get3A_0] : memref<64x4096xf32, #tpu.memory_space<vmem>>, vector<64x4096xf32>
    %get3A_2 = arith.constant 0 : index
    %get3A_3 = arith.constant 0 : index
    %get3A_4 = vector.load %arg2[%get3A_2, %get3A_3] : memref<64x16xi32, #tpu.memory_space<vmem>>, vector<64x16xi32>
    %slice3A = vector.extract_strided_slice %get3A_4 {offsets = [0, 0], sizes = [64, 1], strides = [1, 1]} : vector<64x16xi32> to vector<64x1xi32>
    %is_finite3A = tpu.weird %get3A_1 : vector<64x4096xf32> -> vector<64x4096xi1>
    %is_finite3A_5 = arith.constant dense<true> : vector<64x4096xi1>
    %is_finite3A_6 = arith.xori %is_finite3A, %is_finite3A_5 : vector<64x4096xi1>
    %abs3A = math.absf %get3A_1 : vector<64x4096xf32>
    %bitcast_convert_type3A = tpu.bitcast %abs3A : vector<64x4096xf32> -> vector<64x4096xi32>
    %jit3A = arith.constant -1 : i32
    %broadcast_in_dim3A = vector.broadcast %jit3A : i32 to vector<64x4096xi32>
    %select_n3A = arith.select %is_finite3A_6, %bitcast_convert_type3A, %broadcast_in_dim3A : vector<64x4096xi1>, vector<64x4096xi32>
    %ge3A = vector.broadcast %slice3A : vector<64x1xi32> to vector<64x4096xi32>
    %ge3A_7 = arith.cmpi sge, %select_n3A, %ge3A : vector<64x4096xi32>
    %and3A = arith.andi %ge3A_7, %is_finite3A_6 : vector<64x4096xi1>
    %convert_element_type3A = arith.extui %and3A : vector<64x4096xi1> to vector<64x4096xi8>
    %swap3A = arith.constant 0 : index
    %swap3A_8 = arith.constant 0 : index
    %swap3A_9 = vector.load %arg3[%swap3A, %swap3A_8] : memref<64x4096xi8, #tpu.memory_space<vmem>>, vector<64x4096xi8>
    tpu.vector_store %arg3[%swap3A, %swap3A_8], %convert_element_type3A {strides = array<i32>} : memref<64x4096xi8, #tpu.memory_space<vmem>>, vector<64x4096xi8>,
    return
  }
  func.func @transform_0(%arg0: i32) -> (i32, i32) {
    %c0_i32 = arith.constant 0 : i32
    %c0_i32_0 = arith.constant 0 : i32
    return %c0_i32, %arg0 : i32, i32
  }
  func.func @transform_1(%arg0: i32) -> (i32, i32) {
    %c0_i32 = arith.constant 0 : i32
    %c0_i32_0 = arith.constant 0 : i32
    %c0_i32_1 = arith.constant 0 : i32
    return %c0_i32, %c0_i32_0 : i32, i32
  }
  func.func @transform_2(%arg0: i32) -> (i32, i32) {
    %c0_i32 = arith.constant 0 : i32
    %c0_i32_0 = arith.constant 0 : i32
    return %c0_i32, %arg0 : i32, i32
  }
}

module attributes {stable_mosaic.version = 14 : i64} {
  func.func @_aux_kernel(%arg0: i32, %arg1: memref<64x8192xf32, #tpu.memory_space<vmem>>, %arg2: memref<64x8192xi32, #tpu.memory_space<vmem>>, %arg3: memref<64x8192xf32, #tpu.memory_space<vmem>>, %arg4: memref<64x8192xi8, #tpu.memory_space<vmem>>) attributes {dimension_semantics = [#tpu.dimension_semantics<arbitrary>], iteration_bounds = array<i64: 4>, scalar_prefetch = 0 : i64, scratch_operands = 0 : i64, tpu.core_type = #tpu.core_type<tc>, window_params = [{transform_indices = @transform_0, window_bounds = array<i64: 64, 8192>}, {transform_indices = @transform_1, window_bounds = array<i64: 64, 8192>}, {transform_indices = @transform_2, window_bounds = array<i64: 64, 8192>}, {transform_indices = @transform_3, window_bounds = array<i64: 64, 8192>}]} {
    %get3A = arith.constant 0 : index
    %get3A_0 = arith.constant 0 : index
    %get3A_1 = vector.load %arg1[%get3A, %get3A_0] : memref<64x8192xf32, #tpu.memory_space<vmem>>, vector<64x8192xf32>
    %gt3A = arith.constant 0.000000e+00 : f32
    %gt3A_2 = vector.broadcast %gt3A : f32 to vector<64x8192xf32>
    %gt3A_3 = arith.cmpf ogt, %get3A_1, %gt3A_2 : vector<64x8192xf32>
    %convert_element_type3A = arith.extui %gt3A_3 : vector<64x8192xi1> to vector<64x8192xi32>
    %swap3A = arith.constant 0 : index
    %swap3A_4 = arith.constant 0 : index
    %swap3A_5 = vector.load %arg2[%swap3A, %swap3A_4] : memref<64x8192xi32, #tpu.memory_space<vmem>>, vector<64x8192xi32>
    tpu.vector_store %arg2[%swap3A, %swap3A_4], %convert_element_type3A {strides = array<i32>} : memref<64x8192xi32, #tpu.memory_space<vmem>>, vector<64x8192xi32>,
    %abs3A = math.absf %get3A_1 : vector<64x8192xf32>
    %swap3A_6 = arith.constant 0 : index
    %swap3A_7 = arith.constant 0 : index
    %swap3A_8 = vector.load %arg3[%swap3A_6, %swap3A_7] : memref<64x8192xf32, #tpu.memory_space<vmem>>, vector<64x8192xf32>
    tpu.vector_store %arg3[%swap3A_6, %swap3A_7], %abs3A {strides = array<i32>} : memref<64x8192xf32, #tpu.memory_space<vmem>>, vector<64x8192xf32>,
    %is_finite3A = tpu.weird %get3A_1 : vector<64x8192xf32> -> vector<64x8192xi1>
    %is_finite3A_9 = arith.constant dense<true> : vector<64x8192xi1>
    %is_finite3A_10 = arith.xori %is_finite3A, %is_finite3A_9 : vector<64x8192xi1>
    %convert_element_type3A_11 = arith.extui %is_finite3A_10 : vector<64x8192xi1> to vector<64x8192xi8>
    %swap3A_12 = arith.constant 0 : index
    %swap3A_13 = arith.constant 0 : index
    %swap3A_14 = vector.load %arg4[%swap3A_12, %swap3A_13] : memref<64x8192xi8, #tpu.memory_space<vmem>>, vector<64x8192xi8>
    tpu.vector_store %arg4[%swap3A_12, %swap3A_13], %convert_element_type3A_11 {strides = array<i32>} : memref<64x8192xi8, #tpu.memory_space<vmem>>, vector<64x8192xi8>,
    return
  }
  func.func @transform_0(%arg0: i32) -> (i32, i32) {
    %c0_i32 = arith.constant 0 : i32
    %c0_i32_0 = arith.constant 0 : i32
    return %c0_i32, %arg0 : i32, i32
  }
  func.func @transform_1(%arg0: i32) -> (i32, i32) {
    %c0_i32 = arith.constant 0 : i32
    %c0_i32_0 = arith.constant 0 : i32
    return %c0_i32, %arg0 : i32, i32
  }
  func.func @transform_2(%arg0: i32) -> (i32, i32) {
    %c0_i32 = arith.constant 0 : i32
    %c0_i32_0 = arith.constant 0 : i32
    return %c0_i32, %arg0 : i32, i32
  }
  func.func @transform_3(%arg0: i32) -> (i32, i32) {
    %c0_i32 = arith.constant 0 : i32
    %c0_i32_0 = arith.constant 0 : i32
    return %c0_i32, %arg0 : i32, i32
  }
}

</mosaic_0001>

<sc_bundles>
// kernel: kernel.5.cloned.1.call-start
scs
__scs_entry_jumppad:
0x0: {  	(pc) =	sbr.rel $0x88, $3  }
0x1: {  	(tag) =	ssettag $0x0;
	lr =	simm.s32 $0x1  }
0x2: {  	[smem:$0x3FA0] =	sst lr;
	_ =	strace $0xD0000000  }
0x3: {  	_ = 	snop  }
0x4: {  	_ = 	snop  }
0x5: {  	_ = 	snop  }
0x6: {  	_ = 	snop  }
0x7: {  	_ = 	snop  }
__scs_overlays_trampoline_lowered:
0x8: {  	[smem:$0x3FAF] =	sst s0  }
0x9: {  	[smem:$0x3FB0] =	sst s1  }
0xa: {  	[smem:$0x3FB1] =	sst s2  }
0xb: {  	[smem:$0x3FB2] =	sst s3  }
0xc: {  	[smem:$0x3FB3] =	sst s4  }
0xd: {  	[smem:$0x3FB4] =	sst s5  }
0xe: {  	[smem:$0x3FB5] =	sst s6  }
0xf: {  	[smem:$0x3FB6] =	sst s7  }
0x10: {  	[smem:$0x3FB7] =	sst s8  }
0x11: {  	[smem:$0x3FB8] =	sst s9;
	s0 =	simm.s32 @!p0 $0x0  }
0x12: {  	s1 =	sld [smem:$0x3F9E];
	s0 =	simm.s32 @p0 $0x1  }
0x13: {  	[smem:$0x3FB9] =	sst s0;
	s0 =	simm.s32 @!p1 $0x0  }
0x14: {  	s2 =	sld [smem:$0x3F9D];
	s0 =	simm.s32 @p1 $0x1  }
0x15: {  	[smem:$0x3FBA] =	sst s0;
	s0 =	simm.s32 @!p2 $0x0  }
0x16: {  	s3 =	sld [smem:$0x3FDB];
	s0 =	simm.s32 @p2 $0x1  }
0x17: {  	s4 =	simm.s32 $0x1BF5;
	[smem:$0x3FBC] =	sst s0  }
0x18: {  	s0 =	sld [smem:$0x3F9F];
	_ =	swait.ge [sflag:s4], $0x0  }
0x19: {  	s7 =	sld [smem:$0x3FA0]  }
0x1a: {  	s8 =	sadd.s32 $0xFFFFE003, lr  }
0x1b: {  	s9 =	sadd.s32 $0xFFFFFEF7, lr;
	s5 =	simm.s32 $0xFFFFFFFF;
	p2 =	slt.u32 s8, $0xFFFFF086  }
0x1c: {  	p1 =	slt.u32 s9, $0xF7A;
	s5 =	simm.s32 @!p2 $0x0  }
0x1d: {  	s5 =	simm.s32 @p1 $0x1;
	p0 =	seq.s32 s7, s2  }
0x1e: {  	s7 =	smul.u32 @!p0 $0xF7A, s2;
	p2 =	seq.s32 @!p0 s5, $0x0  }
0x1f: {  	s9 =	smul.u32 $0xF7A, s1;
	s8 =	simm.s32 @!p0 $0x1BF5;
	p2 =	por !p2, p0  }
0x20: {  	[sflag:s8] =	ssyncset.s32 @!p0 $0xFFFFF086;
	s6 =	sadd.s32 @!p0 s3, s7;
	s7 =	simm.s32 @!p0 $0x108  }
0x21: {  	s3 =	sadd.s32 s3, s9;
	s6 =	sadd.s32 @!p0 $0x88, s6;
	s7 =	simm.s32 @p2 $0x1082  }
0x22: {  	[simem:s7], [sflag:s8] =	dma.local @!p0 [hbm:s6], $0xF7A  }
0x23: {  	s9 =	sor.u32 $0xD0000000, s2;
	s6 =	simm.s32 $0x108;
	_ =	swait.ge @!p0 [sflag:s8], $0x0  }
0x24: {  	s3 =	sadd.s32 $0x88, s3;
	s6 =	simm.s32 @!p1 $0x1082;
	[sflag:s4] =	ssyncset.s32 $0xFFFFF086  }
0x25: {  	[simem:s6], [sflag:s4] =	dma.local [hbm:s3], $0xF7A  }
0x26: {  	[smem:$0x3FA0] =	sst s1;
	(tag) =	ssettag s2;
	_ =	strace s9  }
0x27: {  	s1 =	sld [smem:$0x3FB0]  }
0x28: {  	s2 =	sld [smem:$0x3FB1]  }
0x29: {  	s4 =	sld [smem:$0x3FB3]  }
0x2a: {  	p0 =	seq.s32 s5, $0x0;
	s5 =	sld [smem:$0x3FB4]  }
0x2b: {  	s6 =	sld [smem:$0x3FB5]  }
0x2c: {  	s7 =	sld [smem:$0x3FB6]  }
0x2d: {  	s3 =	simm.s32 $0x108;
	s8 =	sld [smem:$0x3FB7]  }
0x2e: {  	s3 =	simm.s32 @!p0 $0x1082;
	s9 =	sld [smem:$0x3FB8]  }
0x2f: {  	lr =	sadd.s32 s0, s3;
	s0 =	sld [smem:$0x3FAF]  }
0x30: {  	s3 =	sld [smem:$0x3FB2]  }
0x31: {  	[smem:$0x3FBB] =	sst s10  }
0x32: {  	s10 =	sld [smem:$0x3FB9];
	_ =	sdelay $0x3  }
0x33: {  	p0 =	seq.s32 s10, $0x1;
	s10 =	sld [smem:$0x3FBB];
	_ =	sdelay $0x3  }
0x34: {  	[smem:$0x3FBB] =	sst s10  }
0x35: {  	s10 =	sld [smem:$0x3FBA];
	_ =	sdelay $0x3  }
0x36: {  	p1 =	seq.s32 s10, $0x1;
	s10 =	sld [smem:$0x3FBB];
	_ =	sdelay $0x3  }
0x37: {  	[smem:$0x3FBB] =	sst s10  }
0x38: {  	s10 =	sld [smem:$0x3FBC]  }
0x39: {  	_ = 	snop;
	(pc) =	sbr.ind lr, $3  }
0x3a: {  	_ = 	snop  }
0x3b: {  	_ = 	snop  }
0x3c: {  	p2 =	seq.s32 s10, $0x1;
	s10 =	sld [smem:$0x3FBB]  }
0x3d: {  	_ =	shalt  }
0x3e: {  	_ =	shalt  }
0x3f: {  	_ =	shalt  }
0x40: {  	_ =	shalt  }
0x41: {  	_ =	shalt  }
0x42: {  	_ =	shalt  }
0x43: {  	_ =	shalt  }
0x44: {  	_ =	shalt  }
0x45: {  	_ =	shalt  }
0x46: {  	_ =	shalt  }
0x47: {  	_ =	shalt  }
0x48: {  	_ =	shalt  }
0x49: {  	_ =	shalt  }
0x4a: {  	_ =	shalt  }
0x4b: {  	_ =	shalt  }
0x4c: {  	_ =	shalt  }
0x4d: {  	_ =	shalt  }
0x4e: {  	_ =	shalt  }
0x4f: {  	_ =	shalt  }
0x50: {  	_ =	shalt  }
0x51: {  	_ =	shalt  }
0x52: {  	_ =	shalt  }
0x53: {  	_ =	shalt  }
0x54: {  	_ =	shalt  }
0x55: {  	_ =	shalt  }
0x56: {  	_ =	shalt  }
0x57: {  	_ =	shalt  }
0x58: {  	_ =	shalt  }
0x59: {  	_ =	shalt  }
0x5a: {  	_ =	shalt  }
0x5b: {  	_ =	shalt  }
0x5c: {  	_ =	shalt  }
0x5d: {  	_ =	shalt  }
0x5e: {  	_ =	shalt  }
0x5f: {  	_ =	shalt  }
0x60: {  	_ =	shalt  }
0x61: {  	_ =	shalt  }
0x62: {  	_ =	shalt  }
0x63: {  	_ =	shalt  }
0x64: {  	_ =	shalt  }
0x65: {  	_ =	shalt  }
0x66: {  	_ =	shalt  }
0x67: {  	_ =	shalt  }
0x68: {  	_ =	shalt  }
0x69: {  	_ =	shalt  }
0x6a: {  	_ =	shalt  }
0x6b: {  	_ =	shalt  }
0x6c: {  	_ =	shalt  }
0x6d: {  	_ =	shalt  }
0x6e: {  	_ =	shalt  }
0x6f: {  	_ =	shalt  }
0x70: {  	_ =	shalt  }
0x71: {  	_ =	shalt  }
0x72: {  	_ =	shalt  }
0x73: {  	_ =	shalt  }
0x74: {  	_ =	shalt  }
0x75: {  	_ =	shalt  }
0x76: {  	_ =	shalt  }
0x77: {  	_ =	shalt  }
0x78: {  	_ =	shalt  }
0x79: {  	_ =	shalt  }
0x7a: {  	_ =	shalt  }
0x7b: {  	_ =	shalt  }
0x7c: {  	_ =	shalt  }
0x7d: {  	_ =	shalt  }
0x7e: {  	_ =	shalt  }
0x7f: {  	_ =	shalt  }
0x80: {  	_ =	shalt  }
0x81: {  	_ =	shalt  }
0x82: {  	_ =	shalt  }
0x83: {  	_ =	shalt  }
0x84: {  	_ =	shalt  }
0x85: {  	_ =	shalt  }
0x86: {  	_ =	shalt  }
0x87: {  	_ =	shalt  }
.Lfunc_end0:
.L_simem_size_0:
called_computation_lowered:
.L_overlay_start_0:
0x88: {  	s2 =	sld [smem:$0x3FD9]  }
0x89: {  	s3 =	sld [smem:$0x3FFE];
	_ =	sdelay $0x1  }
0x8a: {  	s1 =	srdreg.scid  }
0x8b: {  	s0 =	sand.u32 $0x1, s1  }
0x8c: {  	s15 =	sshll.u32 s0, $0xA;
	s2 =	sadd.s32 s3, s2  }
0x8d: {  	s2 =	sadd.s32 s2, s15  }
0x8e: {  	[smem:$0x3FC7] =	sst s2  }
0x8f: {  	_ = 	snop  }
0x90: {  	s2 =	sld [smem:$0x3FD0];
	_ =	sdelay $0x2  }
0x91: {  	s4 =	simm.s32 $0xA;
	s5 =	simm.s32 $0x10;
	s16 =	sld [smem:$0x3FC9]  }
0x92: {  	[smem:s5], [sflag:s4] =	dma.local [hbm:s2], $0x1  }
0x93: {  	_ =	swait.eq [sflag:s4], $0x1  }
0x94: {  	[sflag:s4] =	ssyncset.done $0x0  }
0x95: {  	[sflag:s4] =	ssyncadd.s32 $0xFFFFFFFF  }
0x96: {  	s17 =	sld [smem:$0x10];
	(tm) =	ssettm $0x1  }
0x97: {  	s18 =	sld [smem:$0x3FFB];
	_ =	sdelay $0x3  }
0x98: {  	_ =	strace s18  }
0x99: {  	s4 =	sld [smem:$0x3FFC];
	_ =	sdelay $0x3  }
0x9a: {  	_ =	strace s4  }
0x9b: {  	s4 =	sld [smem:$0x3FFD];
	_ =	sdelay $0x3  }
0x9c: {  	_ =	strace s4  }
0x9d: {  	_ =	strace $0x8FFFFFFF  }
0x9e: {  	s19 =	sld [smem:$0x3FDB];
	_ =	sdelay $0x1  }
0x9f: {  	s20 =	simm.s32 $_scs_section_size  }
0xa0: {  	s6 =	simm.s32 $_size__tile_overlayer_lowered;
	s7 =	simm.s32 $_tile_overlayer_lowered  }
0xa1: {  	s23 =	simm.s32 $0x1BFF;
	s22 =	sshll.u32 s7, $0x1;
	s4 =	sadd.s32 s20, s19  }
0xa2: {  	s8 =	simm.s32 $0x0;
	s21 =	sshll.u32 s6, $0x1;
	s6 =	sadd.s32 s22, s4  }
0xa3: {  	[timem:s8], [sflag:s23] =	dma.local [hbm:s6], s21  }
0xa4: {  	_ =	swait.ge [sflag:s23], s21  }
0xa5: {  	s5 =	ssub.s32 $0x0, s21;
	[sflag:s23] =	ssyncset.done $0x0  }
0xa6: {  	[sflag:s23] =	ssyncadd.s32 s5;
	_ =	sdelay $0x1  }
0xa7: {  	s24 =	simm.s32 $0x1B8B  }
0xa8: {  	_ =	swait.ge [sflag:s24], $0x1  }
0xa9: {  	[sflag:s24] =	ssyncset.done $0x0  }
0xaa: {  	s25 =	simm.s32 $0x1B8E;
	[sflag:s24] =	ssyncadd.s32 $0xFFFFFFFF  }
0xab: {  	s26 =	simm.s32 $execute0_lowered;
	[smem:$0x3FD2] =	sst s25  }
0xac: {  	s5 =	sshll.u32 s26, $0x1;
	_ =	strace $0x80000046;
	[dreg:$0x1] =	wrdreg $0xFFFFFFFF  }
0xad: {  	s28 =	simm.s32 $_size_execute0_lowered;
	s4 =	sadd.s32 s4, s5;
	[dreg:$0x0] =	wrdreg $0x0  }
0xae: {  	s5 =	sshll.u32 s28, $0x1;
	[dreg:$0x2] =	wrdreg s4  }
0xaf: {  	[dreg:$0x3] =	wrdreg s5  }
0xb0: {  	[dreg:$0x4] =	wrdreg $0xC0  }
0xb1: {  	_ =	task [dreg:s8], $0x5FFFF  }
0xb2: {  	[dreg:$0x1] =	wrdreg $0xFFFFFFFF  }
0xb3: {  	[dreg:$0x0] =	wrdreg $0x60  }
0xb4: {  	[dreg:$0x2] =	wrdreg s16  }
0xb5: {  	[dreg:$0x3] =	wrdreg s17  }
0xb6: {  	[dreg:$0x4] =	wrdreg $0x9  }
0xb7: {  	_ =	task.clear_ibuf [dreg:s8], $0x5FFFF;
	_ =	strace $0x90000046  }
0xb8: {  	s29 =	simm.s32 $0x9;
	_ =	strace $0x80000048  }
0xb9: {  	_ =	swait.ge [sflag:s29], $0x1  }
0xba: {  	[sflag:s29] =	ssyncadd.s32 $0xFFFFFFFF  }
0xbb: {  	_ =	strace $0x90000048  }
0xbc: {  	_ =	sfence  }
0xbd: {  	s30 =	sld [smem:$0x0];
	_ =	sdelay $0x2  }
0xbe: {  	s31 =	sshll.u32 s1, $0xD;
	s1 =	sshrl.u32 s1, $0x2  }
0xbf: {  	s3 =	sand.u32 $0x4000, s31;
	s1 =	sadd.s32 s1, s30  }
0xc0: {  	s0 =	sor.u32 s3, s0;
	s1 =	sshll.u32 s1, $0x11  }
0xc1: {  	s0 =	sor.u32 s1, s0  }
0xc2: {  	s0 =	sadd.s32 $0x8F2B, s0  }
0xc3: {  	[sflag:s0] =	ssyncadd.remote.s32 $0x1  }
0xc4: {  	_ =	sfence.sel $0xFFFF  }
0xc5: {  	[dreg:$0x0] =	wrdreg $0xFFFFFFFF;
	(pc) =	sbr.abs _section_cstart, $3  }
0xc6: {  	[dreg:$0x1] =	wrdreg $0xFFFFFFFF  }
0xc7: {  	_ =	task.clear_ibuf [dreg:s8], $0x2FFFF;
	_ =	strace $0x9FFFFFFF  }
0xc8: {  	(tm) =	ssettm $0x7FFFFFFF  }
0xc9: {  	_ =	shalt  }
tec
execute0_lowered:
.L_overlay_start_1:
0x0: {  	(tag) =	ssettag $0x1  }
0x1: {  	s4 =	rddreg [dreg:$0x0]  }
0x2: {  	s6 =	rddreg [dreg:$0x1]  }
0x3: {  	s3 =	srdreg.scid;
	s1 =	stileid.u32  }
0x4: {  	s2 =	simm.s32 $0x0;
	s11 =	simm.s32 $0x1;
	s12 =	simm.s32 $0x18000  }
0x5: {  	s13 =	simm.s32 $0x18800;
	s14 =	simm.s32 $0x2;
	s15 =	simm.s32 $0x0  }
0x6: {  	s3 =	sand.u32 $0x1, s3;
	s5 =	sshll.u32 s1, $0x9;
	s8 =	sshrl.u32 s1, $0x1  }
0x7: {  	[smem:$0x7FF] =	sst s2;
	s7 =	sshll.u32 s3, $0x8;
	s5 =	sand.u32 $0x200, s5  }
0x8: {  	s3 =	ssub.s32 $0x2, s3;
	s29 =	sshll.u32 s8, $0x12;
	_ =	strace $0x80000047  }
0x9: {  	s8 =	sshll.u32 s8, $0xA;
	s5 =	sor.u32 s7, s5;
	s9 =	sshrl.u32 s3, $0x1  }
0xa: {  	s10 =	sor.u32 s29, s5;
	s9 =	ssub.s32 s3, s9;
	s31 =	sor.u32 $0x80, s5  }
0xb: {  	s5 =	sor.u32 s8, s5;
	s30 =	sshrl.u32 s10, $0x3;
	s7 =	sor.u32 s29, s31  }
0xc: {  	s8 =	sor.u32 s8, s31;
	s5 =	sshrl.u32 s5, $0x3;
	s10 =	simm.s32 $0x8000  }
0xd: {  	s3 =	sadd.s32 s4, s30;
	s7 =	sshrl.u32 s7, $0x3;
	s8 =	sshrl.u32 s8, $0x3  }
0xe: {  	s5 =	sadd.s32 s6, s5;
	s4 =	sadd.s32 s4, s7;
	s6 =	sadd.s32 s6, s8  }
0xf: {  	v0 =	vimm.s32 $0x0;
	v1 =	vimm.s32 $0x1;
	v2 =	vlaneseq.u32;
	s7 =	smax.u32 s9, $0x1;
	s8 =	simm.s32 $0x80;
	s9 =	simm.s32 $0x400  }
.LBB2_1:
0x10: {  	[tilespmem:s2], [sflag:$0x1] =	stream.strided.gather [hbm4b:s3+s8], $0x8000, s9, s8, $0x38;
	[tilespmem:$0x18880] =	vst v63  }
0x11: {  	_ = 	snop  }
0x12: {  	[tilespmem:s10], [sflag:$0x2] =	stream.strided.gather [hbm4b:s4+s8], $0x8000, s9, s8, $0x38;
	[tilespmem:$0x18880] =	vst v63  }
0x13: {  	_ =	swait.ge [sflag:s11], $0x8000  }
0x14: {  	[sflag:s11] =	ssyncset.done $0x0  }
0x15: {  	s18 =	simm.s32 $0x18040;
	[sflag:s11] =	ssyncadd.s32 $0xFFFF8000  }
0x16: {  	[tilespmem:s18+$0xFFFFFFC0] =	vst v0  }
0x17: {  	[tilespmem:s18+$0x30] =	vst v0  }
0x18: {  	[tilespmem:s18+$0x20] =	vst v0  }
0x19: {  	[tilespmem:s18+$0x10] =	vst v0  }
0x1a: {  	[tilespmem:s18+$0x0] =	vst v0  }
0x1b: {  	[tilespmem:s18+$0xFFFFFFF0] =	vst v0  }
0x1c: {  	s19 =	simm.s32 $0x0;
	s17 =	simm.s32 $0x10040;
	[tilespmem:s18+$0xFFFFFFE0] =	vst v0  }
.LBB2_2:
0x1d: {  	s19 =	sadd.s32 $0x8, s19;
	[tilespmem:s18+$0xFFFFFFD0] =	vst v0;
	s18 =	sadd.s32 $0x80, s18;
	s16 =	simm.s32 $0x40  }
0x1e: {  	[tilespmem:s18+$0xFFFFFFC0] =	vst v0;
	p0 =	slt.u32 s19, $0x78  }
0x1f: {  	[tilespmem:s18+$0x30] =	vst v0  }
.Ltmp0:
0x20: {  	[tilespmem:s18+$0x20] =	vst v0;
	(pc) =	sbr.rel @p0 .LBB2_2-.Ltmp0, $4  }
0x21: {  	[tilespmem:s18+$0x10] =	vst v0  }
0x22: {  	[tilespmem:s18+$0x0] =	vst v0  }
0x23: {  	[tilespmem:s18+$0xFFFFFFF0] =	vst v0  }
0x24: {  	[tilespmem:s18+$0xFFFFFFE0] =	vst v0  }
0x25: {  	[tilespmem:s18+$0xFFFFFFD0] =	vst v0  }
0x26: {  	v3 =	vld [tilespmem:s16+$0x20]  }
0x27: {  	v4 =	vld [tilespmem:s16+$0xFFFFFFD0]  }
0x28: {  	v5 =	vld [tilespmem:s16+$0x10]  }
0x29: {  	v6 =	vld [tilespmem:s16+$0xFFFFFFC0]  }
0x2a: {  	v12 =	vld [tilespmem:s16+$0x30]  }
0x2b: {  	v8 =	vld [tilespmem:s16+$0xFFFFFFE0]  }
0x2c: {  	v9 =	vand.u32 $0x7FFFFFFF, v4  }
0x2d: {  	v4 =	vand.u32 $0x7F800000, v4;
	v11 =	vand.u32 $0x7FFFFFFF, v5;
	v7 =	vand.u32 $0x7FFFFFFF, v3  }
0x2e: {  	v10 =	vand.u32 $0x7FFFFFFF, v6;
	v6 =	vand.u32 $0x7F800000, v6;
	v5 =	vand.u32 $0x7F800000, v5  }
0x2f: {  	v14 =	vand.u32 $0x7F800000, v12;
	v15 =	vand.u32 $0x7F800000, v3;
	v12 =	vand.u32 $0x7FFFFFFF, v12  }
0x30: {  	vm0 =	vne.s32 v4, $0x7F800000;
	vm4 =	vne.s32 v6, $0x7F800000;
	v6 =	vand.u32 $0x7F800000, v8  }
0x31: {  	vm6 =	vne.s32 v5, $0x7F800000;
	v13 =	vnsel vm0, $0xFFFFFFFF, v9;
	v9 =	vnsel vm4, $0xFFFFFFFF, v10  }
0x32: {  	v5 =	vld [tilespmem:s16+$0xFFFFFFF0];
	v8 =	vand.u32 $0x7FFFFFFF, v8;
	vm3 =	vne.s32 v14, $0x7F800000;
	v10 =	vshra.s32 v9, $0x14  }
0x33: {  	s18 =	simm.s32 $0x0;
	vm2 =	vne.s32 v15, $0x7F800000;
	vm1 =	vne.s32 v6, $0x7F800000;
	v6 =	vnsel vm6, $0xFFFFFFFF, v11;
	v11 =	vld [tilespmem:s16+$0x0]  }
0x34: {  	s19 =	simm.s32 $0xC0;
	s20 =	simm.s32 $0x10040;
	s16 =	simm.s32 $0x4;
	v4 =	vshra.s32 v13, $0x14;
	v3 =	vshra.s32 v6, $0x14;
	[tilespmem:s17+$0xFFFFFFD0] =	vst v13;
	v8 =	vnsel vm1, $0xFFFFFFFF, v8  }
.LBB2_4:
0x35: {  	v13 =	vld [tilespmem:s19+$0x20];
	s18 =	sadd.s32 $0x8, s18;
	[tilespmem:s17+$0xFFFFFFC0] =	vst v9;
	v14 =	vshra.s32 v8, $0x14;
	v7 =	vnsel vm2, $0xFFFFFFFF, v7;
	s20 =	sadd.s32 $0x80, s20;
	vm5 =	vmmov vm6  }
0x36: {  	v9 =	vld [tilespmem:s19+$0xFFFFFFD0];
	p0 =	slt.u32 s18, $0x7F8;
	[tilespmem:s17+$0x20] =	vst v7;
	v15 =	vshra.s32 v7, $0x14;
	v7 =	vnsel vm3, $0xFFFFFFFF, v12  }
0x37: {  	[tilespmem:v10+s12+$0x0] =	vst.idx.add.s32.msk vm4, v1;
	v10 =	vshra.s32 v7, $0x14  }
0x38: {  	v16 =	vand.u32 $0x7F800000, v5;
	v12 =	vld [tilespmem:s19+$0x10];
	v17 =	vand.u32 $0x7FFFFFFF, v11;
	v11 =	vand.u32 $0x7F800000, v11;
	[tilespmem:s17+$0x30] =	vst v7  }
0x39: {  	v5 =	vand.u32 $0x7FFFFFFF, v5;
	vm7 =	vne.s32 v16, $0x7F800000;
	v18 =	vld [tilespmem:s19+$0xFFFFFFC0];
	[tilespmem:s17+$0xFFFFFFE0] =	vst v8;
	vm6 =	vne.s32 v11, $0x7F800000  }
0x3a: {  	v5 =	vnsel vm7, $0xFFFFFFFF, v5;
	v8 =	vld [tilespmem:s19+$0xFFFFFFE0];
	v11 =	vnsel vm6, $0xFFFFFFFF, v17;
	[tilespmem:s17+$0x10] =	vst v6  }
0x3b: {  	v17 =	vshra.s32 v5, $0x14;
	v16 =	vld [tilespmem:s19+$0x30];
	[tilespmem:s17+$0xFFFFFFF0] =	vst v5;
	v6 =	vshra.s32 v11, $0x14  }
0x3c: {  	v19 =	vand.u32 $0x7FFFFFFF, v9;
	[tilespmem:v10+s12+$0x0] =	vst.idx.add.s32.msk vm3, v1  }
0x3d: {  	v7 =	vand.u32 $0x7FFFFFFF, v13;
	v5 =	vand.u32 $0x7F800000, v9;
	v20 =	vand.u32 $0x7FFFFFFF, v12;
	[tilespmem:v4+s12+$0x0] =	vst.idx.add.s32.msk vm0, v1  }
0x3e: {  	vm0 =	vne.s32 v5, $0x7F800000;
	v4 =	vand.u32 $0x7FFFFFFF, v18;
	v9 =	vand.u32 $0x7F800000, v18;
	v5 =	vld [tilespmem:s19+$0xFFFFFFF0];
	[tilespmem:s17+$0x0] =	vst v11;
	s17 =	smov.u32 s20  }
0x3f: {  	v10 =	vand.u32 $0x7F800000, v12;
	v11 =	vnsel vm0, $0xFFFFFFFF, v19;
	vm4 =	vne.s32 v9, $0x7F800000;
	[tilespmem:v15+s12+$0x0] =	vst.idx.add.s32.msk vm2, v1  }
.Ltmp1:
0x40: {  	v9 =	vnsel vm4, $0xFFFFFFFF, v4;
	v4 =	vshra.s32 v11, $0x14;
	v12 =	vand.u32 $0x7F800000, v16;
	[tilespmem:v6+s12+$0x0] =	vst.idx.add.s32.msk vm6, v1;
	(pc) =	sbr.rel @p0 .LBB2_4-.Ltmp1, $4  }
0x41: {  	v13 =	vand.u32 $0x7F800000, v13;
	v6 =	vand.u32 $0x7F800000, v8;
	vm6 =	vne.s32 v10, $0x7F800000;
	[tilespmem:v14+s12+$0x0] =	vst.idx.add.s32.msk vm1, v1  }
0x42: {  	v10 =	vshra.s32 v9, $0x14;
	vm1 =	vne.s32 v6, $0x7F800000;
	v6 =	vnsel vm6, $0xFFFFFFFF, v20;
	[tilespmem:v17+s12+$0x0] =	vst.idx.add.s32.msk vm7, v1  }
0x43: {  	v8 =	vand.u32 $0x7FFFFFFF, v8;
	vm3 =	vne.s32 v12, $0x7F800000;
	v14 =	vshra.s32 v6, $0x14;
	[tilespmem:s20+$0xFFFFFFD0] =	vst v11;
	v11 =	vld [tilespmem:s19+$0x0]  }
0x44: {  	s21 =	simm.s32 $0x18040;
	vm2 =	vne.s32 v13, $0x7F800000;
	v12 =	vand.u32 $0x7FFFFFFF, v16;
	v8 =	vnsel vm1, $0xFFFFFFFF, v8;
	s19 =	sadd.s32 $0x80, s19;
	[tilespmem:v3+s12+$0x0] =	vst.idx.add.s32.msk vm5, v1;
	v3 =	vmovc v14  }
0x45: {  	_ =	sdelay $0x1  }
0x46: {  	[tilespmem:s17+$0xFFFFFFC0] =	vst v9  }
0x47: {  	[tilespmem:s17+$0xFFFFFFE0] =	vst v8  }
0x48: {  	[tilespmem:s17+$0x10] =	vst v6  }
0x49: {  	v7 =	vnsel vm2, $0xFFFFFFFF, v7;
	[tilespmem:v4+s12+$0x0] =	vst.idx.add.s32.msk vm0, v1  }
0x4a: {  	v57 =	vnsel vm3, $0xFFFFFFFF, v12;
	v8 =	vshra.s32 v8, $0x14;
	[tilespmem:s17+$0x20] =	vst v7  }
0x4b: {  	v59 =	vand.u32 $0x7F800000, v5;
	v5 =	vand.u32 $0x7FFFFFFF, v5;
	[tilespmem:v10+s12+$0x0] =	vst.idx.add.s32.msk vm4, v1;
	v58 =	vshra.s32 v57, $0x14  }
0x4c: {  	[tilespmem:s17+$0x30] =	vst v57;
	vm14 =	vne.s32 v59, $0x7F800000;
	v7 =	vshra.s32 v7, $0x14;
	v60 =	vand.u32 $0x7F800000, v11  }
0x4d: {  	[tilespmem:v3+s12+$0x0] =	vst.idx.add.s32.msk vm6, v1;
	v5 =	vnsel vm14, $0xFFFFFFFF, v5;
	v13 =	vand.u32 $0x7FFFFFFF, v11;
	vm5 =	vne.s32 v60, $0x7F800000  }
0x4e: {  	[tilespmem:s17+$0xFFFFFFF0] =	vst v5;
	v5 =	vshra.s32 v5, $0x14;
	v61 =	vnsel vm5, $0xFFFFFFFF, v13  }
0x4f: {  	[tilespmem:v8+s12+$0x0] =	vst.idx.add.s32.msk vm1, v1;
	v6 =	vshra.s32 v61, $0x14  }
0x50: {  	[tilespmem:v58+s12+$0x0] =	vst.idx.add.s32.msk vm3, v1  }
0x51: {  	[tilespmem:s17+$0x0] =	vst v61  }
0x52: {  	[tilespmem:v7+s12+$0x0] =	vst.idx.add.s32.msk vm2, v1  }
0x53: {  	[tilespmem:v5+s12+$0x0] =	vst.idx.add.s32.msk vm14, v1  }
0x54: {  	[tilespmem:v6+s12+$0x0] =	vst.idx.add.s32.msk vm5, v1  }
0x55: {  	v3 =	vld [tilespmem:s21+$0xFFFFFFC0];
	_ =	sdelay $0x1  }
0x56: {  	v4 =	vld [tilespmem:s21+$0xFFFFFFD0]  }
0x57: {  	v5 =	vld [tilespmem:s21+$0xFFFFFFE0]  }
0x58: {  	v6 =	vld [tilespmem:s21+$0xFFFFFFF0]  }
0x59: {  	v7 =	vld [tilespmem:s21+$0x0];
	(xrf0) =	vadd.scan.msk.s32 $0xffff, v3  }
0x5a: {  	v8 =	vld [tilespmem:s21+$0x10]  }
0x5b: {  	v3 =	vld [tilespmem:s21+$0x20];
	(xrf0) =	vadd.scan.msk.s32 $0xffff, v4  }
0x5c: {  	s28 =	simm.s32 $0x180C0;
	v4 =	vld [tilespmem:s21+$0x30];
	(xrf0) =	vadd.scan.msk.s32 $0xffff, v5  }
0x5d: {  	v5 =	vld [tilespmem:s28+$0xFFFFFFC0];
	(xrf0) =	vadd.scan.msk.s32 $0xffff, v6  }
0x5e: {  	v6 =	vld [tilespmem:s28+$0xFFFFFFD0];
	(xrf0) =	vadd.scan.msk.s32 $0xffff, v7  }
0x5f: {  	v7 =	vld [tilespmem:s28+$0xFFFFFFE0];
	(xrf0) =	vadd.scan.msk.s32 $0xffff, v8;
	v8, _, _ =	vpop (xrf0)  }
0x60: {  	(xrf0) =	vadd.scan.msk.s32 $0xffff, v3;
	v3 =	vld [tilespmem:s28+$0xFFFFFFF0];
	(v2sf) =	vpush v8, $0xF  }
0x61: {  	v8, _, _ =	vpop (xrf0);
	(xrf0) =	vadd.scan.msk.s32 $0xffff, v4;
	v4 =	vld [tilespmem:s28+$0x0]  }
0x62: {  	v9 =	vld [tilespmem:s28+$0x10];
	(v2sf) =	vpush v8, $0xF;
	v8, _, _ =	vpop (xrf0);
	(xrf0) =	vadd.scan.msk.s32 $0xffff, v5  }
0x63: {  	(v2sf) =	vpush v8, $0xF;
	v5, _, _ =	vpop (xrf0);
	v8 =	vld [tilespmem:s28+$0x20];
	(xrf0) =	vadd.scan.msk.s32 $0xffff, v6  }
0x64: {  	v6 =	vld [tilespmem:s28+$0x30];
	(v2sf) =	vpush v5, $0xF;
	v5, _, _ =	vpop (xrf0);
	(xrf0) =	vadd.scan.msk.s32 $0xffff, v7  }
0x65: {  	s29 =	simm.s32 $0x18140;
	(v2sf) =	vpush v5, $0xF;
	v5, _, _ =	vpop (xrf0);
	(xrf0) =	vadd.scan.msk.s32 $0xffff, v3  }
0x66: {  	(v2sf) =	vpush v5, $0xF;
	v3, _, _ =	vpop (xrf0);
	v5 =	vld [tilespmem:s29+$0xFFFFFFC0];
	(xrf0) =	vadd.scan.msk.s32 $0xffff, v4  }
0x67: {  	v4 =	vld [tilespmem:s29+$0xFFFFFFD0];
	(v2sf) =	vpush v3, $0xF;
	v3, _, _ =	vpop (xrf0);
	(xrf0) =	vadd.scan.msk.s32 $0xffff, v9  }
0x68: {  	(v2sf) =	vpush v3, $0xF;
	v3 =	vld [tilespmem:s29+$0xFFFFFFE0];
	v7, _, _ =	vpop (xrf0);
	(xrf0) =	vadd.scan.msk.s32 $0xffff, v8  }
0x69: {  	v8 =	vld [tilespmem:s29+$0xFFFFFFF0];
	(v2sf) =	vpush v7, $0xF;
	v7, _, _ =	vpop (xrf0);
	(xrf0) =	vadd.scan.msk.s32 $0xffff, v6  }
0x6a: {  	v6 =	vld [tilespmem:s29+$0x0];
	(v2sf) =	vpush v7, $0xF;
	v7, _, _ =	vpop (xrf0)  }
0x6b: {  	v62 =	vld [tilespmem:s29+$0x10];
	(xrf0) =	vadd.scan.msk.s32 $0xffff, v5;
	(v2sf) =	vpush v7, $0xF;
	v5, _, _ =	vpop (xrf0)  }
0x6c: {  	(xrf0) =	vadd.scan.msk.s32 $0xffff, v4;
	(v2sf) =	vpush v5, $0xF;
	v4, _, _ =	vpop (xrf0)  }
0x6d: {  	s30 =	simm.s32 $0x181C0;
	v5 =	vld [tilespmem:s29+$0x20];
	(xrf0) =	vadd.scan.msk.s32 $0xffff, v3;
	(v2sf) =	vpush v4, $0xF;
	v3, _, _ =	vpop (xrf0)  }
0x6e: {  	v7 =	vld [tilespmem:s30+$0xFFFFFFC0];
	(xrf0) =	vadd.scan.msk.s32 $0xffff, v8;
	(v2sf) =	vpush v3, $0xF;
	v3, _, _ =	vpop (xrf0)  }
0x6f: {  	v4 =	vld [tilespmem:s29+$0x30];
	(xrf0) =	vadd.scan.msk.s32 $0xffff, v6;
	(v2sf) =	vpush v3, $0xF;
	v3, _, _ =	vpop (xrf0);
	s18 =	spop (v2sf)  }
0x70: {  	v6 =	vld [tilespmem:s30+$0xFFFFFFD0];
	(xrf0) =	vadd.scan.msk.s32 $0xffff, v62;
	(v2sf) =	vpush v3, $0xF;
	[smem:$0x0] =	sst s18  }
0x71: {  	s18 =	spop (v2sf)  }
0x72: {  	v8 =	vld [tilespmem:s30+$0xFFFFFFE0];
	v3, _, _ =	vpop (xrf0);
	(xrf0) =	vadd.scan.msk.s32 $0xffff, v5;
	[smem:$0x1] =	sst s18  }
0x73: {  	s18 =	spop (v2sf)  }
0x74: {  	v63 =	vld [tilespmem:s30+$0xFFFFFFF0];
	(v2sf) =	vpush v3, $0xF;
	v5, _, _ =	vpop (xrf0);
	(xrf0) =	vadd.scan.msk.s32 $0xffff, v4;
	[smem:$0x2] =	sst s18  }
0x75: {  	s18 =	spop (v2sf)  }
0x76: {  	v3 =	vld [tilespmem:s30+$0x0];
	(v2sf) =	vpush v5, $0xF;
	v5, _, _ =	vpop (xrf0);
	[smem:$0x3] =	sst s18  }
0x77: {  	s18 =	spop (v2sf)  }
0x78: {  	v4 =	vld [tilespmem:s30+$0x10];
	(xrf0) =	vadd.scan.msk.s32 $0xffff, v7;
	(v2sf) =	vpush v5, $0xF;
	v7, _, _ =	vpop (xrf0);
	[smem:s16] =	sst s18;
	s31 =	spop (v2sf)  }
0x79: {  	v5 =	vld [tilespmem:s30+$0x20];
	(xrf0) =	vadd.scan.msk.s32 $0xffff, v6;
	(v2sf) =	vpush v7, $0xF;
	v7, _, _ =	vpop (xrf0);
	[smem:$0x5] =	sst s31  }
0x7a: {  	s18 =	spop (v2sf)  }
0x7b: {  	v6 =	vld [tilespmem:s30+$0x30];
	(xrf0) =	vadd.scan.msk.s32 $0xffff, v8;
	(v2sf) =	vpush v7, $0xF;
	v7, _, _ =	vpop (xrf0);
	[smem:$0x6] =	sst s18  }
0x7c: {  	(v2sf) =	vpush v7, $0xF;
	_ =	sdelay $0x3  }
0x7d: {  	s19 =	spop (v2sf)  }
0x7e: {  	vm15 =	vmmov vm6;
	s17 =	simm.s32 $0x18;
	s18 =	simm.s32 $0x18240;
	(xrf0) =	vadd.scan.msk.s32 $0xffff, v63;
	v7, _, _ =	vpop (xrf0);
	[smem:$0x7] =	sst s19  }
.LBB2_6:
0x7f: {  	v8 =	vld [tilespmem:s18+$0xFFFFFFC0];
	(xrf0) =	vadd.scan.msk.s32 $0xffff, v3;
	(v2sf) =	vpush v7, $0xF;
	v3, _, _ =	vpop (xrf0);
	s19 =	spop (v2sf);
	s16 =	sadd.s32 $0x8, s16  }
0x80: {  	v7 =	vld [tilespmem:s18+$0xFFFFFFD0];
	(xrf0) =	vadd.scan.msk.s32 $0xffff, v4;
	(v2sf) =	vpush v3, $0xF;
	[smem:s16+$0xFFFFFFFC] =	sst s19;
	s19 =	spop (v2sf)  }
0x81: {  	v9 =	vld [tilespmem:s18+$0xFFFFFFE0];
	v3, _, _ =	vpop (xrf0);
	(xrf0) =	vadd.scan.msk.s32 $0xffff, v5;
	[smem:s16+$0xFFFFFFFD] =	sst s19;
	s19 =	spop (v2sf)  }
0x82: {  	s17 =	sadd.s32 $0x8, s17;
	v10 =	vld [tilespmem:s18+$0xFFFFFFF0];
	(v2sf) =	vpush v3, $0xF;
	v4, _, _ =	vpop (xrf0);
	(xrf0) =	vadd.scan.msk.s32 $0xffff, v6;
	[smem:s16+$0xFFFFFFFE] =	sst s19;
	s19 =	spop (v2sf)  }
0x83: {  	p0 =	slt.u32 s17, $0x78;
	[smem:s16+$0xFFFFFFFF] =	sst s19  }
.Ltmp2:
0x84: {  	v3 =	vld [tilespmem:s18+$0x0];
	(v2sf) =	vpush v4, $0xF;
	v5, _, _ =	vpop (xrf0);
	s19 =	spop (v2sf);
	(pc) =	sbr.rel @p0 .LBB2_6-.Ltmp2, $4  }
0x85: {  	v4 =	vld [tilespmem:s18+$0x10];
	(xrf0) =	vadd.scan.msk.s32 $0xffff, v8;
	(v2sf) =	vpush v5, $0xF;
	v6, _, _ =	vpop (xrf0);
	[smem:s16] =	sst s19;
	s19 =	spop (v2sf)  }
0x86: {  	v5 =	vld [tilespmem:s18+$0x20];
	(xrf0) =	vadd.scan.msk.s32 $0xffff, v7;
	(v2sf) =	vpush v6, $0xF;
	v7, _, _ =	vpop (xrf0);
	[smem:s16+$0x1] =	sst s19;
	s19 =	spop (v2sf)  }
0x87: {  	v6 =	vld [tilespmem:s18+$0x30];
	(xrf0) =	vadd.scan.msk.s32 $0xffff, v9;
	(v2sf) =	vpush v7, $0xF;
	v7, _, _ =	vpop (xrf0);
	[smem:s16+$0x2] =	sst s19;
	s19 =	spop (v2sf)  }
0x88: {  	s18 =	sadd.s32 $0x80, s18;
	(xrf0) =	vadd.scan.msk.s32 $0xffff, v10;
	(v2sf) =	vpush v7, $0xF;
	v7, _, _ =	vpop (xrf0);
	[smem:s16+$0x3] =	sst s19  }
0x89: {  	(xrf0) =	vadd.scan.msk.s32 $0xffff, v3  }
0x8a: {  	(v2sf) =	vpush v7, $0xF;
	v3, _, _ =	vpop (xrf0);
	(xrf0) =	vadd.scan.msk.s32 $0xffff, v4  }
0x8b: {  	s17 =	spop (v2sf);
	s16 =	sadd.s32 $0x8, s16;
	(v2sf) =	vpush v3, $0xF;
	v3, _, _ =	vpop (xrf0);
	(xrf0) =	vadd.scan.msk.s32 $0xffff, v5  }
0x8c: {  	[smem:s16+$0xFFFFFFFC] =	sst s17;
	s21 =	spop (v2sf);
	(v2sf) =	vpush v3, $0xF;
	v3, _, _ =	vpop (xrf0);
	(xrf0) =	vadd.scan.msk.s32 $0xffff, v6  }
0x8d: {  	[smem:s16+$0xFFFFFFFD] =	sst s21;
	s22 =	spop (v2sf);
	(v2sf) =	vpush v3, $0xF;
	v3, _, _ =	vpop (xrf0)  }
0x8e: {  	[smem:s16+$0xFFFFFFFE] =	sst s22;
	s23 =	spop (v2sf);
	(v2sf) =	vpush v3, $0xF;
	v3, _, _ =	vpop (xrf0)  }
0x8f: {  	[smem:s16+$0xFFFFFFFF] =	sst s23;
	s24 =	spop (v2sf);
	(v2sf) =	vpush v3, $0xF;
	v3, _, _ =	vpop (xrf0)  }
0x90: {  	[smem:s16] =	sst s24;
	s25 =	spop (v2sf);
	(v2sf) =	vpush v3, $0xF;
	v3, _, _ =	vpop (xrf0)  }
0x91: {  	[smem:s16+$0x1] =	sst s25;
	s26 =	spop (v2sf);
	(v2sf) =	vpush v3, $0xF;
	v3, _, _ =	vpop (xrf0)  }
0x92: {  	[smem:s16+$0x2] =	sst s26;
	s28 =	spop (v2sf);
	(v2sf) =	vpush v3, $0xF;
	v3, _, _ =	vpop (xrf0)  }
0x93: {  	[smem:s16+$0x3] =	sst s28;
	s29 =	spop (v2sf);
	s16 =	sadd.s32 $0x8, s16;
	(v2sf) =	vpush v3, $0xF  }
0x94: {  	[smem:s16+$0xFFFFFFFC] =	sst s29;
	s30 =	spop (v2sf)  }
0x95: {  	[smem:s16+$0xFFFFFFFD] =	sst s30;
	s31 =	spop (v2sf)  }
0x96: {  	[smem:s16+$0xFFFFFFFE] =	sst s31;
	s0 =	spop (v2sf)  }
0x97: {  	[smem:s16+$0xFFFFFFFF] =	sst s0;
	s18 =	spop (v2sf)  }
0x98: {  	[smem:s16] =	sst s18;
	s19 =	spop (v2sf)  }
0x99: {  	[smem:s16+$0x1] =	sst s19;
	s20 =	spop (v2sf)  }
0x9a: {  	[smem:s16+$0x2] =	sst s20;
	s21 =	spop (v2sf)  }
0x9b: {  	[smem:s16+$0x3] =	sst s21;
	s16 =	sadd.s32 $0x8, s16;
	s22 =	spop (v2sf)  }
0x9c: {  	[smem:s16+$0xFFFFFFFC] =	sst s22;
	s23 =	spop (v2sf)  }
0x9d: {  	[smem:s16+$0xFFFFFFFD] =	sst s23;
	s24 =	spop (v2sf)  }
0x9e: {  	[smem:s16+$0xFFFFFFFE] =	sst s24;
	s25 =	spop (v2sf)  }
0x9f: {  	[smem:s16+$0xFFFFFFFF] =	sst s25;
	s26 =	spop (v2sf)  }
0xa0: {  	[smem:s16] =	sst s26;
	s28 =	spop (v2sf)  }
0xa1: {  	[smem:s16+$0x1] =	sst s28;
	s29 =	spop (v2sf)  }
0xa2: {  	[smem:s16+$0x2] =	sst s29;
	s30 =	spop (v2sf)  }
0xa3: {  	[smem:s16+$0x3] =	sst s30  }
0xa4: {  	s17 =	sld [smem:$0x7D]  }
0xa5: {  	s31 =	sld [smem:$0x7F];
	_ =	sdelay $0x1  }
0xa6: {  	p1 =	por $0x1, $0x1;
	p0 =	por $0x1, $0x1;
	s18 =	simm.s32 $0x0  }
0xa7: {  	s19 =	simm.s32 $0x0;
	s20 =	sld [smem:$0x7E];
	s22 =	sadd.s32 $0x0, s31  }
0xa8: {  	s21 =	simm.s32 $0x7F;
	s26 =	simm.s32 $0xCCC;
	p2 =	sgt.s32 s22, $0xCCB  }
0xa9: {  	s16 =	simm.s32 $0x0;
	s23 =	sld [smem:$0x7C];
	p0 =	por !p0, !p2  }
0xaa: {  	s24 =	sadd.s32 s20, s22;
	s22 =	ssub.s32 $0xCCC, s22;
	p3 =	por !p0, !p0  }
0xab: {  	p6 =	sgt.s32 s24, $0xCCB;
	s25 =	sadd.s32 s17, s24;
	s16 =	simm.s32 @p3 $0x1  }
0xac: {  	s17 =	simm.s32 $0x0;
	s20 =	sadd.s32 s23, s25;
	p4 =	seq.s32 s16, $0x0  }
0xad: {  	s23 =	simm.s32 $0x7E;
	s17 =	smov.u32 @p3 s26;
	p2 =	por !p6, !p4  }
0xae: {  	p0 =	sgt.s32 s20, $0xCCB;
	s18 =	smov.u32 @p3 s21;
	p2 =	por !p2, !p2  }
.Ltmp3:
0xaf: {  	s26 =	ssub.s32 $0xCCC, s24;
	s16 =	simm.s32 @p2 $0x1;
	(pc) =	sbr.rel @!p1 .LBB2_9-.Ltmp3, $4  }
0xb0: {  	s24 =	ssub.s32 $0xCCC, s25;
	p4 =	sgt.s32 s25, $0xCCB;
	p5 =	seq.s32 s16, $0x0  }
0xb1: {  	s25 =	simm.s32 $0x7D;
	s17 =	smov.u32 @p2 s22;
	p6 =	por !p4, !p5  }
0xb2: {  	s18 =	smov.u32 @p2 s23;
	s22 =	simm.s32 $0x7B;
	p2 =	por !p6, !p6  }
0xb3: {  	s23 =	simm.s32 $0x7B;
	s16 =	simm.s32 @p2 $0x1;
	s17 =	smov.u32 @p2 s26  }
.LBB2_8:
0xb4: {  	s26 =	sld [smem:s23+$0xFFFFFFFE]  }
0xb5: {  	s18 =	smov.u32 @p2 s25;
	p1 =	seq.s32 s16, $0x0;
	s19 =	sadd.s32 $0x4, s19  }
0xb6: {  	s21 =	sadd.s32 $0xFFFFFFFD, s21;
	s25 =	sld [smem:s23+$0x0];
	p0 =	por !p0, !p1  }
0xb7: {  	p1 =	slt.u32 s19, $0x7C;
	s28 =	sld [smem:s23+$0xFFFFFFFF];
	p0 =	por !p0, !p0  }
0xb8: {  	s16 =	simm.s32 @p0 $0x1;
	s17 =	smov.u32 @p0 s24;
	s18 =	smov.u32 @p0 s21  }
0xb9: {  	s25 =	sadd.s32 s20, s25;
	s24 =	sld [smem:s23+$0xFFFFFFFD];
	p0 =	seq.s32 s16, $0x0  }
0xba: {  	p2 =	sgt.s32 s25, $0xCCB;
	s21 =	sadd.s32 s28, s25;
	s28 =	ssub.s32 $0xCCC, s20  }
0xbb: {  	p0 =	por !p0, !p2;
	p3 =	sgt.s32 s21, $0xCCB;
	s26 =	sadd.s32 s26, s21  }
0xbc: {  	s25 =	ssub.s32 $0xCCC, s25;
	p2 =	por !p0, !p0;
	s20 =	sadd.s32 s24, s26  }
0xbd: {  	s16 =	simm.s32 @p2 $0x1;
	s17 =	smov.u32 @p2 s28;
	p0 =	sgt.s32 s20, $0xCCB  }
0xbe: {  	s18 =	smov.u32 @p2 s22;
	p2 =	sgt.s32 s26, $0xCCB;
	p4 =	seq.s32 s16, $0x0  }
0xbf: {  	s24 =	ssub.s32 $0xCCC, s26;
	s28 =	ssub.s32 $0xCCC, s21;
	p3 =	por !p3, !p4  }
0xc0: {  	s21 =	smov.u32 s22;
	s26 =	sadd.s32 $0xFFFFFFFF, s22;
	p3 =	por !p3, !p3  }
.Ltmp4:
0xc1: {  	s16 =	simm.s32 @p3 $0x1;
	s17 =	smov.u32 @p3 s25;
	(pc) =	sbr.rel @p1 .LBB2_8-.Ltmp4, $4  }
0xc2: {  	s18 =	smov.u32 @p3 s26;
	p3 =	seq.s32 s16, $0x0  }
0xc3: {  	p2 =	por !p2, !p3  }
0xc4: {  	s23 =	sadd.s32 $0xFFFFFFFC, s23;
	s22 =	sadd.s32 $0xFFFFFFFC, s22;
	p2 =	por !p2, !p2  }
0xc5: {  	s25 =	sadd.s32 $0xFFFFFFFE, s21;
	s16 =	simm.s32 @p2 $0x1;
	s17 =	smov.u32 @p2 s28  }
.LBB2_9:
0xc6: {  	p1 =	seq.s32 s16, $0x0  }
0xc7: {  	p0 =	por !p0, !p1  }
0xc8: {  	s18 =	smov.u32 @p2 s25;
	s19 =	sadd.s32 $0xFFFFFFFD, s21;
	p0 =	por !p0, !p0  }
0xc9: {  	s18 =	smov.u32 @p0 s19  }
0xca: {  	s18 =	sshll.u32 s18, $0x4  }
0xcb: {  	v4 =	vld [tilespmem:s18+$0x18000];
	_ =	sdelay $0x4  }
0xcc: {  	(xrf0) =	vadd.scan.msk.s32 $0xffff, v4;
	_ =	sdelay $0x3  }
0xcd: {  	s19 =	simm.s32 $0x18040  }
0xce: {  	[tilespmem:s19+$0xFFFFFFC0] =	vst v0  }
0xcf: {  	[tilespmem:s19+$0x30] =	vst v0;
	v3, _, _ =	vpop (xrf0)  }
0xd0: {  	[tilespmem:s19+$0x20] =	vst v0;
	v5 =	vbroadcast v3, $0xF  }
0xd1: {  	[tilespmem:s19+$0x10] =	vst v0;
	v4 =	vsub.s32 v4, v3  }
0xd2: {  	s17 =	smov.u32 @p0 s24;
	[tilespmem:s19+$0x0] =	vst v0;
	v4 =	vadd.s32 v5, v4  }
0xd3: {  	[tilespmem:s19+$0xFFFFFFF0] =	vst v0;
	vm0 =	vge.s32 v4, s17  }
0xd4: {  	s20 =	simm.s32 $0x0;
	s16 =	simm.s32 @p0 $0x1;
	[tilespmem:s19+$0xFFFFFFE0] =	vst v0;
	v4 =	vmpcnt.ones.xlane vm0  }
.LBB2_10:
0xd5: {  	s20 =	sadd.s32 $0x8, s20;
	[tilespmem:s19+$0xFFFFFFD0] =	vst v0;
	s19 =	sadd.s32 $0x80, s19  }
0xd6: {  	[tilespmem:s19+$0xFFFFFFC0] =	vst v0;
	p0 =	slt.u32 s20, $0x78  }
0xd7: {  	[tilespmem:s19+$0x30] =	vst v0  }
.Ltmp5:
0xd8: {  	[tilespmem:s19+$0x20] =	vst v0;
	(pc) =	sbr.rel @p0 .LBB2_10-.Ltmp5, $4  }
0xd9: {  	[tilespmem:s19+$0x10] =	vst v0  }
0xda: {  	[tilespmem:s19+$0x0] =	vst v0  }
0xdb: {  	[tilespmem:s19+$0xFFFFFFF0] =	vst v0  }
0xdc: {  	[tilespmem:s19+$0xFFFFFFE0] =	vst v0  }
0xdd: {  	(v2sf) =	vpush v4, $0x0;
	_ =	sdelay $0xb  }
0xde: {  	[tilespmem:s19+$0xFFFFFFD0] =	vst v0;
	s20 =	simm.s32 $0x10040  }
0xdf: {  	v5 =	vld [tilespmem:s20+$0xFFFFFFC0]  }
0xe0: {  	v7 =	vld [tilespmem:s20+$0xFFFFFFE0]  }
0xe1: {  	s31 =	spop (v2sf)  }
0xe2: {  	s19 =	sadd.s32 $0xFFFFFFFF, s31  }
0xe3: {  	v9 =	vld [tilespmem:s20+$0xFFFFFFF0];
	s18 =	sadd.s32 s18, s19  }
0xe4: {  	v11 =	vld [tilespmem:s20+$0x20];
	v6 =	vshra.s32 v5, $0x14;
	v4 =	vmov s18  }
0xe5: {  	v5 =	vshrl.u32 v5, $0x9;
	v8 =	vshra.s32 v7, $0x14;
	vm3 =	veq.s32 v6, v4  }
0xe6: {  	v13 =	vld [tilespmem:s20+$0x30];
	v7 =	vshrl.u32 v7, $0x9;
	v12 =	vand.u32 $0x7FF, v5;
	vm2 =	veq.s32 v8, v4  }
0xe7: {  	v5 =	vld [tilespmem:s20+$0xFFFFFFD0];
	v8 =	vand.u32 $0x7FF, v7;
	_ =	sdelay $0x1  }
0xe8: {  	v14 =	vshra.s32 v11, $0x14;
	v6 =	vshrl.u32 v9, $0x9;
	v7 =	vshra.s32 v9, $0x14;
	v9 =	vld [tilespmem:s20+$0x10]  }
0xe9: {  	v10 =	vld [tilespmem:s20+$0x0];
	vm1 =	veq.s32 v14, v4;
	vm0 =	veq.s32 v7, v4;
	v7 =	vshrl.u32 v11, $0x9  }
0xea: {  	s21 =	simm.s32 $0x100C0;
	s20 =	simm.s32 $0x0;
	v11 =	vshrl.u32 v13, $0x9;
	v7 =	vand.u32 $0x7FF, v7;
	[tilespmem:v12+s12+$0x0] =	vst.idx.add.s32.msk vm3, v1;
	v12 =	vshra.s32 v13, $0x14  }
.LBB2_12:
0xeb: {  	s20 =	sadd.s32 $0x8, s20;
	v13 =	vshra.s32 v5, $0x14;
	[tilespmem:v8+s12+$0x0] =	vst.idx.add.s32.msk vm2, v1;
	vm3 =	veq.s32 v12, v4  }
0xec: {  	v5 =	vshrl.u32 v5, $0x9;
	v8 =	vand.u32 $0x7FF, v6;
	v12 =	vld [tilespmem:s21+$0xFFFFFFF0];
	p0 =	slt.u32 s20, $0x7F8;
	vm4 =	veq.s32 v13, v4  }
0xed: {  	v11 =	vand.u32 $0x7FF, v11;
	v14 =	vand.u32 $0x7FF, v5;
	v13 =	vld [tilespmem:s21+$0xFFFFFFE0];
	v5 =	vshra.s32 v9, $0x14  }
0xee: {  	v15 =	vld [tilespmem:s21+$0xFFFFFFC0];
	v6 =	vshra.s32 v10, $0x14;
	vm5 =	veq.s32 v5, v4;
	v5 =	vshrl.u32 v9, $0x9  }
0xef: {  	v16 =	vld [tilespmem:s21+$0x30];
	vm6 =	veq.s32 v6, v4;
	v6 =	vshrl.u32 v10, $0x9;
	v9 =	vand.u32 $0x7FF, v5  }
0xf0: {  	v17 =	vld [tilespmem:s21+$0x20];
	v10 =	vand.u32 $0x7FF, v6  }
0xf1: {  	v5 =	vld [tilespmem:s21+$0xFFFFFFD0];
	v6 =	vshrl.u32 v12, $0x9  }
0xf2: {  	[tilespmem:v8+s12+$0x0] =	vst.idx.add.s32.msk vm0, v1  }
0xf3: {  	v18 =	vshra.s32 v13, $0x14;
	v13 =	vshrl.u32 v13, $0x9;
	v8 =	vshra.s32 v15, $0x14;
	[tilespmem:v7+s12+$0x0] =	vst.idx.add.s32.msk vm1, v1  }
0xf4: {  	v7 =	vshrl.u32 v15, $0x9;
	vm2 =	veq.s32 v18, v4;
	vm7 =	veq.s32 v8, v4;
	[tilespmem:v9+s12+$0x0] =	vst.idx.add.s32.msk vm5, v1  }
0xf5: {  	v7 =	vand.u32 $0x7FF, v7;
	v8 =	vand.u32 $0x7FF, v13;
	[tilespmem:v10+s12+$0x0] =	vst.idx.add.s32.msk vm6, v1  }
.Ltmp6:
0xf6: {  	v9 =	vshra.s32 v12, $0x14;
	[tilespmem:v11+s12+$0x0] =	vst.idx.add.s32.msk vm3, v1;
	(pc) =	sbr.rel @p0 .LBB2_12-.Ltmp6, $4  }
0xf7: {  	vm0 =	veq.s32 v9, v4;
	[tilespmem:v14+s12+$0x0] =	vst.idx.add.s32.msk vm4, v1  }
0xf8: {  	v11 =	vshra.s32 v17, $0x14;
	v9 =	vld [tilespmem:s21+$0x10]  }
0xf9: {  	vm1 =	veq.s32 v11, v4;
	v11 =	vshrl.u32 v17, $0x9;
	v10 =	vld [tilespmem:s21+$0x0]  }
0xfa: {  	v12 =	vshra.s32 v16, $0x14;
	s21 =	sadd.s32 $0x80, s21;
	[tilespmem:v7+s12+$0x0] =	vst.idx.add.s32.msk vm7, v1;
	v7 =	vand.u32 $0x7FF, v11;
	v11 =	vshrl.u32 v16, $0x9  }
0xfb: {  	_ = 	snop  }
0xfc: {  	v6 =	vand.u32 $0x7FF, v6  }
0xfd: {  	v63 =	vshra.s32 v5, $0x14;
	vm5 =	veq.s32 v12, v4;
	v13 =	vshra.s32 v9, $0x14  }
0xfe: {  	vm15 =	veq.s32 v63, v4;
	v9 =	vshrl.u32 v9, $0x9;
	vm3 =	veq.s32 v13, v4  }
0xff: {  	v62 =	vshra.s32 v10, $0x14;
	v10 =	vshrl.u32 v10, $0x9;
	v9 =	vand.u32 $0x7FF, v9  }
0x100: {  	vm4 =	veq.s32 v62, v4;
	v4 =	vshrl.u32 v5, $0x9;
	v5 =	vand.u32 $0x7FF, v11  }
0x101: {  	[tilespmem:v8+s12+$0x0] =	vst.idx.add.s32.msk vm2, v1;
	v10 =	vand.u32 $0x7FF, v10  }
0x102: {  	[tilespmem:v7+s12+$0x0] =	vst.idx.add.s32.msk vm1, v1;
	v4 =	vand.u32 $0x7FF, v4  }
0x103: {  	[tilespmem:v6+s12+$0x0] =	vst.idx.add.s32.msk vm0, v1  }
0x104: {  	[tilespmem:v9+s12+$0x0] =	vst.idx.add.s32.msk vm3, v1  }
0x105: {  	[tilespmem:v5+s12+$0x0] =	vst.idx.add.s32.msk vm5, v1  }
0x106: {  	[tilespmem:v10+s12+$0x0] =	vst.idx.add.s32.msk vm4, v1  }
0x107: {  	s20 =	simm.s32 $0x18040;
	[tilespmem:v4+s12+$0x0] =	vst.idx.add.s32.msk vm15, v1  }
0x108: {  	v4 =	vld [tilespmem:s20+$0xFFFFFFC0];
	_ =	sdelay $0x1  }
0x109: {  	v5 =	vld [tilespmem:s20+$0xFFFFFFD0]  }
0x10a: {  	v6 =	vld [tilespmem:s20+$0xFFFFFFE0]  }
0x10b: {  	v7 =	vld [tilespmem:s20+$0xFFFFFFF0]  }
0x10c: {  	v8 =	vld [tilespmem:s20+$0x0];
	(xrf0) =	vadd.scan.msk.s32 $0xffff, v4  }
0x10d: {  	v9 =	vld [tilespmem:s20+$0x10]  }
0x10e: {  	v4 =	vld [tilespmem:s20+$0x20];
	(xrf0) =	vadd.scan.msk.s32 $0xffff, v5  }
0x10f: {  	s28 =	simm.s32 $0x180C0;
	v5 =	vld [tilespmem:s20+$0x30];
	(xrf0) =	vadd.scan.msk.s32 $0xffff, v6  }
0x110: {  	v6 =	vld [tilespmem:s28+$0xFFFFFFC0];
	(xrf0) =	vadd.scan.msk.s32 $0xffff, v7  }
0x111: {  	v7 =	vld [tilespmem:s28+$0xFFFFFFD0];
	(xrf0) =	vadd.scan.msk.s32 $0xffff, v8  }
0x112: {  	v8 =	vld [tilespmem:s28+$0xFFFFFFE0];
	(xrf0) =	vadd.scan.msk.s32 $0xffff, v9;
	v9, _, _ =	vpop (xrf0)  }
0x113: {  	(xrf0) =	vadd.scan.msk.s32 $0xffff, v4;
	v4 =	vld [tilespmem:s28+$0xFFFFFFF0];
	(v2sf) =	vpush v9, $0xF  }
0x114: {  	v9, _, _ =	vpop (xrf0);
	(xrf0) =	vadd.scan.msk.s32 $0xffff, v5;
	v5 =	vld [tilespmem:s28+$0x0]  }
0x115: {  	v10 =	vld [tilespmem:s28+$0x10];
	(v2sf) =	vpush v9, $0xF;
	v9, _, _ =	vpop (xrf0);
	(xrf0) =	vadd.scan.msk.s32 $0xffff, v6  }
0x116: {  	(v2sf) =	vpush v9, $0xF;
	v6, _, _ =	vpop (xrf0);
	v9 =	vld [tilespmem:s28+$0x20];
	(xrf0) =	vadd.scan.msk.s32 $0xffff, v7  }
0x117: {  	v7 =	vld [tilespmem:s28+$0x30];
	(v2sf) =	vpush v6, $0xF;
	v6, _, _ =	vpop (xrf0);
	(xrf0) =	vadd.scan.msk.s32 $0xffff, v8  }
0x118: {  	s29 =	simm.s32 $0x18140;
	(v2sf) =	vpush v6, $0xF;
	v6, _, _ =	vpop (xrf0);
	(xrf0) =	vadd.scan.msk.s32 $0xffff, v4  }
0x119: {  	(v2sf) =	vpush v6, $0xF;
	v4, _, _ =	vpop (xrf0);
	v6 =	vld [tilespmem:s29+$0xFFFFFFC0];
	(xrf0) =	vadd.scan.msk.s32 $0xffff, v5  }
0x11a: {  	v5 =	vld [tilespmem:s29+$0xFFFFFFD0];
	(v2sf) =	vpush v4, $0xF;
	v4, _, _ =	vpop (xrf0);
	(xrf0) =	vadd.scan.msk.s32 $0xffff, v10  }
0x11b: {  	(v2sf) =	vpush v4, $0xF;
	v4 =	vld [tilespmem:s29+$0xFFFFFFE0];
	v8, _, _ =	vpop (xrf0);
	(xrf0) =	vadd.scan.msk.s32 $0xffff, v9  }
0x11c: {  	v9 =	vld [tilespmem:s29+$0xFFFFFFF0];
	(v2sf) =	vpush v8, $0xF;
	v8, _, _ =	vpop (xrf0);
	(xrf0) =	vadd.scan.msk.s32 $0xffff, v7  }
0x11d: {  	v7 =	vld [tilespmem:s29+$0x0];
	(v2sf) =	vpush v8, $0xF;
	v8, _, _ =	vpop (xrf0)  }
0x11e: {  	v10 =	vld [tilespmem:s29+$0x10];
	(xrf0) =	vadd.scan.msk.s32 $0xffff, v6;
	(v2sf) =	vpush v8, $0xF;
	v6, _, _ =	vpop (xrf0)  }
0x11f: {  	(xrf0) =	vadd.scan.msk.s32 $0xffff, v5;
	(v2sf) =	vpush v6, $0xF;
	v5, _, _ =	vpop (xrf0)  }
0x120: {  	s21 =	simm.s32 $0x181C0;
	v6 =	vld [tilespmem:s29+$0x20];
	(xrf0) =	vadd.scan.msk.s32 $0xffff, v4;
	(v2sf) =	vpush v5, $0xF;
	v4, _, _ =	vpop (xrf0)  }
0x121: {  	v8 =	vld [tilespmem:s21+$0xFFFFFFC0];
	(xrf0) =	vadd.scan.msk.s32 $0xffff, v9;
	(v2sf) =	vpush v4, $0xF;
	v4, _, _ =	vpop (xrf0)  }
0x122: {  	v5 =	vld [tilespmem:s29+$0x30];
	(xrf0) =	vadd.scan.msk.s32 $0xffff, v7;
	(v2sf) =	vpush v4, $0xF;
	v4, _, _ =	vpop (xrf0);
	s30 =	spop (v2sf)  }
0x123: {  	v7 =	vld [tilespmem:s21+$0xFFFFFFD0];
	(xrf0) =	vadd.scan.msk.s32 $0xffff, v10;
	(v2sf) =	vpush v4, $0xF;
	[smem:$0x0] =	sst s30  }
0x124: {  	s20 =	spop (v2sf)  }
0x125: {  	v9 =	vld [tilespmem:s21+$0xFFFFFFE0];
	v4, _, _ =	vpop (xrf0);
	(xrf0) =	vadd.scan.msk.s32 $0xffff, v6;
	[smem:$0x1] =	sst s20  }
0x126: {  	s20 =	spop (v2sf)  }
0x127: {  	v10 =	vld [tilespmem:s21+$0xFFFFFFF0];
	(v2sf) =	vpush v4, $0xF;
	v6, _, _ =	vpop (xrf0);
	(xrf0) =	vadd.scan.msk.s32 $0xffff, v5;
	[smem:$0x2] =	sst s20  }
0x128: {  	s20 =	spop (v2sf)  }
0x129: {  	v4 =	vld [tilespmem:s21+$0x0];
	(v2sf) =	vpush v6, $0xF;
	v6, _, _ =	vpop (xrf0);
	[smem:$0x3] =	sst s20  }
0x12a: {  	s20 =	simm.s32 $0x4;
	s22 =	spop (v2sf)  }
0x12b: {  	v5 =	vld [tilespmem:s21+$0x10];
	(xrf0) =	vadd.scan.msk.s32 $0xffff, v8;
	(v2sf) =	vpush v6, $0xF;
	v8, _, _ =	vpop (xrf0);
	[smem:s20] =	sst s22;
	s31 =	spop (v2sf)  }
0x12c: {  	v6 =	vld [tilespmem:s21+$0x20];
	(xrf0) =	vadd.scan.msk.s32 $0xffff, v7;
	(v2sf) =	vpush v8, $0xF;
	v8, _, _ =	vpop (xrf0);
	[smem:$0x5] =	sst s31  }
0x12d: {  	s22 =	spop (v2sf)  }
0x12e: {  	v7 =	vld [tilespmem:s21+$0x30];
	(xrf0) =	vadd.scan.msk.s32 $0xffff, v9;
	(v2sf) =	vpush v8, $0xF;
	v8, _, _ =	vpop (xrf0);
	[smem:$0x6] =	sst s22  }
0x12f: {  	(v2sf) =	vpush v8, $0xF;
	_ =	sdelay $0x3  }
0x130: {  	s23 =	spop (v2sf)  }
0x131: {  	s21 =	simm.s32 $0x18;
	s22 =	simm.s32 $0x18240;
	(xrf0) =	vadd.scan.msk.s32 $0xffff, v10;
	v8, _, _ =	vpop (xrf0);
	[smem:$0x7] =	sst s23  }
.LBB2_14:
0x132: {  	v9 =	vld [tilespmem:s22+$0xFFFFFFC0];
	(xrf0) =	vadd.scan.msk.s32 $0xffff, v4;
	(v2sf) =	vpush v8, $0xF;
	v4, _, _ =	vpop (xrf0);
	s23 =	spop (v2sf);
	s20 =	sadd.s32 $0x8, s20  }
0x133: {  	v8 =	vld [tilespmem:s22+$0xFFFFFFD0];
	(xrf0) =	vadd.scan.msk.s32 $0xffff, v5;
	(v2sf) =	vpush v4, $0xF;
	[smem:s20+$0xFFFFFFFC] =	sst s23;
	s23 =	spop (v2sf)  }
0x134: {  	v10 =	vld [tilespmem:s22+$0xFFFFFFE0];
	v4, _, _ =	vpop (xrf0);
	(xrf0) =	vadd.scan.msk.s32 $0xffff, v6;
	[smem:s20+$0xFFFFFFFD] =	sst s23;
	s23 =	spop (v2sf)  }
0x135: {  	s21 =	sadd.s32 $0x8, s21;
	v11 =	vld [tilespmem:s22+$0xFFFFFFF0];
	(v2sf) =	vpush v4, $0xF;
	v5, _, _ =	vpop (xrf0);
	(xrf0) =	vadd.scan.msk.s32 $0xffff, v7;
	[smem:s20+$0xFFFFFFFE] =	sst s23;
	s23 =	spop (v2sf)  }
0x136: {  	p0 =	slt.u32 s21, $0x78;
	[smem:s20+$0xFFFFFFFF] =	sst s23  }
.Ltmp7:
0x137: {  	v4 =	vld [tilespmem:s22+$0x0];
	(v2sf) =	vpush v5, $0xF;
	v6, _, _ =	vpop (xrf0);
	s23 =	spop (v2sf);
	(pc) =	sbr.rel @p0 .LBB2_14-.Ltmp7, $4  }
0x138: {  	v5 =	vld [tilespmem:s22+$0x10];
	(xrf0) =	vadd.scan.msk.s32 $0xffff, v9;
	(v2sf) =	vpush v6, $0xF;
	v7, _, _ =	vpop (xrf0);
	[smem:s20] =	sst s23;
	s23 =	spop (v2sf)  }
0x139: {  	v6 =	vld [tilespmem:s22+$0x20];
	(xrf0) =	vadd.scan.msk.s32 $0xffff, v8;
	(v2sf) =	vpush v7, $0xF;
	v8, _, _ =	vpop (xrf0);
	[smem:s20+$0x1] =	sst s23;
	s23 =	spop (v2sf)  }
0x13a: {  	v7 =	vld [tilespmem:s22+$0x30];
	(xrf0) =	vadd.scan.msk.s32 $0xffff, v10;
	(v2sf) =	vpush v8, $0xF;
	v8, _, _ =	vpop (xrf0);
	[smem:s20+$0x2] =	sst s23;
	s23 =	spop (v2sf)  }
0x13b: {  	s22 =	sadd.s32 $0x80, s22;
	(xrf0) =	vadd.scan.msk.s32 $0xffff, v11;
	(v2sf) =	vpush v8, $0xF;
	v8, _, _ =	vpop (xrf0);
	[smem:s20+$0x3] =	sst s23  }
0x13c: {  	(xrf0) =	vadd.scan.msk.s32 $0xffff, v4  }
0x13d: {  	(v2sf) =	vpush v8, $0xF;
	v54, _, _ =	vpop (xrf0);
	(xrf0) =	vadd.scan.msk.s32 $0xffff, v5  }
0x13e: {  	s21 =	spop (v2sf);
	v56 =	vmov s19;
	(v2sf) =	vpush v54, $0xF;
	v55, _, _ =	vpop (xrf0);
	(xrf0) =	vadd.scan.msk.s32 $0xffff, v6  }
0x13f: {  	s19 =	sadd.s32 $0x8, s20;
	s26 =	spop (v2sf);
	vm0 =	veq.s32 v56, v2;
	(v2sf) =	vpush v55, $0xF;
	v57, _, _ =	vpop (xrf0);
	(xrf0) =	vadd.scan.msk.s32 $0xffff, v7  }
0x140: {  	[smem:s19+$0xFFFFFFFC] =	sst s21;
	s30 =	spop (v2sf);
	v5 =	vnsel vm0, $0x0, v3;
	(v2sf) =	vpush v57, $0xF;
	v58, _, _ =	vpop (xrf0)  }
0x141: {  	[smem:s19+$0xFFFFFFFD] =	sst s26;
	s31 =	spop (v2sf);
	(xrf0) =	vadd.scan.msk.s32 $0xffff, v5;
	(v2sf) =	vpush v58, $0xF;
	v59, _, _ =	vpop (xrf0)  }
0x142: {  	[smem:s19+$0xFFFFFFFE] =	sst s30;
	s0 =	spop (v2sf);
	(v2sf) =	vpush v59, $0xF;
	v60, _, _ =	vpop (xrf0)  }
0x143: {  	[smem:s19+$0xFFFFFFFF] =	sst s31;
	s22 =	spop (v2sf);
	(v2sf) =	vpush v60, $0xF;
	v61, _, _ =	vpop (xrf0)  }
0x144: {  	[smem:s19] =	sst s0;
	s23 =	spop (v2sf);
	(v2sf) =	vpush v61, $0xF;
	v62, _, _ =	vpop (xrf0)  }
0x145: {  	[smem:s19+$0x1] =	sst s22;
	s24 =	spop (v2sf);
	(v2sf) =	vpush v62, $0xF;
	v63, _, _ =	vpop (xrf0)  }
0x146: {  	[smem:s19+$0x2] =	sst s23;
	s25 =	spop (v2sf);
	(v2sf) =	vpush v63, $0xF  }
0x147: {  	[smem:s19+$0x3] =	sst s24;
	s19 =	sadd.s32 $0x8, s19;
	s26 =	spop (v2sf);
	(v2sf) =	vpush v3, $0xF;
	v3, _, _ =	vpop (xrf0)  }
0x148: {  	[smem:s19+$0xFFFFFFFC] =	sst s25;
	s30 =	spop (v2sf);
	(v2sf) =	vpush v3, $0xF  }
0x149: {  	[smem:s19+$0xFFFFFFFD] =	sst s26;
	s31 =	spop (v2sf)  }
0x14a: {  	[smem:s19+$0xFFFFFFFE] =	sst s30;
	s0 =	spop (v2sf)  }
0x14b: {  	[smem:s19+$0xFFFFFFFF] =	sst s31;
	s22 =	spop (v2sf)  }
0x14c: {  	[smem:s19] =	sst s0;
	s23 =	spop (v2sf)  }
0x14d: {  	[smem:s19+$0x1] =	sst s22;
	s24 =	spop (v2sf)  }
0x14e: {  	[smem:s19+$0x2] =	sst s23;
	s25 =	spop (v2sf)  }
0x14f: {  	[smem:s19+$0x3] =	sst s24;
	s19 =	sadd.s32 $0x8, s19;
	s26 =	spop (v2sf)  }
0x150: {  	[smem:s19+$0xFFFFFFFC] =	sst s25;
	s30 =	spop (v2sf)  }
0x151: {  	[smem:s19+$0xFFFFFFFD] =	sst s26;
	s31 =	spop (v2sf)  }
0x152: {  	[smem:s19+$0xFFFFFFFE] =	sst s30;
	s0 =	spop (v2sf)  }
0x153: {  	[smem:s19+$0xFFFFFFFF] =	sst s31;
	s22 =	spop (v2sf)  }
0x154: {  	[smem:s19] =	sst s0;
	s23 =	spop (v2sf)  }
0x155: {  	[smem:s19+$0x1] =	sst s22;
	s24 =	spop (v2sf)  }
0x156: {  	[smem:s19+$0x2] =	sst s23;
	s25 =	spop (v2sf)  }
0x157: {  	[smem:s19+$0x3] =	sst s24;
	s26 =	spop (v2sf)  }
0x158: {  	s23 =	sld [smem:$0x7D]  }
0x159: {  	s22 =	sld [smem:$0x7F];
	_ =	sdelay $0x1  }
0x15a: {  	s20 =	simm.s32 $0x0;
	p0 =	por $0x1, $0x1;
	s19 =	ssub.s32 s26, s25  }
0x15b: {  	s24 =	simm.s32 $0x7F;
	s21 =	sadd.s32 s17, s19;
	s25 =	sadd.s32 $0x0, s22  }
0x15c: {  	s17 =	simm.s32 $0x0;
	s30 =	sld [smem:$0x7E];
	p1 =	sle.s32 s21, s25  }
0x15d: {  	s19 =	simm.s32 $0x0;
	s29 =	ssub.s32 s21, s20;
	p0 =	por !p0, !p1  }
0x15e: {  	s31 =	sld [smem:$0x7C];
	s22 =	simm.s32 $0x0;
	p2 =	por !p0, !p0  }
0x15f: {  	s26 =	sadd.s32 s30, s25;
	s25 =	ssub.s32 s21, s25;
	s17 =	simm.s32 @p2 $0x1  }
0x160: {  	p6 =	sle.s32 s21, s26;
	s28 =	sadd.s32 s23, s26;
	p3 =	seq.s32 s17, $0x0  }
0x161: {  	s30 =	ssub.s32 s21, s26;
	s23 =	sadd.s32 s31, s28;
	p1 =	por !p6, !p3  }
0x162: {  	p4 =	sle.s32 s21, s28;
	s26 =	ssub.s32 s21, s28;
	p1 =	por !p1, !p1  }
0x163: {  	s28 =	simm.s32 $0x7E;
	s19 =	smov.u32 @p2 s29;
	s17 =	simm.s32 @p1 $0x1  }
0x164: {  	p0 =	sge.s32 s23, s21;
	s20 =	smov.u32 @p2 s24;
	p5 =	seq.s32 s17, $0x0  }
0x165: {  	s29 =	simm.s32 $0x7D;
	s19 =	smov.u32 @p1 s25;
	p6 =	por !p4, !p5  }
0x166: {  	s20 =	smov.u32 @p1 s28;
	s25 =	simm.s32 $0x7B;
	p2 =	por !p6, !p6  }
0x167: {  	s28 =	simm.s32 $0x7B;
	s17 =	simm.s32 @p2 $0x1;
	s19 =	smov.u32 @p2 s30  }
.LBB2_16:
0x168: {  	s30 =	sld [smem:s28+$0xFFFFFFFE]  }
0x169: {  	s20 =	smov.u32 @p2 s29;
	p1 =	seq.s32 s17, $0x0;
	s22 =	sadd.s32 $0x4, s22  }
0x16a: {  	s24 =	sadd.s32 $0xFFFFFFFD, s24;
	s29 =	sld [smem:s28+$0x0];
	p0 =	por !p0, !p1  }
0x16b: {  	p1 =	slt.u32 s22, $0x7C;
	s31 =	sld [smem:s28+$0xFFFFFFFF];
	p0 =	por !p0, !p0  }
0x16c: {  	s17 =	simm.s32 @p0 $0x1;
	s19 =	smov.u32 @p0 s26;
	s20 =	smov.u32 @p0 s24  }
0x16d: {  	s29 =	sadd.s32 s23, s29;
	s26 =	sld [smem:s28+$0xFFFFFFFD];
	p0 =	seq.s32 s17, $0x0  }
0x16e: {  	p2 =	sle.s32 s21, s29;
	s24 =	sadd.s32 s31, s29;
	s31 =	ssub.s32 s21, s23  }
0x16f: {  	p0 =	por !p0, !p2;
	p3 =	sle.s32 s21, s24;
	s30 =	sadd.s32 s30, s24  }
0x170: {  	s29 =	ssub.s32 s21, s29;
	p2 =	por !p0, !p0;
	s23 =	sadd.s32 s26, s30  }
0x171: {  	s17 =	simm.s32 @p2 $0x1;
	s19 =	smov.u32 @p2 s31;
	p0 =	sge.s32 s23, s21  }
0x172: {  	s20 =	smov.u32 @p2 s25;
	p2 =	sle.s32 s21, s30;
	p4 =	seq.s32 s17, $0x0  }
0x173: {  	s26 =	ssub.s32 s21, s30;
	s31 =	ssub.s32 s21, s24;
	p3 =	por !p3, !p4  }
0x174: {  	s24 =	smov.u32 s25;
	s30 =	sadd.s32 $0xFFFFFFFF, s25;
	p3 =	por !p3, !p3  }
.Ltmp8:
0x175: {  	s17 =	simm.s32 @p3 $0x1;
	s19 =	smov.u32 @p3 s29;
	(pc) =	sbr.rel @p1 .LBB2_16-.Ltmp8, $4  }
0x176: {  	s20 =	smov.u32 @p3 s30;
	p3 =	seq.s32 s17, $0x0  }
0x177: {  	p2 =	por !p2, !p3  }
0x178: {  	s28 =	sadd.s32 $0xFFFFFFFC, s28;
	s25 =	sadd.s32 $0xFFFFFFFC, s25;
	p2 =	por !p2, !p2  }
0x179: {  	s29 =	sadd.s32 $0xFFFFFFFE, s24;
	s17 =	simm.s32 @p2 $0x1;
	s19 =	smov.u32 @p2 s31  }
0x17a: {  	p1 =	seq.s32 s17, $0x0  }
0x17b: {  	p0 =	por !p0, !p1  }
0x17c: {  	s20 =	smov.u32 @p2 s29;
	s21 =	sadd.s32 $0xFFFFFFFD, s24;
	p0 =	por !p0, !p0  }
0x17d: {  	s20 =	smov.u32 @p0 s21  }
0x17e: {  	s21 =	sshll.u32 s20, $0x4  }
0x17f: {  	v4 =	vld [tilespmem:s21+$0x18000];
	_ =	sdelay $0x4  }
0x180: {  	(xrf0) =	vadd.scan.msk.s32 $0xffff, v4;
	_ =	sdelay $0x3  }
0x181: {  	s20 =	simm.s32 $0x18040  }
0x182: {  	[tilespmem:s20+$0xFFFFFFC0] =	vst v0  }
0x183: {  	[tilespmem:s20+$0x30] =	vst v0;
	v3, _, _ =	vpop (xrf0)  }
0x184: {  	[tilespmem:s20+$0x20] =	vst v0;
	v5 =	vbroadcast v3, $0xF  }
0x185: {  	[tilespmem:s20+$0x10] =	vst v0;
	v4 =	vsub.s32 v4, v3  }
0x186: {  	s19 =	smov.u32 @p0 s26;
	[tilespmem:s20+$0x0] =	vst v0;
	v4 =	vadd.s32 v5, v4  }
0x187: {  	[tilespmem:s20+$0xFFFFFFF0] =	vst v0;
	vm0 =	vge.s32 v4, s19  }
0x188: {  	s22 =	simm.s32 $0x0;
	s17 =	simm.s32 @p0 $0x1;
	[tilespmem:s20+$0xFFFFFFE0] =	vst v0;
	v4 =	vmpcnt.ones.xlane vm0  }
.LBB2_18:
0x189: {  	s22 =	sadd.s32 $0x8, s22;
	[tilespmem:s20+$0xFFFFFFD0] =	vst v0;
	s20 =	sadd.s32 $0x80, s20  }
0x18a: {  	[tilespmem:s20+$0xFFFFFFC0] =	vst v0;
	p0 =	slt.u32 s22, $0x18  }
0x18b: {  	[tilespmem:s20+$0x30] =	vst v0  }
.Ltmp9:
0x18c: {  	[tilespmem:s20+$0x20] =	vst v0;
	(pc) =	sbr.rel @p0 .LBB2_18-.Ltmp9, $4  }
0x18d: {  	[tilespmem:s20+$0x10] =	vst v0  }
0x18e: {  	[tilespmem:s20+$0x0] =	vst v0  }
0x18f: {  	[tilespmem:s20+$0xFFFFFFF0] =	vst v0  }
0x190: {  	[tilespmem:s20+$0xFFFFFFE0] =	vst v0  }
0x191: {  	(v2sf) =	vpush v4, $0x0;
	_ =	sdelay $0xc  }
0x192: {  	[tilespmem:s20+$0xFFFFFFD0] =	vst v0;
	s22 =	simm.s32 $0x10040  }
0x193: {  	v5 =	vld [tilespmem:s22+$0x30]  }
0x194: {  	v6 =	vld [tilespmem:s22+$0xFFFFFFD0];
	s31 =	spop (v2sf)  }
0x195: {  	v8 =	vld [tilespmem:s22+$0xFFFFFFF0];
	s20 =	sadd.s32 $0xFFFFFFFF, s31  }
0x196: {  	s18 =	sshll.u32 s18, $0xB;
	v7 =	vld [tilespmem:s22+$0xFFFFFFE0];
	s21 =	sadd.s32 s21, s20  }
0x197: {  	s18 =	sor.u32 s18, s21  }
0x198: {  	v9 =	vshra.s32 v5, $0x9;
	v4 =	vmov s18  }
0x199: {  	v10 =	vld [tilespmem:s22+$0x0];
	v11 =	vshra.s32 v6, $0x9;
	v5 =	vand.u32 $0x1FF, v5;
	vm1 =	veq.s32 v9, v4  }
0x19a: {  	v12 =	vand.u32 $0x1FF, v6;
	v6 =	vshra.s32 v8, $0x9;
	v9 =	vld [tilespmem:s22+$0x10];
	vm2 =	veq.s32 v11, v4  }
0x19b: {  	v13 =	vld [tilespmem:s22+$0x20];
	v11 =	vshra.s32 v7, $0x9;
	vm4 =	veq.s32 v6, v4  }
0x19c: {  	v14 =	vand.u32 $0x1FF, v8;
	vm3 =	veq.s32 v11, v4;
	v11 =	vld [tilespmem:s22+$0xFFFFFFC0]  }
0x19d: {  	v7 =	vand.u32 $0x1FF, v7  }
0x19e: {  	v6 =	vshra.s32 v10, $0x9  }
0x19f: {  	vm0 =	veq.s32 v6, v4;
	v6 =	vshra.s32 v9, $0x9;
	[tilespmem:v5+s12+$0x0] =	vst.idx.add.s32.msk vm1, v1  }
0x1a0: {  	v5 =	vand.u32 $0x1FF, v10;
	vm1 =	veq.s32 v6, v4;
	v6 =	vand.u32 $0x1FF, v9;
	[tilespmem:v12+s12+$0x0] =	vst.idx.add.s32.msk vm2, v1  }
0x1a1: {  	v9 =	vshra.s32 v13, $0x9;
	v10 =	vshra.s32 v11, $0x9;
	v8 =	vand.u32 $0x1FF, v11;
	[tilespmem:v14+s12+$0x0] =	vst.idx.add.s32.msk vm4, v1  }
0x1a2: {  	s23 =	simm.s32 $0x100C0;
	s22 =	simm.s32 $0x0;
	[tilespmem:v7+s12+$0x0] =	vst.idx.add.s32.msk vm3, v1;
	vm2 =	veq.s32 v9, v4;
	vm3 =	veq.s32 v10, v4;
	v7 =	vand.u32 $0x1FF, v13  }
.LBB2_20:
0x1a3: {  	v9 =	vld [tilespmem:s23+$0x30];
	s22 =	sadd.s32 $0x8, s22  }
0x1a4: {  	v10 =	vld [tilespmem:s23+$0xFFFFFFD0];
	p0 =	slt.u32 s22, $0x7F8  }
0x1a5: {  	v11 =	vld [tilespmem:s23+$0xFFFFFFE0]  }
0x1a6: {  	v12 =	vld [tilespmem:s23+$0xFFFFFFF0]  }
0x1a7: {  	v13 =	vld [tilespmem:s23+$0x0]  }
0x1a8: {  	v14 =	vld [tilespmem:s23+$0x10];
	v15 =	vshra.s32 v9, $0x9  }
0x1a9: {  	v16 =	vshra.s32 v10, $0x9;
	v10 =	vand.u32 $0x1FF, v10;
	v17 =	vld [tilespmem:s23+$0x20];
	vm4 =	veq.s32 v15, v4  }
0x1aa: {  	v9 =	vand.u32 $0x1FF, v9;
	v15 =	vld [tilespmem:s23+$0xFFFFFFC0];
	vm5 =	veq.s32 v16, v4;
	v16 =	vshra.s32 v11, $0x9  }
0x1ab: {  	v11 =	vand.u32 $0x1FF, v11;
	vm6 =	veq.s32 v16, v4;
	v16 =	vshra.s32 v12, $0x9;
	[tilespmem:v8+s12+$0x0] =	vst.idx.add.s32.msk vm3, v1  }
0x1ac: {  	v12 =	vand.u32 $0x1FF, v12;
	vm7 =	veq.s32 v16, v4;
	v8 =	vshra.s32 v13, $0x9;
	[tilespmem:v5+s12+$0x0] =	vst.idx.add.s32.msk vm0, v1  }
0x1ad: {  	v5 =	vand.u32 $0x1FF, v13;
	vm0 =	veq.s32 v8, v4;
	v8 =	vshra.s32 v14, $0x9;
	[tilespmem:v6+s12+$0x0] =	vst.idx.add.s32.msk vm1, v1  }
.Ltmp10:
0x1ae: {  	v6 =	vand.u32 $0x1FF, v14;
	vm1 =	veq.s32 v8, v4;
	v13 =	vshra.s32 v17, $0x9;
	[tilespmem:v7+s12+$0x0] =	vst.idx.add.s32.msk vm2, v1;
	(pc) =	sbr.rel @p0 .LBB2_20-.Ltmp10, $4  }
0x1af: {  	s24 =	simm.s32 $0x18040;
	s21 =	simm.s32 $0x4;
	v7 =	vshra.s32 v15, $0x9;
	v8 =	vand.u32 $0x1FF, v15;
	vm2 =	veq.s32 v13, v4;
	[tilespmem:v9+s12+$0x0] =	vst.idx.add.s32.msk vm4, v1  }
0x1b0: {  	vm3 =	veq.s32 v7, v4;
	[tilespmem:v10+s12+$0x0] =	vst.idx.add.s32.msk vm5, v1;
	v7 =	vand.u32 $0x1FF, v17  }
0x1b1: {  	[tilespmem:v11+s12+$0x0] =	vst.idx.add.s32.msk vm6, v1  }
0x1b2: {  	s23 =	sadd.s32 $0x80, s23;
	[tilespmem:v12+s12+$0x0] =	vst.idx.add.s32.msk vm7, v1  }
0x1b3: {  	_ =	sdelay $0x4  }
0x1b4: {  	[tilespmem:v8+s12+$0x0] =	vst.idx.add.s32.msk vm3, v1  }
0x1b5: {  	[tilespmem:v5+s12+$0x0] =	vst.idx.add.s32.msk vm0, v1  }
0x1b6: {  	[tilespmem:v6+s12+$0x0] =	vst.idx.add.s32.msk vm1, v1  }
0x1b7: {  	[tilespmem:v7+s12+$0x0] =	vst.idx.add.s32.msk vm2, v1  }
0x1b8: {  	v4 =	vld [tilespmem:s24+$0xFFFFFFC0];
	_ =	sdelay $0x1  }
0x1b9: {  	v5 =	vld [tilespmem:s24+$0xFFFFFFD0]  }
0x1ba: {  	v6 =	vld [tilespmem:s24+$0xFFFFFFE0]  }
0x1bb: {  	v7 =	vld [tilespmem:s24+$0xFFFFFFF0]  }
0x1bc: {  	v8 =	vld [tilespmem:s24+$0x0];
	(xrf0) =	vadd.scan.msk.s32 $0xffff, v4  }
0x1bd: {  	v4 =	vld [tilespmem:s24+$0x10]  }
0x1be: {  	(xrf0) =	vadd.scan.msk.s32 $0xffff, v5  }
0x1bf: {  	v9 =	vld [tilespmem:s24+$0x20];
	(xrf0) =	vadd.scan.msk.s32 $0xffff, v6  }
0x1c0: {  	s22 =	simm.s32 $0x180C0;
	v5 =	vld [tilespmem:s24+$0x30];
	(xrf0) =	vadd.scan.msk.s32 $0xffff, v7  }
0x1c1: {  	v6 =	vld [tilespmem:s22+$0xFFFFFFC0];
	(xrf0) =	vadd.scan.msk.s32 $0xffff, v8  }
0x1c2: {  	v7 =	vld [tilespmem:s22+$0xFFFFFFD0];
	(xrf0) =	vadd.scan.msk.s32 $0xffff, v4;
	v4, _, _ =	vpop (xrf0)  }
0x1c3: {  	v8 =	vld [tilespmem:s22+$0xFFFFFFE0];
	(v2sf) =	vpush v4, $0xF  }
0x1c4: {  	(xrf0) =	vadd.scan.msk.s32 $0xffff, v9;
	v4 =	vld [tilespmem:s22+$0xFFFFFFF0];
	v60, _, _ =	vpop (xrf0)  }
0x1c5: {  	(xrf0) =	vadd.scan.msk.s32 $0xffff, v5;
	v5 =	vld [tilespmem:s22+$0x0];
	(v2sf) =	vpush v60, $0xF  }
0x1c6: {  	v10 =	vld [tilespmem:s22+$0x10];
	v61, _, _ =	vpop (xrf0);
	(xrf0) =	vadd.scan.msk.s32 $0xffff, v6  }
0x1c7: {  	v62 =	vld [tilespmem:s22+$0x20];
	(v2sf) =	vpush v61, $0xF;
	v6, _, _ =	vpop (xrf0);
	(xrf0) =	vadd.scan.msk.s32 $0xffff, v7  }
0x1c8: {  	v7 =	vld [tilespmem:s22+$0x30];
	(v2sf) =	vpush v6, $0xF;
	v6, _, _ =	vpop (xrf0);
	(xrf0) =	vadd.scan.msk.s32 $0xffff, v8  }
0x1c9: {  	(v2sf) =	vpush v6, $0xF;
	v6, _, _ =	vpop (xrf0);
	(xrf0) =	vadd.scan.msk.s32 $0xffff, v4  }
0x1ca: {  	s30 =	simm.s32 $0x18140;
	(v2sf) =	vpush v6, $0xF;
	v4, _, _ =	vpop (xrf0);
	(xrf0) =	vadd.scan.msk.s32 $0xffff, v5  }
0x1cb: {  	(v2sf) =	vpush v4, $0xF;
	v4, _, _ =	vpop (xrf0);
	v5 =	vld [tilespmem:s30+$0xFFFFFFC0];
	(xrf0) =	vadd.scan.msk.s32 $0xffff, v10  }
0x1cc: {  	v6 =	vld [tilespmem:s30+$0xFFFFFFD0];
	(v2sf) =	vpush v4, $0xF;
	v4, _, _ =	vpop (xrf0);
	(xrf0) =	vadd.scan.msk.s32 $0xffff, v62  }
0x1cd: {  	v8 =	vld [tilespmem:s30+$0xFFFFFFE0];
	(v2sf) =	vpush v4, $0xF;
	v4, _, _ =	vpop (xrf0);
	(xrf0) =	vadd.scan.msk.s32 $0xffff, v7  }
0x1ce: {  	v7 =	vld [tilespmem:s30+$0xFFFFFFF0];
	(v2sf) =	vpush v4, $0xF;
	v4, _, _ =	vpop (xrf0)  }
0x1cf: {  	(v2sf) =	vpush v4, $0xF;
	v4, _, _ =	vpop (xrf0)  }
0x1d0: {  	v63 =	vld [tilespmem:s30+$0x0];
	(xrf0) =	vadd.scan.msk.s32 $0xffff, v5;
	(v2sf) =	vpush v4, $0xF;
	v5, _, _ =	vpop (xrf0)  }
0x1d1: {  	v4 =	vld [tilespmem:s30+$0x10];
	(xrf0) =	vadd.scan.msk.s32 $0xffff, v6;
	(v2sf) =	vpush v5, $0xF;
	v5, _, _ =	vpop (xrf0)  }
0x1d2: {  	v6 =	vld [tilespmem:s30+$0x20];
	(xrf0) =	vadd.scan.msk.s32 $0xffff, v8;
	(v2sf) =	vpush v5, $0xF;
	v8, _, _ =	vpop (xrf0);
	s31 =	spop (v2sf)  }
0x1d3: {  	v5 =	vld [tilespmem:s30+$0x30];
	(xrf0) =	vadd.scan.msk.s32 $0xffff, v7;
	(v2sf) =	vpush v8, $0xF;
	v7, _, _ =	vpop (xrf0);
	[smem:$0x0] =	sst s31  }
0x1d4: {  	s22 =	spop (v2sf);
	(v2sf) =	vpush v7, $0xF;
	_ =	sdelay $0x3  }
0x1d5: {  	(xrf0) =	vadd.scan.msk.s32 $0xffff, v63;
	[smem:$0x1] =	sst s22  }
0x1d6: {  	s23 =	simm.s32 $0x181C0;
	s22 =	simm.s32 $0x10;
	s24 =	spop (v2sf)  }
.LBB2_22:
0x1d7: {  	v7 =	vld [tilespmem:s23+$0xFFFFFFC0];
	(xrf0) =	vadd.scan.msk.s32 $0xffff, v4;
	[smem:s21+$0xFFFFFFFE] =	sst s24;
	s24 =	spop (v2sf)  }
0x1d8: {  	v8 =	vld [tilespmem:s23+$0xFFFFFFD0];
	v4, _, _ =	vpop (xrf0);
	(xrf0) =	vadd.scan.msk.s32 $0xffff, v6;
	[smem:s21+$0xFFFFFFFF] =	sst s24;
	s24 =	spop (v2sf)  }
0x1d9: {  	v9 =	vld [tilespmem:s23+$0xFFFFFFE0];
	(v2sf) =	vpush v4, $0xF;
	v4, _, _ =	vpop (xrf0);
	(xrf0) =	vadd.scan.msk.s32 $0xffff, v5;
	[smem:s21] =	sst s24;
	s24 =	spop (v2sf)  }
0x1da: {  	s22 =	sadd.s32 $0x8, s22;
	v10 =	vld [tilespmem:s23+$0xFFFFFFF0];
	(v2sf) =	vpush v4, $0xF;
	v4, _, _ =	vpop (xrf0);
	[smem:s21+$0x1] =	sst s24;
	s24 =	spop (v2sf)  }
0x1db: {  	p0 =	slt.u32 s22, $0x18;
	v11 =	vld [tilespmem:s23+$0x0];
	(v2sf) =	vpush v4, $0xF;
	v5, _, _ =	vpop (xrf0);
	[smem:s21+$0x2] =	sst s24;
	s24 =	spop (v2sf)  }
.Ltmp11:
0x1dc: {  	v4 =	vld [tilespmem:s23+$0x10];
	(xrf0) =	vadd.scan.msk.s32 $0xffff, v7;
	(v2sf) =	vpush v5, $0xF;
	v5, _, _ =	vpop (xrf0);
	[smem:s21+$0x3] =	sst s24;
	(pc) =	sbr.rel @p0 .LBB2_22-.Ltmp11, $4  }
0x1dd: {  	v6 =	vld [tilespmem:s23+$0x20];
	(xrf0) =	vadd.scan.msk.s32 $0xffff, v8;
	(v2sf) =	vpush v5, $0xF;
	v7, _, _ =	vpop (xrf0)  }
0x1de: {  	s21 =	sadd.s32 $0x8, s21;
	v5 =	vld [tilespmem:s23+$0x30];
	(xrf0) =	vadd.scan.msk.s32 $0xffff, v9;
	(v2sf) =	vpush v7, $0xF;
	v7, _, _ =	vpop (xrf0);
	s24 =	spop (v2sf)  }
0x1df: {  	(xrf0) =	vadd.scan.msk.s32 $0xffff, v10;
	(v2sf) =	vpush v7, $0xF;
	v7, _, _ =	vpop (xrf0);
	[smem:s21+$0xFFFFFFFC] =	sst s24;
	s24 =	spop (v2sf)  }
0x1e0: {  	s23 =	sadd.s32 $0x80, s23;
	(xrf0) =	vadd.scan.msk.s32 $0xffff, v11;
	(v2sf) =	vpush v7, $0xF;
	[smem:s21+$0xFFFFFFFD] =	sst s24;
	s24 =	spop (v2sf)  }
0x1e1: {  	(xrf0) =	vadd.scan.msk.s32 $0xffff, v4  }
0x1e2: {  	v55 =	vmov s20;
	v54, _, _ =	vpop (xrf0);
	(xrf0) =	vadd.scan.msk.s32 $0xffff, v6  }
0x1e3: {  	vm0 =	veq.s32 v55, v2;
	(v2sf) =	vpush v54, $0xF;
	v56, _, _ =	vpop (xrf0);
	(xrf0) =	vadd.scan.msk.s32 $0xffff, v5  }
0x1e4: {  	v58 =	vnsel vm0, $0x0, v3;
	(v2sf) =	vpush v56, $0xF;
	v57, _, _ =	vpop (xrf0)  }
0x1e5: {  	s25 =	spop (v2sf);
	(xrf0) =	vadd.scan.msk.s32 $0xffff, v58;
	(v2sf) =	vpush v57, $0xF;
	v59, _, _ =	vpop (xrf0)  }
0x1e6: {  	[smem:s21+$0xFFFFFFFE] =	sst s24;
	s22 =	spop (v2sf);
	(v2sf) =	vpush v59, $0xF;
	v60, _, _ =	vpop (xrf0)  }
0x1e7: {  	[smem:s21+$0xFFFFFFFF] =	sst s25;
	s26 =	spop (v2sf);
	(v2sf) =	vpush v60, $0xF;
	v61, _, _ =	vpop (xrf0)  }
0x1e8: {  	[smem:s21] =	sst s22;
	s31 =	spop (v2sf);
	(v2sf) =	vpush v61, $0xF;
	v62, _, _ =	vpop (xrf0)  }
0x1e9: {  	[smem:s21+$0x1] =	sst s26;
	s0 =	spop (v2sf);
	(v2sf) =	vpush v62, $0xF;
	v63, _, _ =	vpop (xrf0)  }
0x1ea: {  	[smem:s21+$0x2] =	sst s31;
	s23 =	spop (v2sf);
	(v2sf) =	vpush v63, $0xF  }
0x1eb: {  	s20 =	sadd.s32 $0x8, s21;
	[smem:s21+$0x3] =	sst s0;
	s24 =	spop (v2sf);
	(v2sf) =	vpush v3, $0xF;
	v3, _, _ =	vpop (xrf0)  }
0x1ec: {  	[smem:s20+$0xFFFFFFFC] =	sst s23;
	s25 =	spop (v2sf);
	(v2sf) =	vpush v3, $0xF  }
0x1ed: {  	[smem:s20+$0xFFFFFFFD] =	sst s24;
	s23 =	spop (v2sf)  }
0x1ee: {  	[smem:s20+$0xFFFFFFFE] =	sst s25;
	s26 =	spop (v2sf)  }
0x1ef: {  	[smem:s20+$0xFFFFFFFF] =	sst s23;
	s31 =	spop (v2sf)  }
0x1f0: {  	[smem:s20] =	sst s26;
	s0 =	spop (v2sf)  }
0x1f1: {  	[smem:s20+$0x1] =	sst s31;
	s23 =	spop (v2sf)  }
0x1f2: {  	[smem:s20+$0x2] =	sst s0;
	s24 =	spop (v2sf)  }
0x1f3: {  	[smem:s20+$0x3] =	sst s23;
	s20 =	sadd.s32 $0x8, s20;
	s25 =	spop (v2sf)  }
0x1f4: {  	[smem:s20+$0xFFFFFFFC] =	sst s24;
	s26 =	spop (v2sf)  }
0x1f5: {  	[smem:s20+$0xFFFFFFFD] =	sst s25;
	s31 =	spop (v2sf)  }
0x1f6: {  	[smem:s20+$0xFFFFFFFE] =	sst s26;
	s0 =	spop (v2sf)  }
0x1f7: {  	[smem:s20+$0xFFFFFFFF] =	sst s31;
	s23 =	spop (v2sf)  }
0x1f8: {  	[smem:s20] =	sst s0;
	s24 =	spop (v2sf)  }
0x1f9: {  	[smem:s20+$0x1] =	sst s23;
	s25 =	spop (v2sf)  }
0x1fa: {  	[smem:s20+$0x2] =	sst s24;
	s26 =	spop (v2sf)  }
0x1fb: {  	[smem:s20+$0x3] =	sst s25;
	s31 =	spop (v2sf)  }
0x1fc: {  	s22 =	sld [smem:$0x1D]  }
0x1fd: {  	s0 =	sld [smem:$0x1F];
	_ =	sdelay $0x1  }
0x1fe: {  	p0 =	por $0x1, $0x1;
	s23 =	simm.s32 $0x0;
	s20 =	ssub.s32 s31, s26  }
0x1ff: {  	s21 =	sadd.s32 s19, s20;
	s24 =	sld [smem:$0x1E];
	s26 =	sadd.s32 $0x0, s0  }
0x200: {  	s25 =	simm.s32 $0x1F;
	s20 =	simm.s32 $0x0;
	p1 =	sle.s32 s21, s26  }
0x201: {  	s19 =	simm.s32 $0x0;
	s30 =	ssub.s32 s21, s20;
	p0 =	por !p0, !p1  }
0x202: {  	s31 =	sld [smem:$0x1C];
	s28 =	sadd.s32 s24, s26;
	p2 =	por !p0, !p0  }
0x203: {  	s26 =	ssub.s32 s21, s26;
	p6 =	sle.s32 s21, s28;
	s19 =	simm.s32 @p2 $0x1  }
0x204: {  	s29 =	sadd.s32 s22, s28;
	s22 =	simm.s32 $0x0;
	p3 =	seq.s32 s19, $0x0  }
0x205: {  	s24 =	sadd.s32 s31, s29;
	p4 =	sle.s32 s21, s29;
	p1 =	por !p6, !p3  }
0x206: {  	s31 =	ssub.s32 s21, s28;
	s29 =	ssub.s32 s21, s29;
	p1 =	por !p1, !p1  }
0x207: {  	s28 =	simm.s32 $0x1E;
	s22 =	smov.u32 @p2 s30;
	s19 =	simm.s32 @p1 $0x1  }
0x208: {  	p0 =	sge.s32 s24, s21;
	s20 =	smov.u32 @p2 s25;
	p5 =	seq.s32 s19, $0x0  }
0x209: {  	s30 =	simm.s32 $0x1D;
	s22 =	smov.u32 @p1 s26;
	p6 =	por !p4, !p5  }
0x20a: {  	s20 =	smov.u32 @p1 s28;
	s26 =	simm.s32 $0x1B;
	p2 =	por !p6, !p6  }
0x20b: {  	s28 =	simm.s32 $0x1B;
	s19 =	simm.s32 @p2 $0x1;
	s22 =	smov.u32 @p2 s31  }
.LBB2_24:
0x20c: {  	s31 =	sld [smem:s28+$0xFFFFFFFE]  }
0x20d: {  	s20 =	smov.u32 @p2 s30;
	p1 =	seq.s32 s19, $0x0;
	s23 =	sadd.s32 $0x4, s23  }
0x20e: {  	s25 =	sadd.s32 $0xFFFFFFFD, s25;
	s30 =	sld [smem:s28+$0x0];
	p0 =	por !p0, !p1  }
0x20f: {  	p1 =	slt.u32 s23, $0x1C;
	s0 =	sld [smem:s28+$0xFFFFFFFF];
	p0 =	por !p0, !p0  }
0x210: {  	s19 =	simm.s32 @p0 $0x1;
	s22 =	smov.u32 @p0 s29;
	s20 =	smov.u32 @p0 s25  }
0x211: {  	s30 =	sadd.s32 s24, s30;
	s29 =	sld [smem:s28+$0xFFFFFFFD];
	p0 =	seq.s32 s19, $0x0  }
0x212: {  	p2 =	sle.s32 s21, s30;
	s0 =	sadd.s32 s0, s30;
	s30 =	ssub.s32 s21, s30  }
0x213: {  	p0 =	por !p0, !p2;
	p3 =	sle.s32 s21, s0;
	s25 =	sadd.s32 s31, s0  }
0x214: {  	s31 =	ssub.s32 s21, s24;
	p2 =	por !p0, !p0;
	s24 =	sadd.s32 s29, s25  }
0x215: {  	s19 =	simm.s32 @p2 $0x1;
	s22 =	smov.u32 @p2 s31;
	p0 =	sge.s32 s24, s21  }
0x216: {  	s20 =	smov.u32 @p2 s26;
	p2 =	sle.s32 s21, s25;
	p4 =	seq.s32 s19, $0x0  }
0x217: {  	s0 =	ssub.s32 s21, s0;
	s29 =	ssub.s32 s21, s25;
	p3 =	por !p3, !p4  }
0x218: {  	s25 =	smov.u32 s26;
	s31 =	sadd.s32 $0xFFFFFFFF, s26;
	p3 =	por !p3, !p3  }
.Ltmp12:
0x219: {  	s19 =	simm.s32 @p3 $0x1;
	s22 =	smov.u32 @p3 s30;
	(pc) =	sbr.rel @p1 .LBB2_24-.Ltmp12, $4  }
0x21a: {  	s20 =	smov.u32 @p3 s31;
	p3 =	seq.s32 s19, $0x0  }
0x21b: {  	p2 =	por !p2, !p3  }
0x21c: {  	s28 =	sadd.s32 $0xFFFFFFFC, s28;
	s26 =	sadd.s32 $0xFFFFFFFC, s26;
	p2 =	por !p2, !p2  }
0x21d: {  	s30 =	sadd.s32 $0xFFFFFFFE, s25;
	s19 =	simm.s32 @p2 $0x1;
	s22 =	smov.u32 @p2 s0  }
0x21e: {  	p1 =	seq.s32 s19, $0x0  }
0x21f: {  	p0 =	por !p0, !p1  }
0x220: {  	s20 =	smov.u32 @p2 s30;
	s0 =	sadd.s32 $0xFFFFFFFD, s25;
	p0 =	por !p0, !p0  }
0x221: {  	s20 =	smov.u32 @p0 s0  }
0x222: {  	s0 =	sshll.u32 s20, $0x4  }
0x223: {  	v3 =	vld [tilespmem:s0+$0x18000];
	_ =	sdelay $0x4  }
0x224: {  	(xrf0) =	vadd.scan.msk.s32 $0xffff, v3;
	_ =	sdelay $0x5  }
0x225: {  	v4, _, _ =	vpop (xrf0)  }
0x226: {  	v5 =	vbroadcast v4, $0xF  }
0x227: {  	v3 =	vsub.s32 v3, v4  }
0x228: {  	s22 =	smov.u32 @p0 s29;
	v3 =	vadd.s32 v5, v3  }
0x229: {  	vm0 =	vge.s32 v3, s22  }
0x22a: {  	v3 =	vmpcnt.ones.xlane vm0;
	_ =	sdelay $0x1  }
0x22b: {  	(v2sf) =	vpush v3, $0x0;
	_ =	sdelay $0xe  }
0x22c: {  	s31 =	spop (v2sf)  }
0x22d: {  	s0 =	sadd.s32 s31, s0  }
0x22e: {  	s18 =	sshll.u32 s18, $0x9;
	s19 =	simm.s32 @p0 $0x1;
	s0 =	sadd.s32 $0xFFFFFFFF, s0  }
0x22f: {  	p0 =	seq.s32 s19, $0x1;
	s0 =	sor.u32 s18, s0  }
0x230: {  	p1 =	seq.s32 s17, $0x1;
	s0 =	simm.s32 @!p0 $0x0  }
0x231: {  	p0 =	seq.s32 s16, $0x1;
	s0 =	simm.s32 @!p1 $0x0  }
0x232: {  	s0 =	simm.s32 @!p0 $0x0  }
0x233: {  	v3 =	vmov s0  }
0x234: {  	[tilespmem:$0x18800] =	vst v3  }
0x235: {  	[hbm4b:s5+s2] =	stream.linear.scatter [tilespmem:s13], [sflag:$0x1], $0x80, $0x38;
	[tilespmem:$0x18880] =	vst v63  }
0x236: {  	_ =	swait.ge [sflag:s11], $0x80  }
0x237: {  	[sflag:s11] =	ssyncset.done $0x0  }
0x238: {  	[sflag:s11] =	ssyncadd.s32 $0xFFFFFF80  }
0x239: {  	_ =	swait.ge [sflag:s14], $0x8000  }
0x23a: {  	[sflag:s14] =	ssyncset.done $0x0  }
0x23b: {  	s18 =	simm.s32 $0x18040;
	[sflag:s14] =	ssyncadd.s32 $0xFFFF8000  }
0x23c: {  	[tilespmem:s18+$0xFFFFFFC0] =	vst v0  }
0x23d: {  	[tilespmem:s18+$0x30] =	vst v0  }
0x23e: {  	[tilespmem:s18+$0x20] =	vst v0  }
0x23f: {  	[tilespmem:s18+$0x10] =	vst v0  }
0x240: {  	[tilespmem:s18+$0x0] =	vst v0  }
0x241: {  	[tilespmem:s18+$0xFFFFFFF0] =	vst v0  }
0x242: {  	s19 =	simm.s32 $0x0;
	[tilespmem:s18+$0xFFFFFFE0] =	vst v0  }
.LBB2_26:
0x243: {  	s19 =	sadd.s32 $0x8, s19;
	[tilespmem:s18+$0xFFFFFFD0] =	vst v0;
	s18 =	sadd.s32 $0x80, s18;
	s16 =	simm.s32 $0x8040  }
0x244: {  	[tilespmem:s18+$0xFFFFFFC0] =	vst v0;
	p0 =	slt.u32 s19, $0x78  }
0x245: {  	[tilespmem:s18+$0x30] =	vst v0  }
.Ltmp13:
0x246: {  	[tilespmem:s18+$0x20] =	vst v0;
	(pc) =	sbr.rel @p0 .LBB2_26-.Ltmp13, $4  }
0x247: {  	[tilespmem:s18+$0x10] =	vst v0  }
0x248: {  	[tilespmem:s18+$0x0] =	vst v0  }
0x249: {  	[tilespmem:s18+$0xFFFFFFF0] =	vst v0  }
0x24a: {  	s17 =	simm.s32 $0x10040;
	[tilespmem:s18+$0xFFFFFFE0] =	vst v0  }
0x24b: {  	[tilespmem:s18+$0xFFFFFFD0] =	vst v0  }
0x24c: {  	v3 =	vld [tilespmem:s16+$0x20]  }
0x24d: {  	v4 =	vld [tilespmem:s16+$0xFFFFFFD0]  }
0x24e: {  	v5 =	vld [tilespmem:s16+$0x10]  }
0x24f: {  	v6 =	vld [tilespmem:s16+$0xFFFFFFC0]  }
0x250: {  	v12 =	vld [tilespmem:s16+$0x30]  }
0x251: {  	v8 =	vld [tilespmem:s16+$0xFFFFFFE0]  }
0x252: {  	v9 =	vand.u32 $0x7FFFFFFF, v4  }
0x253: {  	v4 =	vand.u32 $0x7F800000, v4;
	v11 =	vand.u32 $0x7FFFFFFF, v5;
	v7 =	vand.u32 $0x7FFFFFFF, v3  }
0x254: {  	v10 =	vand.u32 $0x7FFFFFFF, v6;
	v6 =	vand.u32 $0x7F800000, v6;
	v5 =	vand.u32 $0x7F800000, v5  }
0x255: {  	v14 =	vand.u32 $0x7F800000, v12;
	v15 =	vand.u32 $0x7F800000, v3;
	v12 =	vand.u32 $0x7FFFFFFF, v12  }
0x256: {  	vm0 =	vne.s32 v4, $0x7F800000;
	vm4 =	vne.s32 v6, $0x7F800000;
	v6 =	vand.u32 $0x7F800000, v8  }
0x257: {  	vm6 =	vne.s32 v5, $0x7F800000;
	v13 =	vnsel vm0, $0xFFFFFFFF, v9;
	v9 =	vnsel vm4, $0xFFFFFFFF, v10  }
0x258: {  	v5 =	vld [tilespmem:s16+$0xFFFFFFF0];
	v8 =	vand.u32 $0x7FFFFFFF, v8;
	vm3 =	vne.s32 v14, $0x7F800000;
	v10 =	vshra.s32 v9, $0x14  }
0x259: {  	vm2 =	vne.s32 v15, $0x7F800000;
	vm1 =	vne.s32 v6, $0x7F800000;
	v6 =	vnsel vm6, $0xFFFFFFFF, v11;
	v11 =	vld [tilespmem:s16+$0x0]  }
0x25a: {  	s18 =	simm.s32 $0x0;
	s19 =	simm.s32 $0x80C0;
	s20 =	simm.s32 $0x10040;
	v4 =	vshra.s32 v13, $0x14;
	v3 =	vshra.s32 v6, $0x14;
	[tilespmem:s17+$0xFFFFFFD0] =	vst v13;
	v8 =	vnsel vm1, $0xFFFFFFFF, v8  }
.LBB2_28:
0x25b: {  	v13 =	vld [tilespmem:s19+$0x20];
	s18 =	sadd.s32 $0x8, s18;
	[tilespmem:s17+$0xFFFFFFC0] =	vst v9;
	v14 =	vshra.s32 v8, $0x14;
	v7 =	vnsel vm2, $0xFFFFFFFF, v7;
	s20 =	sadd.s32 $0x80, s20;
	vm5 =	vmmov vm6  }
0x25c: {  	v9 =	vld [tilespmem:s19+$0xFFFFFFD0];
	p0 =	slt.u32 s18, $0x7F8;
	[tilespmem:s17+$0x20] =	vst v7;
	v15 =	vshra.s32 v7, $0x14;
	v7 =	vnsel vm3, $0xFFFFFFFF, v12  }
0x25d: {  	[tilespmem:v10+s12+$0x0] =	vst.idx.add.s32.msk vm4, v1;
	v10 =	vshra.s32 v7, $0x14  }
0x25e: {  	v16 =	vand.u32 $0x7F800000, v5;
	v12 =	vld [tilespmem:s19+$0x10];
	v17 =	vand.u32 $0x7FFFFFFF, v11;
	v11 =	vand.u32 $0x7F800000, v11;
	[tilespmem:s17+$0x30] =	vst v7  }
0x25f: {  	v5 =	vand.u32 $0x7FFFFFFF, v5;
	vm7 =	vne.s32 v16, $0x7F800000;
	v18 =	vld [tilespmem:s19+$0xFFFFFFC0];
	[tilespmem:s17+$0xFFFFFFE0] =	vst v8;
	vm6 =	vne.s32 v11, $0x7F800000  }
0x260: {  	v5 =	vnsel vm7, $0xFFFFFFFF, v5;
	v8 =	vld [tilespmem:s19+$0xFFFFFFE0];
	v11 =	vnsel vm6, $0xFFFFFFFF, v17;
	[tilespmem:s17+$0x10] =	vst v6  }
0x261: {  	v17 =	vshra.s32 v5, $0x14;
	v16 =	vld [tilespmem:s19+$0x30];
	[tilespmem:s17+$0xFFFFFFF0] =	vst v5;
	v6 =	vshra.s32 v11, $0x14  }
0x262: {  	v19 =	vand.u32 $0x7FFFFFFF, v9;
	[tilespmem:v10+s12+$0x0] =	vst.idx.add.s32.msk vm3, v1  }
0x263: {  	v7 =	vand.u32 $0x7FFFFFFF, v13;
	v5 =	vand.u32 $0x7F800000, v9;
	v20 =	vand.u32 $0x7FFFFFFF, v12;
	[tilespmem:v4+s12+$0x0] =	vst.idx.add.s32.msk vm0, v1  }
0x264: {  	vm0 =	vne.s32 v5, $0x7F800000;
	v4 =	vand.u32 $0x7FFFFFFF, v18;
	v9 =	vand.u32 $0x7F800000, v18;
	v5 =	vld [tilespmem:s19+$0xFFFFFFF0];
	[tilespmem:s17+$0x0] =	vst v11;
	s17 =	smov.u32 s20  }
0x265: {  	v10 =	vand.u32 $0x7F800000, v12;
	v11 =	vnsel vm0, $0xFFFFFFFF, v19;
	vm4 =	vne.s32 v9, $0x7F800000;
	[tilespmem:v15+s12+$0x0] =	vst.idx.add.s32.msk vm2, v1  }
.Ltmp14:
0x266: {  	v9 =	vnsel vm4, $0xFFFFFFFF, v4;
	v4 =	vshra.s32 v11, $0x14;
	v12 =	vand.u32 $0x7F800000, v16;
	[tilespmem:v6+s12+$0x0] =	vst.idx.add.s32.msk vm6, v1;
	(pc) =	sbr.rel @p0 .LBB2_28-.Ltmp14, $4  }
0x267: {  	v13 =	vand.u32 $0x7F800000, v13;
	v6 =	vand.u32 $0x7F800000, v8;
	vm6 =	vne.s32 v10, $0x7F800000;
	[tilespmem:v14+s12+$0x0] =	vst.idx.add.s32.msk vm1, v1  }
0x268: {  	v10 =	vshra.s32 v9, $0x14;
	vm1 =	vne.s32 v6, $0x7F800000;
	v6 =	vnsel vm6, $0xFFFFFFFF, v20;
	[tilespmem:v17+s12+$0x0] =	vst.idx.add.s32.msk vm7, v1  }
0x269: {  	v8 =	vand.u32 $0x7FFFFFFF, v8;
	vm3 =	vne.s32 v12, $0x7F800000;
	v14 =	vshra.s32 v6, $0x14;
	[tilespmem:s20+$0xFFFFFFD0] =	vst v11;
	v11 =	vld [tilespmem:s19+$0x0]  }
0x26a: {  	s21 =	simm.s32 $0x18040;
	s16 =	simm.s32 $0x4;
	vm2 =	vne.s32 v13, $0x7F800000;
	v12 =	vand.u32 $0x7FFFFFFF, v16;
	v8 =	vnsel vm1, $0xFFFFFFFF, v8;
	s19 =	sadd.s32 $0x80, s19;
	[tilespmem:v3+s12+$0x0] =	vst.idx.add.s32.msk vm5, v1;
	v3 =	vmovc v14  }
0x26b: {  	_ =	sdelay $0x1  }
0x26c: {  	[tilespmem:s17+$0xFFFFFFC0] =	vst v9  }
0x26d: {  	[tilespmem:s17+$0xFFFFFFE0] =	vst v8  }
0x26e: {  	[tilespmem:s17+$0x10] =	vst v6  }
0x26f: {  	v7 =	vnsel vm2, $0xFFFFFFFF, v7;
	[tilespmem:v4+s12+$0x0] =	vst.idx.add.s32.msk vm0, v1  }
0x270: {  	v57 =	vnsel vm3, $0xFFFFFFFF, v12;
	v8 =	vshra.s32 v8, $0x14;
	[tilespmem:s17+$0x20] =	vst v7  }
0x271: {  	v59 =	vand.u32 $0x7F800000, v5;
	v5 =	vand.u32 $0x7FFFFFFF, v5;
	[tilespmem:v10+s12+$0x0] =	vst.idx.add.s32.msk vm4, v1;
	v58 =	vshra.s32 v57, $0x14  }
0x272: {  	[tilespmem:s17+$0x30] =	vst v57;
	vm14 =	vne.s32 v59, $0x7F800000;
	v7 =	vshra.s32 v7, $0x14;
	v60 =	vand.u32 $0x7F800000, v11  }
0x273: {  	[tilespmem:v3+s12+$0x0] =	vst.idx.add.s32.msk vm6, v1;
	v5 =	vnsel vm14, $0xFFFFFFFF, v5;
	v13 =	vand.u32 $0x7FFFFFFF, v11;
	vm5 =	vne.s32 v60, $0x7F800000  }
0x274: {  	[tilespmem:s17+$0xFFFFFFF0] =	vst v5;
	v5 =	vshra.s32 v5, $0x14;
	v61 =	vnsel vm5, $0xFFFFFFFF, v13  }
0x275: {  	[tilespmem:v8+s12+$0x0] =	vst.idx.add.s32.msk vm1, v1;
	v6 =	vshra.s32 v61, $0x14  }
0x276: {  	[tilespmem:v58+s12+$0x0] =	vst.idx.add.s32.msk vm3, v1  }
0x277: {  	[tilespmem:s17+$0x0] =	vst v61  }
0x278: {  	[tilespmem:v7+s12+$0x0] =	vst.idx.add.s32.msk vm2, v1  }
0x279: {  	[tilespmem:v5+s12+$0x0] =	vst.idx.add.s32.msk vm14, v1  }
0x27a: {  	[tilespmem:v6+s12+$0x0] =	vst.idx.add.s32.msk vm5, v1  }
0x27b: {  	v3 =	vld [tilespmem:s21+$0xFFFFFFC0];
	_ =	sdelay $0x1  }
0x27c: {  	v4 =	vld [tilespmem:s21+$0xFFFFFFD0]  }
0x27d: {  	v5 =	vld [tilespmem:s21+$0xFFFFFFE0]  }
0x27e: {  	v6 =	vld [tilespmem:s21+$0xFFFFFFF0]  }
0x27f: {  	v7 =	vld [tilespmem:s21+$0x0];
	(xrf0) =	vadd.scan.msk.s32 $0xffff, v3  }
0x280: {  	v8 =	vld [tilespmem:s21+$0x10]  }
0x281: {  	v3 =	vld [tilespmem:s21+$0x20];
	(xrf0) =	vadd.scan.msk.s32 $0xffff, v4  }
0x282: {  	s0 =	simm.s32 $0x180C0;
	v4 =	vld [tilespmem:s21+$0x30];
	(xrf0) =	vadd.scan.msk.s32 $0xffff, v5  }
0x283: {  	v5 =	vld [tilespmem:s0+$0xFFFFFFC0];
	(xrf0) =	vadd.scan.msk.s32 $0xffff, v6  }
0x284: {  	v6 =	vld [tilespmem:s0+$0xFFFFFFD0];
	(xrf0) =	vadd.scan.msk.s32 $0xffff, v7  }
0x285: {  	v7 =	vld [tilespmem:s0+$0xFFFFFFE0];
	(xrf0) =	vadd.scan.msk.s32 $0xffff, v8;
	v8, _, _ =	vpop (xrf0)  }
0x286: {  	(xrf0) =	vadd.scan.msk.s32 $0xffff, v3;
	v3 =	vld [tilespmem:s0+$0xFFFFFFF0];
	(v2sf) =	vpush v8, $0xF  }
0x287: {  	v8, _, _ =	vpop (xrf0);
	(xrf0) =	vadd.scan.msk.s32 $0xffff, v4;
	v4 =	vld [tilespmem:s0+$0x0]  }
0x288: {  	v9 =	vld [tilespmem:s0+$0x10];
	(v2sf) =	vpush v8, $0xF;
	v8, _, _ =	vpop (xrf0);
	(xrf0) =	vadd.scan.msk.s32 $0xffff, v5  }
0x289: {  	(v2sf) =	vpush v8, $0xF;
	v5, _, _ =	vpop (xrf0);
	v8 =	vld [tilespmem:s0+$0x20];
	(xrf0) =	vadd.scan.msk.s32 $0xffff, v6  }
0x28a: {  	v6 =	vld [tilespmem:s0+$0x30];
	(v2sf) =	vpush v5, $0xF;
	v5, _, _ =	vpop (xrf0);
	(xrf0) =	vadd.scan.msk.s32 $0xffff, v7  }
0x28b: {  	s26 =	simm.s32 $0x18140;
	(v2sf) =	vpush v5, $0xF;
	v5, _, _ =	vpop (xrf0);
	(xrf0) =	vadd.scan.msk.s32 $0xffff, v3  }
0x28c: {  	(v2sf) =	vpush v5, $0xF;
	v3, _, _ =	vpop (xrf0);
	v5 =	vld [tilespmem:s26+$0xFFFFFFC0];
	(xrf0) =	vadd.scan.msk.s32 $0xffff, v4  }
0x28d: {  	v4 =	vld [tilespmem:s26+$0xFFFFFFD0];
	(v2sf) =	vpush v3, $0xF;
	v3, _, _ =	vpop (xrf0);
	(xrf0) =	vadd.scan.msk.s32 $0xffff, v9  }
0x28e: {  	(v2sf) =	vpush v3, $0xF;
	v3 =	vld [tilespmem:s26+$0xFFFFFFE0];
	v7, _, _ =	vpop (xrf0);
	(xrf0) =	vadd.scan.msk.s32 $0xffff, v8  }
0x28f: {  	v8 =	vld [tilespmem:s26+$0xFFFFFFF0];
	(v2sf) =	vpush v7, $0xF;
	v7, _, _ =	vpop (xrf0);
	(xrf0) =	vadd.scan.msk.s32 $0xffff, v6  }
0x290: {  	v6 =	vld [tilespmem:s26+$0x0];
	(v2sf) =	vpush v7, $0xF;
	v7, _, _ =	vpop (xrf0)  }
0x291: {  	v62 =	vld [tilespmem:s26+$0x10];
	(xrf0) =	vadd.scan.msk.s32 $0xffff, v5;
	(v2sf) =	vpush v7, $0xF;
	v5, _, _ =	vpop (xrf0)  }
0x292: {  	(xrf0) =	vadd.scan.msk.s32 $0xffff, v4;
	(v2sf) =	vpush v5, $0xF;
	v4, _, _ =	vpop (xrf0)  }
0x293: {  	s28 =	simm.s32 $0x181C0;
	v5 =	vld [tilespmem:s26+$0x20];
	(xrf0) =	vadd.scan.msk.s32 $0xffff, v3;
	(v2sf) =	vpush v4, $0xF;
	v3, _, _ =	vpop (xrf0)  }
0x294: {  	v7 =	vld [tilespmem:s28+$0xFFFFFFC0];
	(xrf0) =	vadd.scan.msk.s32 $0xffff, v8;
	(v2sf) =	vpush v3, $0xF;
	v3, _, _ =	vpop (xrf0)  }
0x295: {  	v4 =	vld [tilespmem:s26+$0x30];
	(xrf0) =	vadd.scan.msk.s32 $0xffff, v6;
	(v2sf) =	vpush v3, $0xF;
	v3, _, _ =	vpop (xrf0);
	s29 =	spop (v2sf)  }
0x296: {  	v6 =	vld [tilespmem:s28+$0xFFFFFFD0];
	(xrf0) =	vadd.scan.msk.s32 $0xffff, v62;
	(v2sf) =	vpush v3, $0xF;
	[smem:$0x0] =	sst s29  }
0x297: {  	s17 =	spop (v2sf)  }
0x298: {  	v8 =	vld [tilespmem:s28+$0xFFFFFFE0];
	v3, _, _ =	vpop (xrf0);
	(xrf0) =	vadd.scan.msk.s32 $0xffff, v5;
	[smem:$0x1] =	sst s17  }
0x299: {  	s17 =	spop (v2sf)  }
0x29a: {  	v63 =	vld [tilespmem:s28+$0xFFFFFFF0];
	(v2sf) =	vpush v3, $0xF;
	v5, _, _ =	vpop (xrf0);
	(xrf0) =	vadd.scan.msk.s32 $0xffff, v4;
	[smem:$0x2] =	sst s17  }
0x29b: {  	s17 =	spop (v2sf)  }
0x29c: {  	v3 =	vld [tilespmem:s28+$0x0];
	(v2sf) =	vpush v5, $0xF;
	v5, _, _ =	vpop (xrf0);
	[smem:$0x3] =	sst s17  }
0x29d: {  	s17 =	spop (v2sf)  }
0x29e: {  	v4 =	vld [tilespmem:s28+$0x10];
	(xrf0) =	vadd.scan.msk.s32 $0xffff, v7;
	(v2sf) =	vpush v5, $0xF;
	v7, _, _ =	vpop (xrf0);
	[smem:s16] =	sst s17;
	s30 =	spop (v2sf)  }
0x29f: {  	v5 =	vld [tilespmem:s28+$0x20];
	(xrf0) =	vadd.scan.msk.s32 $0xffff, v6;
	(v2sf) =	vpush v7, $0xF;
	v7, _, _ =	vpop (xrf0);
	[smem:$0x5] =	sst s30  }
0x2a0: {  	s17 =	spop (v2sf)  }
0x2a1: {  	v6 =	vld [tilespmem:s28+$0x30];
	(xrf0) =	vadd.scan.msk.s32 $0xffff, v8;
	(v2sf) =	vpush v7, $0xF;
	v7, _, _ =	vpop (xrf0);
	[smem:$0x6] =	sst s17  }
0x2a2: {  	(v2sf) =	vpush v7, $0xF;
	_ =	sdelay $0x3  }
0x2a3: {  	s31 =	spop (v2sf)  }
0x2a4: {  	vm15 =	vmmov vm6;
	s18 =	simm.s32 $0x18240;
	s17 =	simm.s32 $0x18;
	(xrf0) =	vadd.scan.msk.s32 $0xffff, v63;
	v7, _, _ =	vpop (xrf0);
	[smem:$0x7] =	sst s31  }
.LBB2_30:
0x2a5: {  	v8 =	vld [tilespmem:s18+$0xFFFFFFC0];
	(xrf0) =	vadd.scan.msk.s32 $0xffff, v3;
	(v2sf) =	vpush v7, $0xF;
	v3, _, _ =	vpop (xrf0);
	s0 =	spop (v2sf);
	s16 =	sadd.s32 $0x8, s16  }
0x2a6: {  	v7 =	vld [tilespmem:s18+$0xFFFFFFD0];
	(xrf0) =	vadd.scan.msk.s32 $0xffff, v4;
	(v2sf) =	vpush v3, $0xF;
	[smem:s16+$0xFFFFFFFC] =	sst s0;
	s0 =	spop (v2sf)  }
0x2a7: {  	v9 =	vld [tilespmem:s18+$0xFFFFFFE0];
	v3, _, _ =	vpop (xrf0);
	(xrf0) =	vadd.scan.msk.s32 $0xffff, v5;
	[smem:s16+$0xFFFFFFFD] =	sst s0;
	s0 =	spop (v2sf)  }
0x2a8: {  	s17 =	sadd.s32 $0x8, s17;
	v10 =	vld [tilespmem:s18+$0xFFFFFFF0];
	(v2sf) =	vpush v3, $0xF;
	v4, _, _ =	vpop (xrf0);
	(xrf0) =	vadd.scan.msk.s32 $0xffff, v6;
	[smem:s16+$0xFFFFFFFE] =	sst s0;
	s0 =	spop (v2sf)  }
0x2a9: {  	p0 =	slt.u32 s17, $0x78;
	[smem:s16+$0xFFFFFFFF] =	sst s0  }
.Ltmp15:
0x2aa: {  	v3 =	vld [tilespmem:s18+$0x0];
	(v2sf) =	vpush v4, $0xF;
	v5, _, _ =	vpop (xrf0);
	s0 =	spop (v2sf);
	(pc) =	sbr.rel @p0 .LBB2_30-.Ltmp15, $4  }
0x2ab: {  	v4 =	vld [tilespmem:s18+$0x10];
	(xrf0) =	vadd.scan.msk.s32 $0xffff, v8;
	(v2sf) =	vpush v5, $0xF;
	v6, _, _ =	vpop (xrf0);
	[smem:s16] =	sst s0;
	s0 =	spop (v2sf)  }
0x2ac: {  	v5 =	vld [tilespmem:s18+$0x20];
	(xrf0) =	vadd.scan.msk.s32 $0xffff, v7;
	(v2sf) =	vpush v6, $0xF;
	v7, _, _ =	vpop (xrf0);
	[smem:s16+$0x1] =	sst s0;
	s0 =	spop (v2sf)  }
0x2ad: {  	v6 =	vld [tilespmem:s18+$0x30];
	(xrf0) =	vadd.scan.msk.s32 $0xffff, v9;
	(v2sf) =	vpush v7, $0xF;
	v7, _, _ =	vpop (xrf0);
	[smem:s16+$0x2] =	sst s0;
	s0 =	spop (v2sf)  }
0x2ae: {  	s18 =	sadd.s32 $0x80, s18;
	(xrf0) =	vadd.scan.msk.s32 $0xffff, v10;
	(v2sf) =	vpush v7, $0xF;
	v7, _, _ =	vpop (xrf0);
	[smem:s16+$0x3] =	sst s0  }
0x2af: {  	(xrf0) =	vadd.scan.msk.s32 $0xffff, v3  }
0x2b0: {  	(v2sf) =	vpush v7, $0xF;
	v3, _, _ =	vpop (xrf0);
	(xrf0) =	vadd.scan.msk.s32 $0xffff, v4  }
0x2b1: {  	s0 =	spop (v2sf);
	s16 =	sadd.s32 $0x8, s16;
	(v2sf) =	vpush v3, $0xF;
	v3, _, _ =	vpop (xrf0);
	(xrf0) =	vadd.scan.msk.s32 $0xffff, v5  }
0x2b2: {  	[smem:s16+$0xFFFFFFFC] =	sst s0;
	s21 =	spop (v2sf);
	(v2sf) =	vpush v3, $0xF;
	v3, _, _ =	vpop (xrf0);
	(xrf0) =	vadd.scan.msk.s32 $0xffff, v6  }
0x2b3: {  	[smem:s16+$0xFFFFFFFD] =	sst s21;
	s22 =	spop (v2sf);
	(v2sf) =	vpush v3, $0xF;
	v3, _, _ =	vpop (xrf0)  }
0x2b4: {  	[smem:s16+$0xFFFFFFFE] =	sst s22;
	s23 =	spop (v2sf);
	(v2sf) =	vpush v3, $0xF;
	v3, _, _ =	vpop (xrf0)  }
0x2b5: {  	[smem:s16+$0xFFFFFFFF] =	sst s23;
	s24 =	spop (v2sf);
	(v2sf) =	vpush v3, $0xF;
	v3, _, _ =	vpop (xrf0)  }
0x2b6: {  	[smem:s16] =	sst s24;
	s25 =	spop (v2sf);
	(v2sf) =	vpush v3, $0xF;
	v3, _, _ =	vpop (xrf0)  }
0x2b7: {  	[smem:s16+$0x1] =	sst s25;
	s26 =	spop (v2sf);
	(v2sf) =	vpush v3, $0xF;
	v3, _, _ =	vpop (xrf0)  }
0x2b8: {  	[smem:s16+$0x2] =	sst s26;
	s28 =	spop (v2sf);
	(v2sf) =	vpush v3, $0xF;
	v3, _, _ =	vpop (xrf0)  }
0x2b9: {  	[smem:s16+$0x3] =	sst s28;
	s29 =	spop (v2sf);
	s16 =	sadd.s32 $0x8, s16;
	(v2sf) =	vpush v3, $0xF  }
0x2ba: {  	[smem:s16+$0xFFFFFFFC] =	sst s29;
	s30 =	spop (v2sf)  }
0x2bb: {  	[smem:s16+$0xFFFFFFFD] =	sst s30;
	s31 =	spop (v2sf)  }
0x2bc: {  	[smem:s16+$0xFFFFFFFE] =	sst s31;
	s17 =	spop (v2sf)  }
0x2bd: {  	[smem:s16+$0xFFFFFFFF] =	sst s17;
	s18 =	spop (v2sf)  }
0x2be: {  	[smem:s16] =	sst s18;
	s19 =	spop (v2sf)  }
0x2bf: {  	[smem:s16+$0x1] =	sst s19;
	s20 =	spop (v2sf)  }
0x2c0: {  	[smem:s16+$0x2] =	sst s20;
	s21 =	spop (v2sf)  }
0x2c1: {  	[smem:s16+$0x3] =	sst s21;
	s16 =	sadd.s32 $0x8, s16;
	s22 =	spop (v2sf)  }
0x2c2: {  	[smem:s16+$0xFFFFFFFC] =	sst s22;
	s23 =	spop (v2sf)  }
0x2c3: {  	[smem:s16+$0xFFFFFFFD] =	sst s23;
	s24 =	spop (v2sf)  }
0x2c4: {  	[smem:s16+$0xFFFFFFFE] =	sst s24;
	s25 =	spop (v2sf)  }
0x2c5: {  	[smem:s16+$0xFFFFFFFF] =	sst s25;
	s26 =	spop (v2sf)  }
0x2c6: {  	[smem:s16] =	sst s26;
	s28 =	spop (v2sf)  }
0x2c7: {  	[smem:s16+$0x1] =	sst s28;
	s29 =	spop (v2sf)  }
0x2c8: {  	[smem:s16+$0x2] =	sst s29;
	s30 =	spop (v2sf)  }
0x2c9: {  	[smem:s16+$0x3] =	sst s30  }
0x2ca: {  	s0 =	sld [smem:$0x7D]  }
0x2cb: {  	s31 =	sld [smem:$0x7F];
	_ =	sdelay $0x1  }
0x2cc: {  	p1 =	por $0x1, $0x1;
	p0 =	por $0x1, $0x1;
	s18 =	simm.s32 $0x0  }
0x2cd: {  	s19 =	simm.s32 $0x0;
	s17 =	sld [smem:$0x7E];
	s22 =	sadd.s32 $0x0, s31  }
0x2ce: {  	s21 =	simm.s32 $0x7F;
	s24 =	simm.s32 $0xCCC;
	p2 =	sgt.s32 s22, $0xCCB  }
0x2cf: {  	s25 =	simm.s32 $0x7D;
	s16 =	simm.s32 $0x0;
	p0 =	por !p0, !p2  }
0x2d0: {  	s20 =	sld [smem:$0x7C];
	s23 =	sadd.s32 s17, s22;
	p3 =	por !p0, !p0  }
0x2d1: {  	s17 =	simm.s32 $0x0;
	p6 =	sgt.s32 s23, $0xCCB;
	s16 =	simm.s32 @p3 $0x1  }
0x2d2: {  	s0 =	sadd.s32 s0, s23;
	s26 =	ssub.s32 $0xCCC, s23;
	p4 =	seq.s32 s16, $0x0  }
0x2d3: {  	s23 =	simm.s32 $0x7B;
	s20 =	sadd.s32 s20, s0;
	p2 =	por !p6, !p4  }
0x2d4: {  	s17 =	smov.u32 @p3 s24;
	p0 =	sgt.s32 s20, $0xCCB;
	p2 =	por !p2, !p2  }
.Ltmp16:
0x2d5: {  	s18 =	smov.u32 @p3 s21;
	s16 =	simm.s32 @p2 $0x1;
	(pc) =	sbr.rel @!p1 .LBB2_33-.Ltmp16, $4  }
0x2d6: {  	s24 =	ssub.s32 $0xCCC, s0;
	p4 =	sgt.s32 s0, $0xCCB;
	p5 =	seq.s32 s16, $0x0  }
0x2d7: {  	s0 =	ssub.s32 $0xCCC, s22;
	s22 =	simm.s32 $0x7E;
	p6 =	por !p4, !p5  }
0x2d8: {  	s17 =	smov.u32 @p2 s0;
	s18 =	smov.u32 @p2 s22;
	p2 =	por !p6, !p6  }
0x2d9: {  	s22 =	simm.s32 $0x7B;
	s16 =	simm.s32 @p2 $0x1;
	s17 =	smov.u32 @p2 s26  }
.LBB2_32:
0x2da: {  	s0 =	sld [smem:s23+$0xFFFFFFFE]  }
0x2db: {  	s18 =	smov.u32 @p2 s25;
	p1 =	seq.s32 s16, $0x0;
	s19 =	sadd.s32 $0x4, s19  }
0x2dc: {  	s21 =	sadd.s32 $0xFFFFFFFD, s21;
	s25 =	sld [smem:s23+$0x0];
	p0 =	por !p0, !p1  }
0x2dd: {  	p1 =	slt.u32 s19, $0x7C;
	s26 =	sld [smem:s23+$0xFFFFFFFF];
	p0 =	por !p0, !p0  }
0x2de: {  	s16 =	simm.s32 @p0 $0x1;
	s17 =	smov.u32 @p0 s24;
	s18 =	smov.u32 @p0 s21  }
0x2df: {  	s25 =	sadd.s32 s20, s25;
	s24 =	sld [smem:s23+$0xFFFFFFFD];
	p0 =	seq.s32 s16, $0x0  }
0x2e0: {  	p2 =	sgt.s32 s25, $0xCCB;
	s21 =	sadd.s32 s26, s25;
	s26 =	ssub.s32 $0xCCC, s20  }
0x2e1: {  	p0 =	por !p0, !p2;
	p3 =	sgt.s32 s21, $0xCCB;
	s0 =	sadd.s32 s0, s21  }
0x2e2: {  	p2 =	por !p0, !p0;
	s20 =	sadd.s32 s24, s0;
	s24 =	ssub.s32 $0xCCC, s0  }
0x2e3: {  	s16 =	simm.s32 @p2 $0x1;
	s17 =	smov.u32 @p2 s26;
	p0 =	sgt.s32 s20, $0xCCB  }
0x2e4: {  	s18 =	smov.u32 @p2 s22;
	p2 =	sgt.s32 s0, $0xCCB;
	p4 =	seq.s32 s16, $0x0  }
0x2e5: {  	s26 =	ssub.s32 $0xCCC, s21;
	s0 =	ssub.s32 $0xCCC, s25;
	p3 =	por !p3, !p4  }
0x2e6: {  	s21 =	smov.u32 s22;
	s25 =	sadd.s32 $0xFFFFFFFF, s22;
	p3 =	por !p3, !p3  }
.Ltmp17:
0x2e7: {  	s16 =	simm.s32 @p3 $0x1;
	s17 =	smov.u32 @p3 s0;
	(pc) =	sbr.rel @p1 .LBB2_32-.Ltmp17, $4  }
0x2e8: {  	s18 =	smov.u32 @p3 s25;
	p3 =	seq.s32 s16, $0x0  }
0x2e9: {  	p2 =	por !p2, !p3  }
0x2ea: {  	s23 =	sadd.s32 $0xFFFFFFFC, s23;
	s22 =	sadd.s32 $0xFFFFFFFC, s22;
	p2 =	por !p2, !p2  }
0x2eb: {  	s25 =	sadd.s32 $0xFFFFFFFE, s21;
	s16 =	simm.s32 @p2 $0x1;
	s17 =	smov.u32 @p2 s26  }
.LBB2_33:
0x2ec: {  	p1 =	seq.s32 s16, $0x0  }
0x2ed: {  	p0 =	por !p0, !p1  }
0x2ee: {  	s18 =	smov.u32 @p2 s25;
	s0 =	sadd.s32 $0xFFFFFFFD, s21;
	p0 =	por !p0, !p0  }
0x2ef: {  	s18 =	smov.u32 @p0 s0  }
0x2f0: {  	s18 =	sshll.u32 s18, $0x4  }
0x2f1: {  	v4 =	vld [tilespmem:s18+$0x18000];
	_ =	sdelay $0x4  }
0x2f2: {  	(xrf0) =	vadd.scan.msk.s32 $0xffff, v4;
	_ =	sdelay $0x3  }
0x2f3: {  	s19 =	simm.s32 $0x18040  }
0x2f4: {  	[tilespmem:s19+$0xFFFFFFC0] =	vst v0  }
0x2f5: {  	[tilespmem:s19+$0x30] =	vst v0;
	v3, _, _ =	vpop (xrf0)  }
0x2f6: {  	[tilespmem:s19+$0x20] =	vst v0;
	v5 =	vbroadcast v3, $0xF  }
0x2f7: {  	[tilespmem:s19+$0x10] =	vst v0;
	v4 =	vsub.s32 v4, v3  }
0x2f8: {  	s17 =	smov.u32 @p0 s24;
	[tilespmem:s19+$0x0] =	vst v0;
	v4 =	vadd.s32 v5, v4  }
0x2f9: {  	[tilespmem:s19+$0xFFFFFFF0] =	vst v0;
	vm0 =	vge.s32 v4, s17  }
0x2fa: {  	s20 =	simm.s32 $0x0;
	s16 =	simm.s32 @p0 $0x1;
	[tilespmem:s19+$0xFFFFFFE0] =	vst v0;
	v4 =	vmpcnt.ones.xlane vm0  }
.LBB2_34:
0x2fb: {  	s20 =	sadd.s32 $0x8, s20;
	[tilespmem:s19+$0xFFFFFFD0] =	vst v0;
	s19 =	sadd.s32 $0x80, s19  }
0x2fc: {  	[tilespmem:s19+$0xFFFFFFC0] =	vst v0;
	p0 =	slt.u32 s20, $0x78  }
0x2fd: {  	[tilespmem:s19+$0x30] =	vst v0  }
.Ltmp18:
0x2fe: {  	[tilespmem:s19+$0x20] =	vst v0;
	(pc) =	sbr.rel @p0 .LBB2_34-.Ltmp18, $4  }
0x2ff: {  	[tilespmem:s19+$0x10] =	vst v0  }
0x300: {  	[tilespmem:s19+$0x0] =	vst v0  }
0x301: {  	[tilespmem:s19+$0xFFFFFFF0] =	vst v0  }
0x302: {  	[tilespmem:s19+$0xFFFFFFE0] =	vst v0  }
0x303: {  	(v2sf) =	vpush v4, $0x0;
	_ =	sdelay $0xb  }
0x304: {  	[tilespmem:s19+$0xFFFFFFD0] =	vst v0;
	s20 =	simm.s32 $0x10040  }
0x305: {  	v5 =	vld [tilespmem:s20+$0xFFFFFFC0]  }
0x306: {  	v7 =	vld [tilespmem:s20+$0xFFFFFFE0]  }
0x307: {  	s0 =	spop (v2sf)  }
0x308: {  	s19 =	sadd.s32 $0xFFFFFFFF, s0  }
0x309: {  	v9 =	vld [tilespmem:s20+$0xFFFFFFF0];
	s18 =	sadd.s32 s18, s19  }
0x30a: {  	v11 =	vld [tilespmem:s20+$0x20];
	v6 =	vshra.s32 v5, $0x14;
	v4 =	vmov s18  }
0x30b: {  	v5 =	vshrl.u32 v5, $0x9;
	v8 =	vshra.s32 v7, $0x14;
	vm3 =	veq.s32 v6, v4  }
0x30c: {  	v13 =	vld [tilespmem:s20+$0x30];
	v7 =	vshrl.u32 v7, $0x9;
	v12 =	vand.u32 $0x7FF, v5;
	vm2 =	veq.s32 v8, v4  }
0x30d: {  	v5 =	vld [tilespmem:s20+$0xFFFFFFD0];
	v8 =	vand.u32 $0x7FF, v7;
	_ =	sdelay $0x1  }
0x30e: {  	v14 =	vshra.s32 v11, $0x14;
	v6 =	vshrl.u32 v9, $0x9;
	v7 =	vshra.s32 v9, $0x14;
	v9 =	vld [tilespmem:s20+$0x10]  }
0x30f: {  	v10 =	vld [tilespmem:s20+$0x0];
	vm1 =	veq.s32 v14, v4;
	vm0 =	veq.s32 v7, v4;
	v7 =	vshrl.u32 v11, $0x9  }
0x310: {  	s21 =	simm.s32 $0x100C0;
	s20 =	simm.s32 $0x0;
	v11 =	vshrl.u32 v13, $0x9;
	v7 =	vand.u32 $0x7FF, v7;
	[tilespmem:v12+s12+$0x0] =	vst.idx.add.s32.msk vm3, v1;
	v12 =	vshra.s32 v13, $0x14  }
.LBB2_36:
0x311: {  	s20 =	sadd.s32 $0x8, s20;
	v13 =	vshra.s32 v5, $0x14;
	[tilespmem:v8+s12+$0x0] =	vst.idx.add.s32.msk vm2, v1;
	vm3 =	veq.s32 v12, v4  }
0x312: {  	v5 =	vshrl.u32 v5, $0x9;
	v8 =	vand.u32 $0x7FF, v6;
	v12 =	vld [tilespmem:s21+$0xFFFFFFF0];
	p0 =	slt.u32 s20, $0x7F8;
	vm4 =	veq.s32 v13, v4  }
0x313: {  	v11 =	vand.u32 $0x7FF, v11;
	v14 =	vand.u32 $0x7FF, v5;
	v13 =	vld [tilespmem:s21+$0xFFFFFFE0];
	v5 =	vshra.s32 v9, $0x14  }
0x314: {  	v15 =	vld [tilespmem:s21+$0xFFFFFFC0];
	v6 =	vshra.s32 v10, $0x14;
	vm5 =	veq.s32 v5, v4;
	v5 =	vshrl.u32 v9, $0x9  }
0x315: {  	v16 =	vld [tilespmem:s21+$0x30];
	vm6 =	veq.s32 v6, v4;
	v6 =	vshrl.u32 v10, $0x9;
	v9 =	vand.u32 $0x7FF, v5  }
0x316: {  	v17 =	vld [tilespmem:s21+$0x20];
	v10 =	vand.u32 $0x7FF, v6  }
0x317: {  	v5 =	vld [tilespmem:s21+$0xFFFFFFD0];
	v6 =	vshrl.u32 v12, $0x9  }
0x318: {  	[tilespmem:v8+s12+$0x0] =	vst.idx.add.s32.msk vm0, v1  }
0x319: {  	v18 =	vshra.s32 v13, $0x14;
	v13 =	vshrl.u32 v13, $0x9;
	v8 =	vshra.s32 v15, $0x14;
	[tilespmem:v7+s12+$0x0] =	vst.idx.add.s32.msk vm1, v1  }
0x31a: {  	v7 =	vshrl.u32 v15, $0x9;
	vm2 =	veq.s32 v18, v4;
	vm7 =	veq.s32 v8, v4;
	[tilespmem:v9+s12+$0x0] =	vst.idx.add.s32.msk vm5, v1  }
0x31b: {  	v7 =	vand.u32 $0x7FF, v7;
	v8 =	vand.u32 $0x7FF, v13;
	[tilespmem:v10+s12+$0x0] =	vst.idx.add.s32.msk vm6, v1  }
.Ltmp19:
0x31c: {  	v9 =	vshra.s32 v12, $0x14;
	[tilespmem:v11+s12+$0x0] =	vst.idx.add.s32.msk vm3, v1;
	(pc) =	sbr.rel @p0 .LBB2_36-.Ltmp19, $4  }
0x31d: {  	vm0 =	veq.s32 v9, v4;
	[tilespmem:v14+s12+$0x0] =	vst.idx.add.s32.msk vm4, v1  }
0x31e: {  	v11 =	vshra.s32 v17, $0x14;
	v9 =	vld [tilespmem:s21+$0x10]  }
0x31f: {  	vm1 =	veq.s32 v11, v4;
	v11 =	vshrl.u32 v17, $0x9;
	v10 =	vld [tilespmem:s21+$0x0]  }
0x320: {  	v12 =	vshra.s32 v16, $0x14;
	s21 =	sadd.s32 $0x80, s21;
	[tilespmem:v7+s12+$0x0] =	vst.idx.add.s32.msk vm7, v1;
	v7 =	vand.u32 $0x7FF, v11;
	v11 =	vshrl.u32 v16, $0x9  }
0x321: {  	_ = 	snop  }
0x322: {  	v6 =	vand.u32 $0x7FF, v6  }
0x323: {  	v63 =	vshra.s32 v5, $0x14;
	vm5 =	veq.s32 v12, v4;
	v13 =	vshra.s32 v9, $0x14  }
0x324: {  	vm15 =	veq.s32 v63, v4;
	v9 =	vshrl.u32 v9, $0x9;
	vm3 =	veq.s32 v13, v4  }
0x325: {  	v62 =	vshra.s32 v10, $0x14;
	v10 =	vshrl.u32 v10, $0x9;
	v9 =	vand.u32 $0x7FF, v9  }
0x326: {  	vm4 =	veq.s32 v62, v4;
	v4 =	vshrl.u32 v5, $0x9;
	v5 =	vand.u32 $0x7FF, v11  }
0x327: {  	[tilespmem:v8+s12+$0x0] =	vst.idx.add.s32.msk vm2, v1;
	v10 =	vand.u32 $0x7FF, v10  }
0x328: {  	[tilespmem:v7+s12+$0x0] =	vst.idx.add.s32.msk vm1, v1;
	v4 =	vand.u32 $0x7FF, v4  }
0x329: {  	[tilespmem:v6+s12+$0x0] =	vst.idx.add.s32.msk vm0, v1  }
0x32a: {  	[tilespmem:v9+s12+$0x0] =	vst.idx.add.s32.msk vm3, v1  }
0x32b: {  	[tilespmem:v5+s12+$0x0] =	vst.idx.add.s32.msk vm5, v1  }
0x32c: {  	[tilespmem:v10+s12+$0x0] =	vst.idx.add.s32.msk vm4, v1  }
0x32d: {  	s0 =	simm.s32 $0x18040;
	[tilespmem:v4+s12+$0x0] =	vst.idx.add.s32.msk vm15, v1  }
0x32e: {  	v4 =	vld [tilespmem:s0+$0xFFFFFFC0];
	_ =	sdelay $0x1  }
0x32f: {  	v5 =	vld [tilespmem:s0+$0xFFFFFFD0]  }
0x330: {  	v6 =	vld [tilespmem:s0+$0xFFFFFFE0]  }
0x331: {  	v7 =	vld [tilespmem:s0+$0xFFFFFFF0]  }
0x332: {  	v8 =	vld [tilespmem:s0+$0x0];
	(xrf0) =	vadd.scan.msk.s32 $0xffff, v4  }
0x333: {  	v9 =	vld [tilespmem:s0+$0x10]  }
0x334: {  	v4 =	vld [tilespmem:s0+$0x20];
	(xrf0) =	vadd.scan.msk.s32 $0xffff, v5  }
0x335: {  	s26 =	simm.s32 $0x180C0;
	v5 =	vld [tilespmem:s0+$0x30];
	(xrf0) =	vadd.scan.msk.s32 $0xffff, v6  }
0x336: {  	v6 =	vld [tilespmem:s26+$0xFFFFFFC0];
	(xrf0) =	vadd.scan.msk.s32 $0xffff, v7  }
0x337: {  	v7 =	vld [tilespmem:s26+$0xFFFFFFD0];
	(xrf0) =	vadd.scan.msk.s32 $0xffff, v8  }
0x338: {  	v8 =	vld [tilespmem:s26+$0xFFFFFFE0];
	(xrf0) =	vadd.scan.msk.s32 $0xffff, v9;
	v9, _, _ =	vpop (xrf0)  }
0x339: {  	(xrf0) =	vadd.scan.msk.s32 $0xffff, v4;
	v4 =	vld [tilespmem:s26+$0xFFFFFFF0];
	(v2sf) =	vpush v9, $0xF  }
0x33a: {  	v9, _, _ =	vpop (xrf0);
	(xrf0) =	vadd.scan.msk.s32 $0xffff, v5;
	v5 =	vld [tilespmem:s26+$0x0]  }
0x33b: {  	v10 =	vld [tilespmem:s26+$0x10];
	(v2sf) =	vpush v9, $0xF;
	v9, _, _ =	vpop (xrf0);
	(xrf0) =	vadd.scan.msk.s32 $0xffff, v6  }
0x33c: {  	(v2sf) =	vpush v9, $0xF;
	v6, _, _ =	vpop (xrf0);
	v9 =	vld [tilespmem:s26+$0x20];
	(xrf0) =	vadd.scan.msk.s32 $0xffff, v7  }
0x33d: {  	v7 =	vld [tilespmem:s26+$0x30];
	(v2sf) =	vpush v6, $0xF;
	v6, _, _ =	vpop (xrf0);
	(xrf0) =	vadd.scan.msk.s32 $0xffff, v8  }
0x33e: {  	s28 =	simm.s32 $0x18140;
	(v2sf) =	vpush v6, $0xF;
	v6, _, _ =	vpop (xrf0);
	(xrf0) =	vadd.scan.msk.s32 $0xffff, v4  }
0x33f: {  	(v2sf) =	vpush v6, $0xF;
	v4, _, _ =	vpop (xrf0);
	v6 =	vld [tilespmem:s28+$0xFFFFFFC0];
	(xrf0) =	vadd.scan.msk.s32 $0xffff, v5  }
0x340: {  	v5 =	vld [tilespmem:s28+$0xFFFFFFD0];
	(v2sf) =	vpush v4, $0xF;
	v4, _, _ =	vpop (xrf0);
	(xrf0) =	vadd.scan.msk.s32 $0xffff, v10  }
0x341: {  	(v2sf) =	vpush v4, $0xF;
	v4 =	vld [tilespmem:s28+$0xFFFFFFE0];
	v8, _, _ =	vpop (xrf0);
	(xrf0) =	vadd.scan.msk.s32 $0xffff, v9  }
0x342: {  	v9 =	vld [tilespmem:s28+$0xFFFFFFF0];
	(v2sf) =	vpush v8, $0xF;
	v8, _, _ =	vpop (xrf0);
	(xrf0) =	vadd.scan.msk.s32 $0xffff, v7  }
0x343: {  	v7 =	vld [tilespmem:s28+$0x0];
	(v2sf) =	vpush v8, $0xF;
	v8, _, _ =	vpop (xrf0)  }
0x344: {  	v10 =	vld [tilespmem:s28+$0x10];
	(xrf0) =	vadd.scan.msk.s32 $0xffff, v6;
	(v2sf) =	vpush v8, $0xF;
	v6, _, _ =	vpop (xrf0)  }
0x345: {  	(xrf0) =	vadd.scan.msk.s32 $0xffff, v5;
	(v2sf) =	vpush v6, $0xF;
	v5, _, _ =	vpop (xrf0)  }
0x346: {  	s29 =	simm.s32 $0x181C0;
	v6 =	vld [tilespmem:s28+$0x20];
	(xrf0) =	vadd.scan.msk.s32 $0xffff, v4;
	(v2sf) =	vpush v5, $0xF;
	v4, _, _ =	vpop (xrf0)  }
0x347: {  	v8 =	vld [tilespmem:s29+$0xFFFFFFC0];
	(xrf0) =	vadd.scan.msk.s32 $0xffff, v9;
	(v2sf) =	vpush v4, $0xF;
	v4, _, _ =	vpop (xrf0)  }
0x348: {  	v5 =	vld [tilespmem:s28+$0x30];
	(xrf0) =	vadd.scan.msk.s32 $0xffff, v7;
	(v2sf) =	vpush v4, $0xF;
	v4, _, _ =	vpop (xrf0);
	s20 =	spop (v2sf)  }
0x349: {  	v7 =	vld [tilespmem:s29+$0xFFFFFFD0];
	(xrf0) =	vadd.scan.msk.s32 $0xffff, v10;
	(v2sf) =	vpush v4, $0xF;
	[smem:$0x0] =	sst s20  }
0x34a: {  	s20 =	spop (v2sf)  }
0x34b: {  	v9 =	vld [tilespmem:s29+$0xFFFFFFE0];
	v4, _, _ =	vpop (xrf0);
	(xrf0) =	vadd.scan.msk.s32 $0xffff, v6;
	[smem:$0x1] =	sst s20  }
0x34c: {  	s20 =	spop (v2sf)  }
0x34d: {  	v10 =	vld [tilespmem:s29+$0xFFFFFFF0];
	(v2sf) =	vpush v4, $0xF;
	v6, _, _ =	vpop (xrf0);
	(xrf0) =	vadd.scan.msk.s32 $0xffff, v5;
	[smem:$0x2] =	sst s20  }
0x34e: {  	s20 =	spop (v2sf)  }
0x34f: {  	v4 =	vld [tilespmem:s29+$0x0];
	(v2sf) =	vpush v6, $0xF;
	v6, _, _ =	vpop (xrf0);
	[smem:$0x3] =	sst s20  }
0x350: {  	s20 =	simm.s32 $0x4;
	s21 =	spop (v2sf)  }
0x351: {  	v5 =	vld [tilespmem:s29+$0x10];
	(xrf0) =	vadd.scan.msk.s32 $0xffff, v8;
	(v2sf) =	vpush v6, $0xF;
	v8, _, _ =	vpop (xrf0);
	[smem:s20] =	sst s21;
	s30 =	spop (v2sf)  }
0x352: {  	v6 =	vld [tilespmem:s29+$0x20];
	(xrf0) =	vadd.scan.msk.s32 $0xffff, v7;
	(v2sf) =	vpush v8, $0xF;
	v8, _, _ =	vpop (xrf0);
	[smem:$0x5] =	sst s30  }
0x353: {  	s21 =	spop (v2sf)  }
0x354: {  	v7 =	vld [tilespmem:s29+$0x30];
	(xrf0) =	vadd.scan.msk.s32 $0xffff, v9;
	(v2sf) =	vpush v8, $0xF;
	v8, _, _ =	vpop (xrf0);
	[smem:$0x6] =	sst s21  }
0x355: {  	(v2sf) =	vpush v8, $0xF;
	_ =	sdelay $0x3  }
0x356: {  	s31 =	spop (v2sf)  }
0x357: {  	s22 =	simm.s32 $0x18240;
	s21 =	simm.s32 $0x18;
	(xrf0) =	vadd.scan.msk.s32 $0xffff, v10;
	v8, _, _ =	vpop (xrf0);
	[smem:$0x7] =	sst s31  }
.LBB2_38:
0x358: {  	v9 =	vld [tilespmem:s22+$0xFFFFFFC0];
	(xrf0) =	vadd.scan.msk.s32 $0xffff, v4;
	(v2sf) =	vpush v8, $0xF;
	v4, _, _ =	vpop (xrf0);
	s0 =	spop (v2sf);
	s20 =	sadd.s32 $0x8, s20  }
0x359: {  	v8 =	vld [tilespmem:s22+$0xFFFFFFD0];
	(xrf0) =	vadd.scan.msk.s32 $0xffff, v5;
	(v2sf) =	vpush v4, $0xF;
	[smem:s20+$0xFFFFFFFC] =	sst s0;
	s0 =	spop (v2sf)  }
0x35a: {  	v10 =	vld [tilespmem:s22+$0xFFFFFFE0];
	v4, _, _ =	vpop (xrf0);
	(xrf0) =	vadd.scan.msk.s32 $0xffff, v6;
	[smem:s20+$0xFFFFFFFD] =	sst s0;
	s0 =	spop (v2sf)  }
0x35b: {  	s21 =	sadd.s32 $0x8, s21;
	v11 =	vld [tilespmem:s22+$0xFFFFFFF0];
	(v2sf) =	vpush v4, $0xF;
	v5, _, _ =	vpop (xrf0);
	(xrf0) =	vadd.scan.msk.s32 $0xffff, v7;
	[smem:s20+$0xFFFFFFFE] =	sst s0;
	s0 =	spop (v2sf)  }
0x35c: {  	p0 =	slt.u32 s21, $0x78;
	[smem:s20+$0xFFFFFFFF] =	sst s0  }
.Ltmp20:
0x35d: {  	v4 =	vld [tilespmem:s22+$0x0];
	(v2sf) =	vpush v5, $0xF;
	v6, _, _ =	vpop (xrf0);
	s0 =	spop (v2sf);
	(pc) =	sbr.rel @p0 .LBB2_38-.Ltmp20, $4  }
0x35e: {  	v5 =	vld [tilespmem:s22+$0x10];
	(xrf0) =	vadd.scan.msk.s32 $0xffff, v9;
	(v2sf) =	vpush v6, $0xF;
	v7, _, _ =	vpop (xrf0);
	[smem:s20] =	sst s0;
	s0 =	spop (v2sf)  }
0x35f: {  	v6 =	vld [tilespmem:s22+$0x20];
	(xrf0) =	vadd.scan.msk.s32 $0xffff, v8;
	(v2sf) =	vpush v7, $0xF;
	v8, _, _ =	vpop (xrf0);
	[smem:s20+$0x1] =	sst s0;
	s0 =	spop (v2sf)  }
0x360: {  	v7 =	vld [tilespmem:s22+$0x30];
	(xrf0) =	vadd.scan.msk.s32 $0xffff, v10;
	(v2sf) =	vpush v8, $0xF;
	v8, _, _ =	vpop (xrf0);
	[smem:s20+$0x2] =	sst s0;
	s0 =	spop (v2sf)  }
0x361: {  	s22 =	sadd.s32 $0x80, s22;
	(xrf0) =	vadd.scan.msk.s32 $0xffff, v11;
	(v2sf) =	vpush v8, $0xF;
	v8, _, _ =	vpop (xrf0);
	[smem:s20+$0x3] =	sst s0  }
0x362: {  	(xrf0) =	vadd.scan.msk.s32 $0xffff, v4  }
0x363: {  	(v2sf) =	vpush v8, $0xF;
	v54, _, _ =	vpop (xrf0);
	(xrf0) =	vadd.scan.msk.s32 $0xffff, v5  }
0x364: {  	s0 =	spop (v2sf);
	v56 =	vmov s19;
	(v2sf) =	vpush v54, $0xF;
	v55, _, _ =	vpop (xrf0);
	(xrf0) =	vadd.scan.msk.s32 $0xffff, v6  }
0x365: {  	s19 =	sadd.s32 $0x8, s20;
	s26 =	spop (v2sf);
	vm0 =	veq.s32 v56, v2;
	(v2sf) =	vpush v55, $0xF;
	v57, _, _ =	vpop (xrf0);
	(xrf0) =	vadd.scan.msk.s32 $0xffff, v7  }
0x366: {  	[smem:s19+$0xFFFFFFFC] =	sst s0;
	s30 =	spop (v2sf);
	v5 =	vnsel vm0, $0x0, v3;
	(v2sf) =	vpush v57, $0xF;
	v58, _, _ =	vpop (xrf0)  }
0x367: {  	[smem:s19+$0xFFFFFFFD] =	sst s26;
	s31 =	spop (v2sf);
	(xrf0) =	vadd.scan.msk.s32 $0xffff, v5;
	(v2sf) =	vpush v58, $0xF;
	v59, _, _ =	vpop (xrf0)  }
0x368: {  	[smem:s19+$0xFFFFFFFE] =	sst s30;
	s21 =	spop (v2sf);
	(v2sf) =	vpush v59, $0xF;
	v60, _, _ =	vpop (xrf0)  }
0x369: {  	[smem:s19+$0xFFFFFFFF] =	sst s31;
	s22 =	spop (v2sf);
	(v2sf) =	vpush v60, $0xF;
	v61, _, _ =	vpop (xrf0)  }
0x36a: {  	[smem:s19] =	sst s21;
	s23 =	spop (v2sf);
	(v2sf) =	vpush v61, $0xF;
	v62, _, _ =	vpop (xrf0)  }
0x36b: {  	[smem:s19+$0x1] =	sst s22;
	s24 =	spop (v2sf);
	(v2sf) =	vpush v62, $0xF;
	v63, _, _ =	vpop (xrf0)  }
0x36c: {  	[smem:s19+$0x2] =	sst s23;
	s25 =	spop (v2sf);
	(v2sf) =	vpush v63, $0xF  }
0x36d: {  	[smem:s19+$0x3] =	sst s24;
	s19 =	sadd.s32 $0x8, s19;
	s26 =	spop (v2sf);
	(v2sf) =	vpush v3, $0xF;
	v3, _, _ =	vpop (xrf0)  }
0x36e: {  	[smem:s19+$0xFFFFFFFC] =	sst s25;
	s30 =	spop (v2sf);
	(v2sf) =	vpush v3, $0xF  }
0x36f: {  	[smem:s19+$0xFFFFFFFD] =	sst s26;
	s31 =	spop (v2sf)  }
0x370: {  	[smem:s19+$0xFFFFFFFE] =	sst s30;
	s21 =	spop (v2sf)  }
0x371: {  	[smem:s19+$0xFFFFFFFF] =	sst s31;
	s22 =	spop (v2sf)  }
0x372: {  	[smem:s19] =	sst s21;
	s23 =	spop (v2sf)  }
0x373: {  	[smem:s19+$0x1] =	sst s22;
	s24 =	spop (v2sf)  }
0x374: {  	[smem:s19+$0x2] =	sst s23;
	s25 =	spop (v2sf)  }
0x375: {  	[smem:s19+$0x3] =	sst s24;
	s19 =	sadd.s32 $0x8, s19;
	s26 =	spop (v2sf)  }
0x376: {  	[smem:s19+$0xFFFFFFFC] =	sst s25;
	s30 =	spop (v2sf)  }
0x377: {  	[smem:s19+$0xFFFFFFFD] =	sst s26;
	s31 =	spop (v2sf)  }
0x378: {  	[smem:s19+$0xFFFFFFFE] =	sst s30;
	s21 =	spop (v2sf)  }
0x379: {  	[smem:s19+$0xFFFFFFFF] =	sst s31;
	s22 =	spop (v2sf)  }
0x37a: {  	[smem:s19] =	sst s21;
	s23 =	spop (v2sf)  }
0x37b: {  	[smem:s19+$0x1] =	sst s22;
	s24 =	spop (v2sf)  }
0x37c: {  	[smem:s19+$0x2] =	sst s23;
	s25 =	spop (v2sf)  }
0x37d: {  	[smem:s19+$0x3] =	sst s24;
	s26 =	spop (v2sf)  }
0x37e: {  	s23 =	sld [smem:$0x7D]  }
0x37f: {  	s22 =	sld [smem:$0x7F];
	_ =	sdelay $0x1  }
0x380: {  	s20 =	simm.s32 $0x0;
	p0 =	por $0x1, $0x1;
	s0 =	ssub.s32 s26, s25  }
0x381: {  	s29 =	simm.s32 $0x7D;
	s21 =	sadd.s32 s17, s0;
	s25 =	sadd.s32 $0x0, s22  }
0x382: {  	s24 =	simm.s32 $0x7F;
	s30 =	sld [smem:$0x7E];
	p1 =	sle.s32 s21, s25  }
0x383: {  	s19 =	simm.s32 $0x0;
	s17 =	simm.s32 $0x0;
	p0 =	por !p0, !p1  }
0x384: {  	s28 =	ssub.s32 s21, s20;
	s31 =	sld [smem:$0x7C];
	p2 =	por !p0, !p0  }
0x385: {  	s22 =	simm.s32 $0x0;
	s0 =	sadd.s32 s30, s25;
	s17 =	simm.s32 @p2 $0x1  }
0x386: {  	s25 =	ssub.s32 s21, s25;
	p6 =	sle.s32 s21, s0;
	p3 =	seq.s32 s17, $0x0  }
0x387: {  	s26 =	sadd.s32 s23, s0;
	s0 =	ssub.s32 s21, s0;
	p1 =	por !p6, !p3  }
0x388: {  	s23 =	sadd.s32 s31, s26;
	p4 =	sle.s32 s21, s26;
	p1 =	por !p1, !p1  }
0x389: {  	s26 =	ssub.s32 s21, s26;
	s19 =	smov.u32 @p2 s28;
	s17 =	simm.s32 @p1 $0x1  }
0x38a: {  	p0 =	sge.s32 s23, s21;
	s20 =	smov.u32 @p2 s24;
	p5 =	seq.s32 s17, $0x0  }
0x38b: {  	s28 =	simm.s32 $0x7E;
	s19 =	smov.u32 @p1 s25;
	p6 =	por !p4, !p5  }
0x38c: {  	s20 =	smov.u32 @p1 s28;
	s25 =	simm.s32 $0x7B;
	p2 =	por !p6, !p6  }
0x38d: {  	s28 =	simm.s32 $0x7B;
	s17 =	simm.s32 @p2 $0x1;
	s19 =	smov.u32 @p2 s0  }
.LBB2_40:
0x38e: {  	s0 =	sld [smem:s28+$0xFFFFFFFE]  }
0x38f: {  	s20 =	smov.u32 @p2 s29;
	p1 =	seq.s32 s17, $0x0;
	s22 =	sadd.s32 $0x4, s22  }
0x390: {  	s24 =	sadd.s32 $0xFFFFFFFD, s24;
	s29 =	sld [smem:s28+$0x0];
	p0 =	por !p0, !p1  }
0x391: {  	p1 =	slt.u32 s22, $0x7C;
	s30 =	sld [smem:s28+$0xFFFFFFFF];
	p0 =	por !p0, !p0  }
0x392: {  	s17 =	simm.s32 @p0 $0x1;
	s19 =	smov.u32 @p0 s26;
	s20 =	smov.u32 @p0 s24  }
0x393: {  	s29 =	sadd.s32 s23, s29;
	s26 =	sld [smem:s28+$0xFFFFFFFD];
	p0 =	seq.s32 s17, $0x0  }
0x394: {  	p2 =	sle.s32 s21, s29;
	s24 =	sadd.s32 s30, s29;
	s30 =	ssub.s32 s21, s23  }
0x395: {  	p0 =	por !p0, !p2;
	p3 =	sle.s32 s21, s24;
	s0 =	sadd.s32 s0, s24  }
0x396: {  	p2 =	por !p0, !p0;
	s23 =	sadd.s32 s26, s0;
	s26 =	ssub.s32 s21, s0  }
0x397: {  	s17 =	simm.s32 @p2 $0x1;
	s19 =	smov.u32 @p2 s30;
	p0 =	sge.s32 s23, s21  }
0x398: {  	s20 =	smov.u32 @p2 s25;
	p2 =	sle.s32 s21, s0;
	p4 =	seq.s32 s17, $0x0  }
0x399: {  	s30 =	ssub.s32 s21, s24;
	s0 =	ssub.s32 s21, s29;
	p3 =	por !p3, !p4  }
0x39a: {  	s24 =	smov.u32 s25;
	s29 =	sadd.s32 $0xFFFFFFFF, s25;
	p3 =	por !p3, !p3  }
.Ltmp21:
0x39b: {  	s17 =	simm.s32 @p3 $0x1;
	s19 =	smov.u32 @p3 s0;
	(pc) =	sbr.rel @p1 .LBB2_40-.Ltmp21, $4  }
0x39c: {  	s20 =	smov.u32 @p3 s29;
	p3 =	seq.s32 s17, $0x0  }
0x39d: {  	p2 =	por !p2, !p3  }
0x39e: {  	s28 =	sadd.s32 $0xFFFFFFFC, s28;
	s25 =	sadd.s32 $0xFFFFFFFC, s25;
	p2 =	por !p2, !p2  }
0x39f: {  	s29 =	sadd.s32 $0xFFFFFFFE, s24;
	s17 =	simm.s32 @p2 $0x1;
	s19 =	smov.u32 @p2 s30  }
0x3a0: {  	p1 =	seq.s32 s17, $0x0  }
0x3a1: {  	p0 =	por !p0, !p1  }
0x3a2: {  	s20 =	smov.u32 @p2 s29;
	s0 =	sadd.s32 $0xFFFFFFFD, s24;
	p0 =	por !p0, !p0  }
0x3a3: {  	s20 =	smov.u32 @p0 s0  }
0x3a4: {  	s21 =	sshll.u32 s20, $0x4  }
0x3a5: {  	v4 =	vld [tilespmem:s21+$0x18000];
	_ =	sdelay $0x4  }
0x3a6: {  	(xrf0) =	vadd.scan.msk.s32 $0xffff, v4;
	_ =	sdelay $0x3  }
0x3a7: {  	s20 =	simm.s32 $0x18040  }
0x3a8: {  	[tilespmem:s20+$0xFFFFFFC0] =	vst v0  }
0x3a9: {  	[tilespmem:s20+$0x30] =	vst v0;
	v3, _, _ =	vpop (xrf0)  }
0x3aa: {  	[tilespmem:s20+$0x20] =	vst v0;
	v5 =	vbroadcast v3, $0xF  }
0x3ab: {  	[tilespmem:s20+$0x10] =	vst v0;
	v4 =	vsub.s32 v4, v3  }
0x3ac: {  	s19 =	smov.u32 @p0 s26;
	[tilespmem:s20+$0x0] =	vst v0;
	v4 =	vadd.s32 v5, v4  }
0x3ad: {  	[tilespmem:s20+$0xFFFFFFF0] =	vst v0;
	vm0 =	vge.s32 v4, s19  }
0x3ae: {  	s22 =	simm.s32 $0x0;
	s17 =	simm.s32 @p0 $0x1;
	[tilespmem:s20+$0xFFFFFFE0] =	vst v0;
	v4 =	vmpcnt.ones.xlane vm0  }
.LBB2_42:
0x3af: {  	s22 =	sadd.s32 $0x8, s22;
	[tilespmem:s20+$0xFFFFFFD0] =	vst v0;
	s20 =	sadd.s32 $0x80, s20  }
0x3b0: {  	[tilespmem:s20+$0xFFFFFFC0] =	vst v0;
	p0 =	slt.u32 s22, $0x18  }
0x3b1: {  	[tilespmem:s20+$0x30] =	vst v0  }
.Ltmp22:
0x3b2: {  	[tilespmem:s20+$0x20] =	vst v0;
	(pc) =	sbr.rel @p0 .LBB2_42-.Ltmp22, $4  }
0x3b3: {  	[tilespmem:s20+$0x10] =	vst v0  }
0x3b4: {  	[tilespmem:s20+$0x0] =	vst v0  }
0x3b5: {  	[tilespmem:s20+$0xFFFFFFF0] =	vst v0  }
0x3b6: {  	[tilespmem:s20+$0xFFFFFFE0] =	vst v0  }
0x3b7: {  	(v2sf) =	vpush v4, $0x0;
	_ =	sdelay $0xc  }
0x3b8: {  	[tilespmem:s20+$0xFFFFFFD0] =	vst v0;
	s0 =	simm.s32 $0x10040  }
0x3b9: {  	v5 =	vld [tilespmem:s0+$0x30]  }
0x3ba: {  	v6 =	vld [tilespmem:s0+$0xFFFFFFD0];
	s31 =	spop (v2sf)  }
0x3bb: {  	v8 =	vld [tilespmem:s0+$0xFFFFFFF0];
	s20 =	sadd.s32 $0xFFFFFFFF, s31  }
0x3bc: {  	s18 =	sshll.u32 s18, $0xB;
	v7 =	vld [tilespmem:s0+$0xFFFFFFE0];
	s21 =	sadd.s32 s21, s20  }
0x3bd: {  	s18 =	sor.u32 s18, s21  }
0x3be: {  	v9 =	vshra.s32 v5, $0x9;
	v4 =	vmov s18  }
0x3bf: {  	v10 =	vld [tilespmem:s0+$0x0];
	v11 =	vshra.s32 v6, $0x9;
	v5 =	vand.u32 $0x1FF, v5;
	vm1 =	veq.s32 v9, v4  }
0x3c0: {  	v12 =	vand.u32 $0x1FF, v6;
	v6 =	vshra.s32 v8, $0x9;
	v9 =	vld [tilespmem:s0+$0x10];
	vm2 =	veq.s32 v11, v4  }
0x3c1: {  	v13 =	vld [tilespmem:s0+$0x20];
	v11 =	vshra.s32 v7, $0x9;
	vm4 =	veq.s32 v6, v4  }
0x3c2: {  	v14 =	vand.u32 $0x1FF, v8;
	vm3 =	veq.s32 v11, v4;
	v11 =	vld [tilespmem:s0+$0xFFFFFFC0]  }
0x3c3: {  	v7 =	vand.u32 $0x1FF, v7  }
0x3c4: {  	v6 =	vshra.s32 v10, $0x9  }
0x3c5: {  	vm0 =	veq.s32 v6, v4;
	v6 =	vshra.s32 v9, $0x9;
	[tilespmem:v5+s12+$0x0] =	vst.idx.add.s32.msk vm1, v1  }
0x3c6: {  	v5 =	vand.u32 $0x1FF, v10;
	vm1 =	veq.s32 v6, v4;
	v6 =	vand.u32 $0x1FF, v9;
	[tilespmem:v12+s12+$0x0] =	vst.idx.add.s32.msk vm2, v1  }
0x3c7: {  	v9 =	vshra.s32 v13, $0x9;
	v10 =	vshra.s32 v11, $0x9;
	v8 =	vand.u32 $0x1FF, v11;
	[tilespmem:v14+s12+$0x0] =	vst.idx.add.s32.msk vm4, v1  }
0x3c8: {  	s22 =	simm.s32 $0x0;
	s23 =	simm.s32 $0x100C0;
	[tilespmem:v7+s12+$0x0] =	vst.idx.add.s32.msk vm3, v1;
	vm2 =	veq.s32 v9, v4;
	vm3 =	veq.s32 v10, v4;
	v7 =	vand.u32 $0x1FF, v13  }
.LBB2_44:
0x3c9: {  	v9 =	vld [tilespmem:s23+$0x30];
	s22 =	sadd.s32 $0x8, s22  }
0x3ca: {  	v10 =	vld [tilespmem:s23+$0xFFFFFFD0];
	p0 =	slt.u32 s22, $0x7F8  }
0x3cb: {  	v11 =	vld [tilespmem:s23+$0xFFFFFFE0]  }
0x3cc: {  	v12 =	vld [tilespmem:s23+$0xFFFFFFF0]  }
0x3cd: {  	v13 =	vld [tilespmem:s23+$0x0]  }
0x3ce: {  	v14 =	vld [tilespmem:s23+$0x10];
	v15 =	vshra.s32 v9, $0x9  }
0x3cf: {  	v16 =	vshra.s32 v10, $0x9;
	v10 =	vand.u32 $0x1FF, v10;
	v17 =	vld [tilespmem:s23+$0x20];
	vm4 =	veq.s32 v15, v4  }
0x3d0: {  	v9 =	vand.u32 $0x1FF, v9;
	v15 =	vld [tilespmem:s23+$0xFFFFFFC0];
	vm5 =	veq.s32 v16, v4;
	v16 =	vshra.s32 v11, $0x9  }
0x3d1: {  	v11 =	vand.u32 $0x1FF, v11;
	vm6 =	veq.s32 v16, v4;
	v16 =	vshra.s32 v12, $0x9;
	[tilespmem:v8+s12+$0x0] =	vst.idx.add.s32.msk vm3, v1  }
0x3d2: {  	v12 =	vand.u32 $0x1FF, v12;
	vm7 =	veq.s32 v16, v4;
	v8 =	vshra.s32 v13, $0x9;
	[tilespmem:v5+s12+$0x0] =	vst.idx.add.s32.msk vm0, v1  }
0x3d3: {  	v5 =	vand.u32 $0x1FF, v13;
	vm0 =	veq.s32 v8, v4;
	v8 =	vshra.s32 v14, $0x9;
	[tilespmem:v6+s12+$0x0] =	vst.idx.add.s32.msk vm1, v1  }
.Ltmp23:
0x3d4: {  	v6 =	vand.u32 $0x1FF, v14;
	vm1 =	veq.s32 v8, v4;
	v13 =	vshra.s32 v17, $0x9;
	[tilespmem:v7+s12+$0x0] =	vst.idx.add.s32.msk vm2, v1;
	(pc) =	sbr.rel @p0 .LBB2_44-.Ltmp23, $4  }
0x3d5: {  	s24 =	simm.s32 $0x18040;
	s21 =	simm.s32 $0x4;
	v7 =	vshra.s32 v15, $0x9;
	v8 =	vand.u32 $0x1FF, v15;
	vm2 =	veq.s32 v13, v4;
	[tilespmem:v9+s12+$0x0] =	vst.idx.add.s32.msk vm4, v1  }
0x3d6: {  	vm3 =	veq.s32 v7, v4;
	[tilespmem:v10+s12+$0x0] =	vst.idx.add.s32.msk vm5, v1;
	v7 =	vand.u32 $0x1FF, v17  }
0x3d7: {  	[tilespmem:v11+s12+$0x0] =	vst.idx.add.s32.msk vm6, v1  }
0x3d8: {  	s23 =	sadd.s32 $0x80, s23;
	[tilespmem:v12+s12+$0x0] =	vst.idx.add.s32.msk vm7, v1  }
0x3d9: {  	_ =	sdelay $0x4  }
0x3da: {  	[tilespmem:v8+s12+$0x0] =	vst.idx.add.s32.msk vm3, v1  }
0x3db: {  	[tilespmem:v5+s12+$0x0] =	vst.idx.add.s32.msk vm0, v1  }
0x3dc: {  	[tilespmem:v6+s12+$0x0] =	vst.idx.add.s32.msk vm1, v1  }
0x3dd: {  	[tilespmem:v7+s12+$0x0] =	vst.idx.add.s32.msk vm2, v1  }
0x3de: {  	v4 =	vld [tilespmem:s24+$0xFFFFFFC0];
	_ =	sdelay $0x1  }
0x3df: {  	v5 =	vld [tilespmem:s24+$0xFFFFFFD0]  }
0x3e0: {  	v6 =	vld [tilespmem:s24+$0xFFFFFFE0]  }
0x3e1: {  	v7 =	vld [tilespmem:s24+$0xFFFFFFF0]  }
0x3e2: {  	v8 =	vld [tilespmem:s24+$0x0];
	(xrf0) =	vadd.scan.msk.s32 $0xffff, v4  }
0x3e3: {  	v4 =	vld [tilespmem:s24+$0x10]  }
0x3e4: {  	(xrf0) =	vadd.scan.msk.s32 $0xffff, v5  }
0x3e5: {  	v9 =	vld [tilespmem:s24+$0x20];
	(xrf0) =	vadd.scan.msk.s32 $0xffff, v6  }
0x3e6: {  	s0 =	simm.s32 $0x180C0;
	v5 =	vld [tilespmem:s24+$0x30];
	(xrf0) =	vadd.scan.msk.s32 $0xffff, v7  }
0x3e7: {  	v6 =	vld [tilespmem:s0+$0xFFFFFFC0];
	(xrf0) =	vadd.scan.msk.s32 $0xffff, v8  }
0x3e8: {  	v7 =	vld [tilespmem:s0+$0xFFFFFFD0];
	(xrf0) =	vadd.scan.msk.s32 $0xffff, v4;
	v4, _, _ =	vpop (xrf0)  }
0x3e9: {  	v8 =	vld [tilespmem:s0+$0xFFFFFFE0];
	(v2sf) =	vpush v4, $0xF  }
0x3ea: {  	(xrf0) =	vadd.scan.msk.s32 $0xffff, v9;
	v4 =	vld [tilespmem:s0+$0xFFFFFFF0];
	v60, _, _ =	vpop (xrf0)  }
0x3eb: {  	(xrf0) =	vadd.scan.msk.s32 $0xffff, v5;
	v5 =	vld [tilespmem:s0+$0x0];
	(v2sf) =	vpush v60, $0xF  }
0x3ec: {  	v10 =	vld [tilespmem:s0+$0x10];
	v61, _, _ =	vpop (xrf0);
	(xrf0) =	vadd.scan.msk.s32 $0xffff, v6  }
0x3ed: {  	v62 =	vld [tilespmem:s0+$0x20];
	(v2sf) =	vpush v61, $0xF;
	v6, _, _ =	vpop (xrf0);
	(xrf0) =	vadd.scan.msk.s32 $0xffff, v7  }
0x3ee: {  	v7 =	vld [tilespmem:s0+$0x30];
	(v2sf) =	vpush v6, $0xF;
	v6, _, _ =	vpop (xrf0);
	(xrf0) =	vadd.scan.msk.s32 $0xffff, v8  }
0x3ef: {  	(v2sf) =	vpush v6, $0xF;
	v6, _, _ =	vpop (xrf0);
	(xrf0) =	vadd.scan.msk.s32 $0xffff, v4  }
0x3f0: {  	s30 =	simm.s32 $0x18140;
	(v2sf) =	vpush v6, $0xF;
	v4, _, _ =	vpop (xrf0);
	(xrf0) =	vadd.scan.msk.s32 $0xffff, v5  }
0x3f1: {  	(v2sf) =	vpush v4, $0xF;
	v4, _, _ =	vpop (xrf0);
	v5 =	vld [tilespmem:s30+$0xFFFFFFC0];
	(xrf0) =	vadd.scan.msk.s32 $0xffff, v10  }
0x3f2: {  	v6 =	vld [tilespmem:s30+$0xFFFFFFD0];
	(v2sf) =	vpush v4, $0xF;
	v4, _, _ =	vpop (xrf0);
	(xrf0) =	vadd.scan.msk.s32 $0xffff, v62  }
0x3f3: {  	v8 =	vld [tilespmem:s30+$0xFFFFFFE0];
	(v2sf) =	vpush v4, $0xF;
	v4, _, _ =	vpop (xrf0);
	(xrf0) =	vadd.scan.msk.s32 $0xffff, v7  }
0x3f4: {  	v7 =	vld [tilespmem:s30+$0xFFFFFFF0];
	(v2sf) =	vpush v4, $0xF;
	v4, _, _ =	vpop (xrf0)  }
0x3f5: {  	(v2sf) =	vpush v4, $0xF;
	v4, _, _ =	vpop (xrf0)  }
0x3f6: {  	v63 =	vld [tilespmem:s30+$0x0];
	(xrf0) =	vadd.scan.msk.s32 $0xffff, v5;
	(v2sf) =	vpush v4, $0xF;
	v5, _, _ =	vpop (xrf0)  }
0x3f7: {  	v4 =	vld [tilespmem:s30+$0x10];
	(xrf0) =	vadd.scan.msk.s32 $0xffff, v6;
	(v2sf) =	vpush v5, $0xF;
	v5, _, _ =	vpop (xrf0)  }
0x3f8: {  	v6 =	vld [tilespmem:s30+$0x20];
	(xrf0) =	vadd.scan.msk.s32 $0xffff, v8;
	(v2sf) =	vpush v5, $0xF;
	v8, _, _ =	vpop (xrf0);
	s31 =	spop (v2sf)  }
0x3f9: {  	v5 =	vld [tilespmem:s30+$0x30];
	(xrf0) =	vadd.scan.msk.s32 $0xffff, v7;
	(v2sf) =	vpush v8, $0xF;
	v7, _, _ =	vpop (xrf0);
	[smem:$0x0] =	sst s31  }
0x3fa: {  	s0 =	spop (v2sf);
	(v2sf) =	vpush v7, $0xF;
	_ =	sdelay $0x3  }
0x3fb: {  	(xrf0) =	vadd.scan.msk.s32 $0xffff, v63;
	[smem:$0x1] =	sst s0  }
0x3fc: {  	s22 =	simm.s32 $0x10;
	s23 =	simm.s32 $0x181C0;
	s24 =	spop (v2sf)  }
.LBB2_46:
0x3fd: {  	v7 =	vld [tilespmem:s23+$0xFFFFFFC0];
	(xrf0) =	vadd.scan.msk.s32 $0xffff, v4;
	[smem:s21+$0xFFFFFFFE] =	sst s24;
	s0 =	spop (v2sf)  }
0x3fe: {  	v8 =	vld [tilespmem:s23+$0xFFFFFFD0];
	v4, _, _ =	vpop (xrf0);
	(xrf0) =	vadd.scan.msk.s32 $0xffff, v6;
	[smem:s21+$0xFFFFFFFF] =	sst s0;
	s0 =	spop (v2sf)  }
0x3ff: {  	v9 =	vld [tilespmem:s23+$0xFFFFFFE0];
	(v2sf) =	vpush v4, $0xF;
	v4, _, _ =	vpop (xrf0);
	(xrf0) =	vadd.scan.msk.s32 $0xffff, v5;
	[smem:s21] =	sst s0;
	s0 =	spop (v2sf)  }
0x400: {  	s22 =	sadd.s32 $0x8, s22;
	v10 =	vld [tilespmem:s23+$0xFFFFFFF0];
	(v2sf) =	vpush v4, $0xF;
	v4, _, _ =	vpop (xrf0);
	[smem:s21+$0x1] =	sst s0;
	s0 =	spop (v2sf)  }
0x401: {  	p0 =	slt.u32 s22, $0x18;
	v11 =	vld [tilespmem:s23+$0x0];
	(v2sf) =	vpush v4, $0xF;
	v5, _, _ =	vpop (xrf0);
	[smem:s21+$0x2] =	sst s0;
	s0 =	spop (v2sf)  }
.Ltmp24:
0x402: {  	v4 =	vld [tilespmem:s23+$0x10];
	(xrf0) =	vadd.scan.msk.s32 $0xffff, v7;
	(v2sf) =	vpush v5, $0xF;
	v5, _, _ =	vpop (xrf0);
	[smem:s21+$0x3] =	sst s0;
	(pc) =	sbr.rel @p0 .LBB2_46-.Ltmp24, $4  }
0x403: {  	v6 =	vld [tilespmem:s23+$0x20];
	(xrf0) =	vadd.scan.msk.s32 $0xffff, v8;
	(v2sf) =	vpush v5, $0xF;
	v7, _, _ =	vpop (xrf0)  }
0x404: {  	s21 =	sadd.s32 $0x8, s21;
	v5 =	vld [tilespmem:s23+$0x30];
	(xrf0) =	vadd.scan.msk.s32 $0xffff, v9;
	(v2sf) =	vpush v7, $0xF;
	v7, _, _ =	vpop (xrf0);
	s0 =	spop (v2sf)  }
0x405: {  	(xrf0) =	vadd.scan.msk.s32 $0xffff, v10;
	(v2sf) =	vpush v7, $0xF;
	v7, _, _ =	vpop (xrf0);
	[smem:s21+$0xFFFFFFFC] =	sst s0;
	s0 =	spop (v2sf)  }
0x406: {  	s23 =	sadd.s32 $0x80, s23;
	(xrf0) =	vadd.scan.msk.s32 $0xffff, v11;
	(v2sf) =	vpush v7, $0xF;
	[smem:s21+$0xFFFFFFFD] =	sst s0;
	s24 =	spop (v2sf)  }
0x407: {  	(xrf0) =	vadd.scan.msk.s32 $0xffff, v4  }
0x408: {  	v55 =	vmov s20;
	v54, _, _ =	vpop (xrf0);
	(xrf0) =	vadd.scan.msk.s32 $0xffff, v6  }
0x409: {  	vm0 =	veq.s32 v55, v2;
	(v2sf) =	vpush v54, $0xF;
	v56, _, _ =	vpop (xrf0);
	(xrf0) =	vadd.scan.msk.s32 $0xffff, v5  }
0x40a: {  	v58 =	vnsel vm0, $0x0, v3;
	(v2sf) =	vpush v56, $0xF;
	v57, _, _ =	vpop (xrf0)  }
0x40b: {  	s0 =	spop (v2sf);
	(xrf0) =	vadd.scan.msk.s32 $0xffff, v58;
	(v2sf) =	vpush v57, $0xF;
	v59, _, _ =	vpop (xrf0)  }
0x40c: {  	[smem:s21+$0xFFFFFFFE] =	sst s24;
	s31 =	spop (v2sf);
	(v2sf) =	vpush v59, $0xF;
	v60, _, _ =	vpop (xrf0)  }
0x40d: {  	[smem:s21+$0xFFFFFFFF] =	sst s0;
	s22 =	spop (v2sf);
	(v2sf) =	vpush v60, $0xF;
	v61, _, _ =	vpop (xrf0)  }
0x40e: {  	[smem:s21] =	sst s31;
	s23 =	spop (v2sf);
	(v2sf) =	vpush v61, $0xF;
	v62, _, _ =	vpop (xrf0)  }
0x40f: {  	[smem:s21+$0x1] =	sst s22;
	s24 =	spop (v2sf);
	(v2sf) =	vpush v62, $0xF;
	v63, _, _ =	vpop (xrf0)  }
0x410: {  	[smem:s21+$0x2] =	sst s23;
	s25 =	spop (v2sf);
	(v2sf) =	vpush v63, $0xF  }
0x411: {  	s0 =	sadd.s32 $0x8, s21;
	[smem:s21+$0x3] =	sst s24;
	s26 =	spop (v2sf);
	(v2sf) =	vpush v3, $0xF;
	v3, _, _ =	vpop (xrf0)  }
0x412: {  	[smem:s0+$0xFFFFFFFC] =	sst s25;
	s31 =	spop (v2sf);
	(v2sf) =	vpush v3, $0xF  }
0x413: {  	[smem:s0+$0xFFFFFFFD] =	sst s26;
	s22 =	spop (v2sf)  }
0x414: {  	[smem:s0+$0xFFFFFFFE] =	sst s31;
	s21 =	spop (v2sf)  }
0x415: {  	[smem:s0+$0xFFFFFFFF] =	sst s22;
	s22 =	spop (v2sf)  }
0x416: {  	[smem:s0] =	sst s21;
	s23 =	spop (v2sf)  }
0x417: {  	[smem:s0+$0x1] =	sst s22;
	s24 =	spop (v2sf)  }
0x418: {  	[smem:s0+$0x2] =	sst s23;
	s25 =	spop (v2sf)  }
0x419: {  	[smem:s0+$0x3] =	sst s24;
	s0 =	sadd.s32 $0x8, s0;
	s26 =	spop (v2sf)  }
0x41a: {  	[smem:s0+$0xFFFFFFFC] =	sst s25;
	s31 =	spop (v2sf)  }
0x41b: {  	[smem:s0+$0xFFFFFFFD] =	sst s26;
	s22 =	spop (v2sf)  }
0x41c: {  	[smem:s0+$0xFFFFFFFE] =	sst s31;
	s23 =	spop (v2sf)  }
0x41d: {  	[smem:s0+$0xFFFFFFFF] =	sst s22;
	s24 =	spop (v2sf)  }
0x41e: {  	[smem:s0] =	sst s23;
	s25 =	spop (v2sf)  }
0x41f: {  	[smem:s0+$0x1] =	sst s24;
	s26 =	spop (v2sf)  }
0x420: {  	[smem:s0+$0x2] =	sst s25;
	s31 =	spop (v2sf)  }
0x421: {  	[smem:s0+$0x3] =	sst s26;
	s21 =	spop (v2sf)  }
0x422: {  	s22 =	sld [smem:$0x1D]  }
0x423: {  	s23 =	sld [smem:$0x1F];
	_ =	sdelay $0x1  }
0x424: {  	s20 =	simm.s32 $0x0;
	p0 =	por $0x1, $0x1;
	s0 =	ssub.s32 s21, s31  }
0x425: {  	s30 =	simm.s32 $0x1D;
	s21 =	sadd.s32 s19, s0;
	s26 =	sadd.s32 $0x0, s23  }
0x426: {  	s25 =	simm.s32 $0x1F;
	s24 =	sld [smem:$0x1E];
	p1 =	sle.s32 s21, s26  }
0x427: {  	s19 =	simm.s32 $0x0;
	s29 =	ssub.s32 s21, s20;
	p0 =	por !p0, !p1  }
0x428: {  	s31 =	sld [smem:$0x1C];
	s23 =	simm.s32 $0x0;
	p2 =	por !p0, !p0  }
0x429: {  	s0 =	sadd.s32 s24, s26;
	s26 =	ssub.s32 s21, s26;
	s19 =	simm.s32 @p2 $0x1  }
0x42a: {  	p6 =	sle.s32 s21, s0;
	s28 =	sadd.s32 s22, s0;
	p3 =	seq.s32 s19, $0x0  }
0x42b: {  	s22 =	simm.s32 $0x0;
	s0 =	ssub.s32 s21, s0;
	p1 =	por !p6, !p3  }
0x42c: {  	s24 =	sadd.s32 s31, s28;
	p4 =	sle.s32 s21, s28;
	p1 =	por !p1, !p1  }
0x42d: {  	s22 =	smov.u32 @p2 s29;
	p0 =	sge.s32 s24, s21;
	s19 =	simm.s32 @p1 $0x1  }
0x42e: {  	s20 =	smov.u32 @p2 s25;
	s29 =	ssub.s32 s21, s28;
	p5 =	seq.s32 s19, $0x0  }
0x42f: {  	s28 =	simm.s32 $0x1E;
	s22 =	smov.u32 @p1 s26;
	p6 =	por !p4, !p5  }
0x430: {  	s20 =	smov.u32 @p1 s28;
	s26 =	simm.s32 $0x1B;
	p2 =	por !p6, !p6  }
0x431: {  	s28 =	simm.s32 $0x1B;
	s19 =	simm.s32 @p2 $0x1;
	s22 =	smov.u32 @p2 s0  }
.LBB2_48:
0x432: {  	s0 =	sld [smem:s28+$0xFFFFFFFE]  }
0x433: {  	s20 =	smov.u32 @p2 s30;
	p1 =	seq.s32 s19, $0x0;
	s23 =	sadd.s32 $0x4, s23  }
0x434: {  	s25 =	sadd.s32 $0xFFFFFFFD, s25;
	s30 =	sld [smem:s28+$0x0];
	p0 =	por !p0, !p1  }
0x435: {  	p1 =	slt.u32 s23, $0x1C;
	s31 =	sld [smem:s28+$0xFFFFFFFF];
	p0 =	por !p0, !p0  }
0x436: {  	s19 =	simm.s32 @p0 $0x1;
	s22 =	smov.u32 @p0 s29;
	s20 =	smov.u32 @p0 s25  }
0x437: {  	s30 =	sadd.s32 s24, s30;
	s29 =	sld [smem:s28+$0xFFFFFFFD];
	p0 =	seq.s32 s19, $0x0  }
0x438: {  	p2 =	sle.s32 s21, s30;
	s25 =	sadd.s32 s31, s30;
	s31 =	ssub.s32 s21, s24  }
0x439: {  	p0 =	por !p0, !p2;
	p3 =	sle.s32 s21, s25;
	s0 =	sadd.s32 s0, s25  }
0x43a: {  	p2 =	por !p0, !p0;
	s24 =	sadd.s32 s29, s0;
	s29 =	ssub.s32 s21, s0  }
0x43b: {  	s19 =	simm.s32 @p2 $0x1;
	s22 =	smov.u32 @p2 s31;
	p0 =	sge.s32 s24, s21  }
0x43c: {  	s20 =	smov.u32 @p2 s26;
	p2 =	sle.s32 s21, s0;
	p4 =	seq.s32 s19, $0x0  }
0x43d: {  	s31 =	ssub.s32 s21, s25;
	s0 =	ssub.s32 s21, s30;
	p3 =	por !p3, !p4  }
0x43e: {  	s25 =	smov.u32 s26;
	s30 =	sadd.s32 $0xFFFFFFFF, s26;
	p3 =	por !p3, !p3  }
.Ltmp25:
0x43f: {  	s19 =	simm.s32 @p3 $0x1;
	s22 =	smov.u32 @p3 s0;
	(pc) =	sbr.rel @p1 .LBB2_48-.Ltmp25, $4  }
0x440: {  	s20 =	smov.u32 @p3 s30;
	p3 =	seq.s32 s19, $0x0  }
0x441: {  	p2 =	por !p2, !p3  }
0x442: {  	s28 =	sadd.s32 $0xFFFFFFFC, s28;
	s26 =	sadd.s32 $0xFFFFFFFC, s26;
	p2 =	por !p2, !p2  }
0x443: {  	s30 =	sadd.s32 $0xFFFFFFFE, s25;
	s19 =	simm.s32 @p2 $0x1;
	s22 =	smov.u32 @p2 s31  }
0x444: {  	p1 =	seq.s32 s19, $0x0  }
0x445: {  	p0 =	por !p0, !p1  }
0x446: {  	s20 =	smov.u32 @p2 s30;
	s0 =	sadd.s32 $0xFFFFFFFD, s25;
	p0 =	por !p0, !p0  }
0x447: {  	s20 =	smov.u32 @p0 s0  }
0x448: {  	s0 =	sshll.u32 s20, $0x4  }
0x449: {  	v3 =	vld [tilespmem:s0+$0x18000];
	_ =	sdelay $0x4  }
0x44a: {  	(xrf0) =	vadd.scan.msk.s32 $0xffff, v3;
	_ =	sdelay $0x5  }
0x44b: {  	v4, _, _ =	vpop (xrf0)  }
0x44c: {  	v5 =	vbroadcast v4, $0xF  }
0x44d: {  	v3 =	vsub.s32 v3, v4  }
0x44e: {  	s22 =	smov.u32 @p0 s29;
	v3 =	vadd.s32 v5, v3  }
0x44f: {  	vm0 =	vge.s32 v3, s22  }
0x450: {  	v3 =	vmpcnt.ones.xlane vm0;
	_ =	sdelay $0x1  }
0x451: {  	(v2sf) =	vpush v3, $0x0;
	_ =	sdelay $0xe  }
0x452: {  	s31 =	spop (v2sf)  }
0x453: {  	s0 =	sadd.s32 s31, s0  }
0x454: {  	s18 =	sshll.u32 s18, $0x9;
	s19 =	simm.s32 @p0 $0x1;
	s0 =	sadd.s32 $0xFFFFFFFF, s0  }
0x455: {  	p0 =	seq.s32 s19, $0x1;
	s0 =	sor.u32 s18, s0  }
0x456: {  	p1 =	seq.s32 s17, $0x1;
	s0 =	simm.s32 @!p0 $0x0  }
0x457: {  	p0 =	seq.s32 s16, $0x1;
	s0 =	simm.s32 @!p1 $0x0  }
0x458: {  	s15 =	sadd.s32 $0x1, s15;
	s0 =	simm.s32 @!p0 $0x0  }
0x459: {  	p0 =	sne.s32 s15, s7;
	v3 =	vmov s0  }
.Ltmp26:
0x45a: {  	[tilespmem:$0x18800] =	vst v3;
	(pc) =	sbr.rel @p0 .LBB2_1-.Ltmp26, $4  }
0x45b: {  	[hbm4b:s6+s2] =	stream.linear.scatter [tilespmem:s13], [sflag:$0x2], $0x80, $0x38;
	[tilespmem:$0x18880] =	vst v63  }
0x45c: {  	_ =	swait.ge [sflag:s14], $0x80  }
0x45d: {  	[sflag:s14] =	ssyncset.done $0x0  }
0x45e: {  	[sflag:s14] =	ssyncadd.s32 $0xFFFFFF80  }
0x45f: {  	_ =	sfence.sel $0x180000  }
0x460: {  	[bflag:$0x0] =	sbarrier.arrive $0xFFFF  }
0x461: {  	_ =	strace $0x90000047  }
0x462: {  	[bflag:$0x2] =	sbarrier.arrive $0xFFFF  }
0x463: {  	p0 =	sne.s32 s1, $0x0;
	s0 =	rddreg [dreg:$0x2]  }
0x464: {  	s0 =	sadd.s32 @!p0 $0x100000, s0  }
0x465: {  	[sflag:s0] =	ssyncadd.tile.s32 @!p0 $0x1;
	_ =	shalt  }
.Lfunc_end2:
_tile_overlayer_lowered:
.L_overlay_start_2:
0x466: {  	(tag) =	ssettag $0x2  }
0x467: {  	s0 =	rddreg [dreg:$0x0];
	s2 =	stileid.u32  }
0x468: {  	s1 =	rddreg [dreg:$0x1];
	p0 =	sne.s32 s2, $0x0  }
0x469: {  	s3 =	rddreg [dreg:$0x2];
	[bflag:$0x3] =	sbarrier.arrive $0xFFFF;
	s2 =	simm.s32 @!p0 $0x1C03  }
0x46a: {  	[timem:s3], [sflag:s2] =	dma.local @!p0 [hbm:s0], s1  }
0x46b: {  	s0 =	simm.s32 @!p0 $0x3  }
0x46c: {  	_ =	swait.ge @!p0 [sflag:s0], s1  }
0x46d: {  	s1 =	ssub.s32 @!p0 $0x0, s1;
	[sflag:s0] =	ssyncset.done @!p0 $0x0  }
0x46e: {  	[sflag:s0] =	ssyncadd.s32 @!p0 s1  }
0x46f: {  	[bflag:$0x3] =	sbarrier.arrive $0xFFFF  }
0x470: {  	_ =	shalt  }

</sc_bundles>
